<compile_context>
chip_gen: v7x
topology: tpu7x:2x2x1
jax: 0.10.2.dev20260603
libtpu: 0.0.44.dev20260713+nightly
codegen_flags: <defaults>
</compile_context>

<pallas_src>
import functools

import jax
import jax.numpy as jnp
from jax import lax
from jax.experimental import pallas as pl
from jax.experimental.pallas import tpu as pltpu
from jax.experimental.pallas import tpu_sc as plsc

TOKENS = 16384
D_MODEL = 4096
N_NEURONS = 64
TOP_K = 8
BLK = 1024

_NC = 2
_NS = 16
_NW = _NC * _NS
T_TILE = TOKENS // _NW


def _logits_body(x_ref, w_ref, b_ref, out_ref):
    out_ref[...] = (
        jax.lax.dot_general(
            x_ref[...], w_ref[...], (((1,), (1,)), ((), ())),
            preferred_element_type=jnp.float32,
        )
        + b_ref[...]
    )


def _tc_logits(x, W, b):
    return pl.pallas_call(
        _logits_body,
        grid=(TOKENS // BLK,),
        in_specs=[
            pl.BlockSpec((BLK, D_MODEL), lambda i: (i, 0)),
            pl.BlockSpec((N_NEURONS, D_MODEL), lambda i: (0, 0)),
            pl.BlockSpec((1, N_NEURONS), lambda i: (0, 0)),
        ],
        out_specs=pl.BlockSpec((BLK, N_NEURONS), lambda i: (i, 0)),
        out_shape=jax.ShapeDtypeStruct((TOKENS, N_NEURONS), jnp.float32),
    )(x, W, b.reshape(1, N_NEURONS))


_GDN = lax.GatherDimensionNumbers(
    offset_dims=(), collapsed_slice_dims=(0,), start_index_map=(0,)
)


def _gat(x, idx):
    return lax.gather(
        x, idx[:, None], _GDN, (1,),
        mode=lax.GatherScatterMode.PROMISE_IN_BOUNDS,
    )


def _sc_topk_body(lg_hbm, gates_hbm, idx_hbm, lg_v, g_v, i_v, *, t_tile):
    c = lax.axis_index("c")
    s = lax.axis_index("s")
    wid = s * _NC + c
    base = wid * (t_tile * N_NEURONS)

    pltpu.sync_copy(lg_hbm.at[pl.ds(base, t_tile * N_NEURONS)], lg_v)

    lane = lax.iota(jnp.int32, 16)
    lt8 = lane < 8
    gidx = jnp.maximum(lane - 8, 0)
    zeros = jnp.zeros((16,), jnp.int32)

    def merge8(ka, va, kb, vb):
        kc = jnp.where(lt8, ka, _gat(kb, gidx))
        vc = jnp.where(lt8, va, _gat(vb, gidx))
        return plsc.sort_key_val(kc, vc, descending=True)

    def token_top8(off):
        ks, vs = [], []
        for k in range(4):
            key = lg_v[pl.ds(off + 16 * k, 16)]
            kk, vv = plsc.sort_key_val(key, lane + 16 * k, descending=True)
            ks.append(kk)
            vs.append(vv)
        k01, v01 = merge8(ks[0], vs[0], ks[1], vs[1])
        k23, v23 = merge8(ks[2], vs[2], ks[3], vs[3])
        kf, vf = merge8(k01, v01, k23, v23)
        m = _gat(kf, zeros)
        e = jnp.where(lt8, jnp.exp(kf - m), 0.0)
        denom = jnp.sum(e, axis=0)
        return e / denom, vf

    def pair_body(p, carry):
        off = p * (2 * N_NEURONS)
        g0, i0 = token_top8(off)
        g1, i1 = token_top8(off + N_NEURONS)
        gm = jnp.where(lt8, g0, _gat(g1, gidx))
        im = jnp.where(lt8, i0, _gat(i1, gidx))
        g_v[pl.ds(p * 16, 16)] = gm
        i_v[pl.ds(p * 16, 16)] = im
        return carry

    lax.fori_loop(0, t_tile // 2, pair_body, 0)

    obase = wid * (t_tile * TOP_K)
    pltpu.sync_copy(g_v, gates_hbm.at[pl.ds(obase, t_tile * TOP_K)])
    pltpu.sync_copy(i_v, idx_hbm.at[pl.ds(obase, t_tile * TOP_K)])


N_CHUNKS = 4
T_CHUNK = TOKENS // N_CHUNKS


def _tc_logits_chunk(x, W, b, ci):
    off = ci * (T_CHUNK // BLK)
    return pl.pallas_call(
        _logits_body,
        grid=(T_CHUNK // BLK,),
        in_specs=[
            pl.BlockSpec((BLK, D_MODEL), lambda i: (i + off, 0)),
            pl.BlockSpec((N_NEURONS, D_MODEL), lambda i: (0, 0)),
            pl.BlockSpec((1, N_NEURONS), lambda i: (0, 0)),
        ],
        out_specs=pl.BlockSpec((BLK, N_NEURONS), lambda i: (i, 0)),
        out_shape=jax.ShapeDtypeStruct((T_CHUNK, N_NEURONS), jnp.float32),
    )(x, W, b.reshape(1, N_NEURONS))


@functools.partial(jax.jit, static_argnames=())
def kernel(x, W, b):
    tct = T_CHUNK // _NW

    sc = functools.partial(
        pl.kernel,
        mesh=plsc.VectorSubcoreMesh(core_axis_name="c", subcore_axis_name="s"),
        out_type=[
            jax.ShapeDtypeStruct((T_CHUNK * TOP_K,), jnp.float32),
            jax.ShapeDtypeStruct((T_CHUNK * TOP_K,), jnp.int32),
        ],
        scratch_types=[
            pltpu.VMEM((tct * N_NEURONS,), jnp.float32),
            pltpu.VMEM((tct * TOP_K,), jnp.float32),
            pltpu.VMEM((tct * TOP_K,), jnp.int32),
        ],
        compiler_params=pltpu.CompilerParams(needs_layout_passes=False),
    )(functools.partial(_sc_topk_body, t_tile=tct))

    gs, is_ = [], []
    prev = _tc_logits_chunk(x, W, b, 0)
    for ci in range(1, N_CHUNKS):
        nxt = _tc_logits_chunk(x, W, b, ci)
        g, i = sc(prev.reshape(-1))
        gs.append(g.reshape(T_CHUNK, TOP_K))
        is_.append(i.reshape(T_CHUNK, TOP_K))
        prev = nxt
    g, i = sc(prev.reshape(-1))
    gs.append(g.reshape(T_CHUNK, TOP_K))
    is_.append(i.reshape(T_CHUNK, TOP_K))
    return jnp.concatenate(gs, axis=0), jnp.concatenate(is_, axis=0)

# --- scband reference (transcript-rebuilt; emitter-appended) ---
"""Pipeline reference for scband-bandit-enhanced-neuron-router-9234179687068 (READ-ONLY COPY).

The authoritative reference and input builder live on the scoring server;
editing this copy changes nothing except your own understanding.
"""

import jax, jax.numpy as jnp
import numpy as np

D_MODEL = 4096
NUM_NEURONS = 64
TOP_K = 8
TEMPERATURE = 1.0


def setup_inputs(seed: int = 0) -> dict:
    key = jax.random.key(seed)
    k_x, k_w = jax.random.split(key, 2)
    x = jax.random.normal(k_x, (16384, D_MODEL), dtype=jnp.float32)
    # router: nn.Linear(d_model, num_neurons, bias=True), weight init N(0, 0.02), bias zeros
    W = 0.02 * jax.random.normal(k_w, (NUM_NEURONS, D_MODEL), dtype=jnp.float32)
    b = jnp.zeros((NUM_NEURONS,), dtype=jnp.float32)
    return {"x": x, "W": W, "b": b}


def reference(x, W, b):
    # Router projection: logits over neurons/experts
    logits = x @ W.T + b  # [T, num_neurons]
    # Temperature-scaled softmax routing probabilities
    probs = jax.nn.softmax(logits / TEMPERATURE, axis=-1)
    # Top-k expert selection + renormalized gates
    top_vals, top_idx = jax.lax.top_k(probs, TOP_K)
    gates = top_vals / (jnp.sum(top_vals, axis=-1, keepdims=True) + 1e-9)
    return gates, top_idx


if False:  # reference __main__ guard neutralized (emitter)
    inp = setup_inputs()
    out = reference(**inp)
    print(out[0].shape, out[1].shape)

if __name__ == "__main__":
    import jax
    _d = setup_inputs()
    print(jax.jit(kernel)(*tuple(_d.values())))

</pallas_src>

<mosaic_0001>
#map = affine_map<(d0, d1) -> (0)>
module attributes {stable_mosaic.version = 14 : i64} {
  func.func @_sc_topk_body(%arg0: i32, %arg1: i32, %arg2: memref<262144xf32, #tpu.memory_space<hbm>>, %arg3: memref<32768xf32, #tpu.memory_space<hbm>>, %arg4: memref<32768xi32, #tpu.memory_space<hbm>>, %arg5: memref<8192xf32, #tpu.memory_space<vmem>>, %arg6: memref<1024xf32, #tpu.memory_space<vmem>>, %arg7: memref<1024xi32, #tpu.memory_space<vmem>>) attributes {dimension_semantics = [#tpu.dimension_semantics<core_parallel>, #tpu.dimension_semantics<subcore_parallel>], iteration_bounds = array<i64: 2, 16>, scalar_prefetch = 0 : i64, scratch_operands = 3 : i64, tpu.core_type = #tpu.core_type<sc_vector_subcore>, window_params = [{transform_indices = #map}, {transform_indices = #map}, {transform_indices = #map}]} {
    %mul3A = arith.constant 2 : i32
    %mul3A_0 = arith.muli %arg1, %mul3A : i32
    %add3A = arith.addi %mul3A_0, %arg0 : i32
    %mul3A_1 = arith.constant 8192 : i32
    %mul3A_2 = arith.muli %add3A, %mul3A_1 : i32
    "tpu.region"() ({
      %run_scoped3A = tpu.sem_alloc : memref<!tpu.dma_semaphore, #tpu.memory_space<semaphore_mem>>
      %dma_start3A = tpu.memref_slice %arg2[%mul3A_2] : memref<262144xf32, #tpu.memory_space<hbm>> -> memref<8192xf32, #tpu.memory_space<hbm>>
      %dma_start3A_17 = tpu.memref_slice %arg2[%mul3A_2] : memref<262144xf32, #tpu.memory_space<hbm>> -> memref<8192xf32, #tpu.memory_space<hbm>>
      tpu.enqueue_dma source(%dma_start3A_17 : memref<8192xf32, #tpu.memory_space<hbm>>) target(%arg5 : memref<8192xf32, #tpu.memory_space<vmem>>) target_semaphore(%run_scoped3A : memref<!tpu.dma_semaphore, #tpu.memory_space<semaphore_mem>>)
      %dma_wait3A = tpu.memref_slice %arg2[%mul3A_2] : memref<262144xf32, #tpu.memory_space<hbm>> -> memref<8192xf32, #tpu.memory_space<hbm>>
      %dma_wait3A_18 = tpu.memref_slice %arg2[%mul3A_2] : memref<262144xf32, #tpu.memory_space<hbm>> -> memref<8192xf32, #tpu.memory_space<hbm>>
      tpu.wait_dma2 semaphore(%run_scoped3A : memref<!tpu.dma_semaphore, #tpu.memory_space<semaphore_mem>>) src(%dma_wait3A_18 : memref<8192xf32, #tpu.memory_space<hbm>>) dst(%arg5 : memref<8192xf32, #tpu.memory_space<vmem>>)
      tpu.yield
    }) : () -> ()
    %iota3A = tpu.iota {dimensions = array<i32: 0>} : vector<16xi32>
    %lt3A = arith.constant 8 : i32
    %lt3A_3 = vector.broadcast %lt3A : i32 to vector<16xi32>
    %lt3A_4 = arith.cmpi slt, %iota3A, %lt3A_3 : vector<16xi32>
    %sub3A = arith.constant 8 : i32
    %sub3A_5 = vector.broadcast %sub3A : i32 to vector<16xi32>
    %sub3A_6 = arith.subi %iota3A, %sub3A_5 : vector<16xi32>
    %max3A = arith.constant 0 : i32
    %max3A_7 = vector.broadcast %max3A : i32 to vector<16xi32>
    %max3A_8 = arith.maxsi %sub3A_6, %max3A_7 : vector<16xi32>
    %broadcast_in_dim3A = arith.constant 0 : i32
    %broadcast_in_dim3A_9 = vector.broadcast %broadcast_in_dim3A : i32 to vector<16xi32>
    %scan3A = arith.constant 0 : i32
    %scan3A_10 = arith.constant 0 : i32
    %scan3A_11 = arith.constant 64 : i32
    %scan3A_12 = arith.addi %scan3A_10, %scan3A_11 : i32
    %scan3A_13 = arith.constant 1 : i32
    scf.for %scan3A_17 = %scan3A_10 to %scan3A_12 step %scan3A_13  : i32 {
      %mul3A_18 = arith.constant 128 : i32
      %mul3A_19 = arith.muli %scan3A_17, %mul3A_18 : i32
      %add3A_20 = arith.constant 0 : i32
      %add3A_21 = arith.addi %mul3A_19, %add3A_20 : i32
      %get3A = arith.index_cast %add3A_21 : i32 to index
      %get3A_22 = tpu.vector_load %arg5[%get3A] {strides = array<i32>} : memref<8192xf32, #tpu.memory_space<vmem>>, vector<16xf32>,
      %add3A_23 = arith.constant 0 : i32
      %add3A_24 = vector.broadcast %add3A_23 : i32 to vector<16xi32>
      %add3A_25 = arith.addi %iota3A, %add3A_24 : vector<16xi32>
      %masked_sort3A = arith.constant dense<true> : vector<16xi1>
      %masked_sort3A_26, %masked_sort3A_27, %masked_sort3A_28 = tpu.sort %get3A_22, %add3A_25 masked %masked_sort3A {descending = true} : (vector<16xf32>, vector<16xi32>, vector<16xi1>) -> (vector<16xi1>, vector<16xf32>, vector<16xi32>)
      %add3A_29 = arith.constant 16 : i32
      %add3A_30 = arith.addi %mul3A_19, %add3A_29 : i32
      %get3A_31 = arith.index_cast %add3A_30 : i32 to index
      %get3A_32 = tpu.vector_load %arg5[%get3A_31] {strides = array<i32>} : memref<8192xf32, #tpu.memory_space<vmem>>, vector<16xf32>,
      %add3A_33 = arith.constant 16 : i32
      %add3A_34 = vector.broadcast %add3A_33 : i32 to vector<16xi32>
      %add3A_35 = arith.addi %iota3A, %add3A_34 : vector<16xi32>
      %masked_sort3A_36 = arith.constant dense<true> : vector<16xi1>
      %masked_sort3A_37, %masked_sort3A_38, %masked_sort3A_39 = tpu.sort %get3A_32, %add3A_35 masked %masked_sort3A_36 {descending = true} : (vector<16xf32>, vector<16xi32>, vector<16xi1>) -> (vector<16xi1>, vector<16xf32>, vector<16xi32>)
      %add3A_40 = arith.constant 32 : i32
      %add3A_41 = arith.addi %mul3A_19, %add3A_40 : i32
      %get3A_42 = arith.index_cast %add3A_41 : i32 to index
      %get3A_43 = tpu.vector_load %arg5[%get3A_42] {strides = array<i32>} : memref<8192xf32, #tpu.memory_space<vmem>>, vector<16xf32>,
      %add3A_44 = arith.constant 32 : i32
      %add3A_45 = vector.broadcast %add3A_44 : i32 to vector<16xi32>
      %add3A_46 = arith.addi %iota3A, %add3A_45 : vector<16xi32>
      %masked_sort3A_47 = arith.constant dense<true> : vector<16xi1>
      %masked_sort3A_48, %masked_sort3A_49, %masked_sort3A_50 = tpu.sort %get3A_43, %add3A_46 masked %masked_sort3A_47 {descending = true} : (vector<16xf32>, vector<16xi32>, vector<16xi1>) -> (vector<16xi1>, vector<16xf32>, vector<16xi32>)
      %add3A_51 = arith.constant 48 : i32
      %add3A_52 = arith.addi %mul3A_19, %add3A_51 : i32
      %get3A_53 = arith.index_cast %add3A_52 : i32 to index
      %get3A_54 = tpu.vector_load %arg5[%get3A_53] {strides = array<i32>} : memref<8192xf32, #tpu.memory_space<vmem>>, vector<16xf32>,
      %add3A_55 = arith.constant 48 : i32
      %add3A_56 = vector.broadcast %add3A_55 : i32 to vector<16xi32>
      %add3A_57 = arith.addi %iota3A, %add3A_56 : vector<16xi32>
      %masked_sort3A_58 = arith.constant dense<true> : vector<16xi1>
      %masked_sort3A_59, %masked_sort3A_60, %masked_sort3A_61 = tpu.sort %get3A_54, %add3A_57 masked %masked_sort3A_58 {descending = true} : (vector<16xf32>, vector<16xi32>, vector<16xi1>) -> (vector<16xi1>, vector<16xf32>, vector<16xi32>)
      %broadcast_in_dim3A_62 = vector.shape_cast %max3A_8 : vector<16xi32> to vector<16x1xi32>
      %gather3A = vector.shape_cast %broadcast_in_dim3A_62 : vector<16x1xi32> to vector<16xi32>
      %gather3A_63 = tpu.dynamic_gather %masked_sort3A_38[%gather3A] in [0] : vector<16xf32>, vector<16xi32> -> vector<16xf32>
      %select_n3A = arith.select %lt3A_4, %masked_sort3A_27, %gather3A_63 : vector<16xi1>, vector<16xf32>
      %broadcast_in_dim3A_64 = vector.shape_cast %max3A_8 : vector<16xi32> to vector<16x1xi32>
      %gather3A_65 = vector.shape_cast %broadcast_in_dim3A_64 : vector<16x1xi32> to vector<16xi32>
      %gather3A_66 = tpu.dynamic_gather %masked_sort3A_39[%gather3A_65] in [0] : vector<16xi32>, vector<16xi32> -> vector<16xi32>
      %select_n3A_67 = arith.select %lt3A_4, %masked_sort3A_28, %gather3A_66 : vector<16xi1>, vector<16xi32>
      %masked_sort3A_68 = arith.constant dense<true> : vector<16xi1>
      %masked_sort3A_69, %masked_sort3A_70, %masked_sort3A_71 = tpu.sort %select_n3A, %select_n3A_67 masked %masked_sort3A_68 {descending = true} : (vector<16xf32>, vector<16xi32>, vector<16xi1>) -> (vector<16xi1>, vector<16xf32>, vector<16xi32>)
      %broadcast_in_dim3A_72 = vector.shape_cast %max3A_8 : vector<16xi32> to vector<16x1xi32>
      %gather3A_73 = vector.shape_cast %broadcast_in_dim3A_72 : vector<16x1xi32> to vector<16xi32>
      %gather3A_74 = tpu.dynamic_gather %masked_sort3A_60[%gather3A_73] in [0] : vector<16xf32>, vector<16xi32> -> vector<16xf32>
      %select_n3A_75 = arith.select %lt3A_4, %masked_sort3A_49, %gather3A_74 : vector<16xi1>, vector<16xf32>
      %broadcast_in_dim3A_76 = vector.shape_cast %max3A_8 : vector<16xi32> to vector<16x1xi32>
      %gather3A_77 = vector.shape_cast %broadcast_in_dim3A_76 : vector<16x1xi32> to vector<16xi32>
      %gather3A_78 = tpu.dynamic_gather %masked_sort3A_61[%gather3A_77] in [0] : vector<16xi32>, vector<16xi32> -> vector<16xi32>
      %select_n3A_79 = arith.select %lt3A_4, %masked_sort3A_50, %gather3A_78 : vector<16xi1>, vector<16xi32>
      %masked_sort3A_80 = arith.constant dense<true> : vector<16xi1>
      %masked_sort3A_81, %masked_sort3A_82, %masked_sort3A_83 = tpu.sort %select_n3A_75, %select_n3A_79 masked %masked_sort3A_80 {descending = true} : (vector<16xf32>, vector<16xi32>, vector<16xi1>) -> (vector<16xi1>, vector<16xf32>, vector<16xi32>)
      %broadcast_in_dim3A_84 = vector.shape_cast %max3A_8 : vector<16xi32> to vector<16x1xi32>
      %gather3A_85 = vector.shape_cast %broadcast_in_dim3A_84 : vector<16x1xi32> to vector<16xi32>
      %gather3A_86 = tpu.dynamic_gather %masked_sort3A_82[%gather3A_85] in [0] : vector<16xf32>, vector<16xi32> -> vector<16xf32>
      %select_n3A_87 = arith.select %lt3A_4, %masked_sort3A_70, %gather3A_86 : vector<16xi1>, vector<16xf32>
      %broadcast_in_dim3A_88 = vector.shape_cast %max3A_8 : vector<16xi32> to vector<16x1xi32>
      %gather3A_89 = vector.shape_cast %broadcast_in_dim3A_88 : vector<16x1xi32> to vector<16xi32>
      %gather3A_90 = tpu.dynamic_gather %masked_sort3A_83[%gather3A_89] in [0] : vector<16xi32>, vector<16xi32> -> vector<16xi32>
      %select_n3A_91 = arith.select %lt3A_4, %masked_sort3A_71, %gather3A_90 : vector<16xi1>, vector<16xi32>
      %masked_sort3A_92 = arith.constant dense<true> : vector<16xi1>
      %masked_sort3A_93, %masked_sort3A_94, %masked_sort3A_95 = tpu.sort %select_n3A_87, %select_n3A_91 masked %masked_sort3A_92 {descending = true} : (vector<16xf32>, vector<16xi32>, vector<16xi1>) -> (vector<16xi1>, vector<16xf32>, vector<16xi32>)
      %broadcast_in_dim3A_96 = vector.shape_cast %broadcast_in_dim3A_9 : vector<16xi32> to vector<16x1xi32>
      %gather3A_97 = vector.shape_cast %broadcast_in_dim3A_96 : vector<16x1xi32> to vector<16xi32>
      %gather3A_98 = tpu.dynamic_gather %masked_sort3A_94[%gather3A_97] in [0] : vector<16xf32>, vector<16xi32> -> vector<16xf32>
      %sub3A_99 = arith.subf %masked_sort3A_94, %gather3A_98 : vector<16xf32>
      %exp3A = math.exp %sub3A_99 : vector<16xf32>
      %jit3A = arith.constant 0.000000e+00 : f32
      %broadcast_in_dim3A_100 = vector.broadcast %jit3A : f32 to vector<16xf32>
      %select_n3A_101 = arith.select %lt3A_4, %exp3A, %broadcast_in_dim3A_100 : vector<16xi1>, vector<16xf32>
      %reduce_sum3A = arith.constant true
      %reduce_sum3A_102 = vector.broadcast %reduce_sum3A : i1 to vector<16xi1>
      %reduce_sum3A_103 = tpu.scan <sum>, %select_n3A_101 masked %reduce_sum3A_102 : vector<16xf32>, vector<16xi1> -> vector<16xf32>
      %reduce_sum3A_104 = vector.extract %reduce_sum3A_103[15] : f32 from vector<16xf32>
      %div3A = vector.broadcast %reduce_sum3A_104 : f32 to vector<16xf32>
      %div3A_105 = arith.divf %select_n3A_101, %div3A : vector<16xf32>
      %add3A_106 = arith.constant 64 : i32
      %add3A_107 = arith.addi %mul3A_19, %add3A_106 : i32
      %add3A_108 = arith.constant 0 : i32
      %add3A_109 = arith.addi %add3A_107, %add3A_108 : i32
      %get3A_110 = arith.index_cast %add3A_109 : i32 to index
      %get3A_111 = tpu.vector_load %arg5[%get3A_110] {strides = array<i32>} : memref<8192xf32, #tpu.memory_space<vmem>>, vector<16xf32>,
      %add3A_112 = arith.constant 0 : i32
      %add3A_113 = vector.broadcast %add3A_112 : i32 to vector<16xi32>
      %add3A_114 = arith.addi %iota3A, %add3A_113 : vector<16xi32>
      %masked_sort3A_115 = arith.constant dense<true> : vector<16xi1>
      %masked_sort3A_116, %masked_sort3A_117, %masked_sort3A_118 = tpu.sort %get3A_111, %add3A_114 masked %masked_sort3A_115 {descending = true} : (vector<16xf32>, vector<16xi32>, vector<16xi1>) -> (vector<16xi1>, vector<16xf32>, vector<16xi32>)
      %add3A_119 = arith.constant 16 : i32
      %add3A_120 = arith.addi %add3A_107, %add3A_119 : i32
      %get3A_121 = arith.index_cast %add3A_120 : i32 to index
      %get3A_122 = tpu.vector_load %arg5[%get3A_121] {strides = array<i32>} : memref<8192xf32, #tpu.memory_space<vmem>>, vector<16xf32>,
      %add3A_123 = arith.constant 16 : i32
      %add3A_124 = vector.broadcast %add3A_123 : i32 to vector<16xi32>
      %add3A_125 = arith.addi %iota3A, %add3A_124 : vector<16xi32>
      %masked_sort3A_126 = arith.constant dense<true> : vector<16xi1>
      %masked_sort3A_127, %masked_sort3A_128, %masked_sort3A_129 = tpu.sort %get3A_122, %add3A_125 masked %masked_sort3A_126 {descending = true} : (vector<16xf32>, vector<16xi32>, vector<16xi1>) -> (vector<16xi1>, vector<16xf32>, vector<16xi32>)
      %add3A_130 = arith.constant 32 : i32
      %add3A_131 = arith.addi %add3A_107, %add3A_130 : i32
      %get3A_132 = arith.index_cast %add3A_131 : i32 to index
      %get3A_133 = tpu.vector_load %arg5[%get3A_132] {strides = array<i32>} : memref<8192xf32, #tpu.memory_space<vmem>>, vector<16xf32>,
      %add3A_134 = arith.constant 32 : i32
      %add3A_135 = vector.broadcast %add3A_134 : i32 to vector<16xi32>
      %add3A_136 = arith.addi %iota3A, %add3A_135 : vector<16xi32>
      %masked_sort3A_137 = arith.constant dense<true> : vector<16xi1>
      %masked_sort3A_138, %masked_sort3A_139, %masked_sort3A_140 = tpu.sort %get3A_133, %add3A_136 masked %masked_sort3A_137 {descending = true} : (vector<16xf32>, vector<16xi32>, vector<16xi1>) -> (vector<16xi1>, vector<16xf32>, vector<16xi32>)
      %add3A_141 = arith.constant 48 : i32
      %add3A_142 = arith.addi %add3A_107, %add3A_141 : i32
      %get3A_143 = arith.index_cast %add3A_142 : i32 to index
      %get3A_144 = tpu.vector_load %arg5[%get3A_143] {strides = array<i32>} : memref<8192xf32, #tpu.memory_space<vmem>>, vector<16xf32>,
      %add3A_145 = arith.constant 48 : i32
      %add3A_146 = vector.broadcast %add3A_145 : i32 to vector<16xi32>
      %add3A_147 = arith.addi %iota3A, %add3A_146 : vector<16xi32>
      %masked_sort3A_148 = arith.constant dense<true> : vector<16xi1>
      %masked_sort3A_149, %masked_sort3A_150, %masked_sort3A_151 = tpu.sort %get3A_144, %add3A_147 masked %masked_sort3A_148 {descending = true} : (vector<16xf32>, vector<16xi32>, vector<16xi1>) -> (vector<16xi1>, vector<16xf32>, vector<16xi32>)
      %broadcast_in_dim3A_152 = vector.shape_cast %max3A_8 : vector<16xi32> to vector<16x1xi32>
      %gather3A_153 = vector.shape_cast %broadcast_in_dim3A_152 : vector<16x1xi32> to vector<16xi32>
      %gather3A_154 = tpu.dynamic_gather %masked_sort3A_128[%gather3A_153] in [0] : vector<16xf32>, vector<16xi32> -> vector<16xf32>
      %select_n3A_155 = arith.select %lt3A_4, %masked_sort3A_117, %gather3A_154 : vector<16xi1>, vector<16xf32>
      %broadcast_in_dim3A_156 = vector.shape_cast %max3A_8 : vector<16xi32> to vector<16x1xi32>
      %gather3A_157 = vector.shape_cast %broadcast_in_dim3A_156 : vector<16x1xi32> to vector<16xi32>
      %gather3A_158 = tpu.dynamic_gather %masked_sort3A_129[%gather3A_157] in [0] : vector<16xi32>, vector<16xi32> -> vector<16xi32>
      %select_n3A_159 = arith.select %lt3A_4, %masked_sort3A_118, %gather3A_158 : vector<16xi1>, vector<16xi32>
      %masked_sort3A_160 = arith.constant dense<true> : vector<16xi1>
      %masked_sort3A_161, %masked_sort3A_162, %masked_sort3A_163 = tpu.sort %select_n3A_155, %select_n3A_159 masked %masked_sort3A_160 {descending = true} : (vector<16xf32>, vector<16xi32>, vector<16xi1>) -> (vector<16xi1>, vector<16xf32>, vector<16xi32>)
      %broadcast_in_dim3A_164 = vector.shape_cast %max3A_8 : vector<16xi32> to vector<16x1xi32>
      %gather3A_165 = vector.shape_cast %broadcast_in_dim3A_164 : vector<16x1xi32> to vector<16xi32>
      %gather3A_166 = tpu.dynamic_gather %masked_sort3A_150[%gather3A_165] in [0] : vector<16xf32>, vector<16xi32> -> vector<16xf32>
      %select_n3A_167 = arith.select %lt3A_4, %masked_sort3A_139, %gather3A_166 : vector<16xi1>, vector<16xf32>
      %broadcast_in_dim3A_168 = vector.shape_cast %max3A_8 : vector<16xi32> to vector<16x1xi32>
      %gather3A_169 = vector.shape_cast %broadcast_in_dim3A_168 : vector<16x1xi32> to vector<16xi32>
      %gather3A_170 = tpu.dynamic_gather %masked_sort3A_151[%gather3A_169] in [0] : vector<16xi32>, vector<16xi32> -> vector<16xi32>
      %select_n3A_171 = arith.select %lt3A_4, %masked_sort3A_140, %gather3A_170 : vector<16xi1>, vector<16xi32>
      %masked_sort3A_172 = arith.constant dense<true> : vector<16xi1>
      %masked_sort3A_173, %masked_sort3A_174, %masked_sort3A_175 = tpu.sort %select_n3A_167, %select_n3A_171 masked %masked_sort3A_172 {descending = true} : (vector<16xf32>, vector<16xi32>, vector<16xi1>) -> (vector<16xi1>, vector<16xf32>, vector<16xi32>)
      %broadcast_in_dim3A_176 = vector.shape_cast %max3A_8 : vector<16xi32> to vector<16x1xi32>
      %gather3A_177 = vector.shape_cast %broadcast_in_dim3A_176 : vector<16x1xi32> to vector<16xi32>
      %gather3A_178 = tpu.dynamic_gather %masked_sort3A_174[%gather3A_177] in [0] : vector<16xf32>, vector<16xi32> -> vector<16xf32>
      %select_n3A_179 = arith.select %lt3A_4, %masked_sort3A_162, %gather3A_178 : vector<16xi1>, vector<16xf32>
      %broadcast_in_dim3A_180 = vector.shape_cast %max3A_8 : vector<16xi32> to vector<16x1xi32>
      %gather3A_181 = vector.shape_cast %broadcast_in_dim3A_180 : vector<16x1xi32> to vector<16xi32>
      %gather3A_182 = tpu.dynamic_gather %masked_sort3A_175[%gather3A_181] in [0] : vector<16xi32>, vector<16xi32> -> vector<16xi32>
      %select_n3A_183 = arith.select %lt3A_4, %masked_sort3A_163, %gather3A_182 : vector<16xi1>, vector<16xi32>
      %masked_sort3A_184 = arith.constant dense<true> : vector<16xi1>
      %masked_sort3A_185, %masked_sort3A_186, %masked_sort3A_187 = tpu.sort %select_n3A_179, %select_n3A_183 masked %masked_sort3A_184 {descending = true} : (vector<16xf32>, vector<16xi32>, vector<16xi1>) -> (vector<16xi1>, vector<16xf32>, vector<16xi32>)
      %broadcast_in_dim3A_188 = vector.shape_cast %broadcast_in_dim3A_9 : vector<16xi32> to vector<16x1xi32>
      %gather3A_189 = vector.shape_cast %broadcast_in_dim3A_188 : vector<16x1xi32> to vector<16xi32>
      %gather3A_190 = tpu.dynamic_gather %masked_sort3A_186[%gather3A_189] in [0] : vector<16xf32>, vector<16xi32> -> vector<16xf32>
      %sub3A_191 = arith.subf %masked_sort3A_186, %gather3A_190 : vector<16xf32>
      %exp3A_192 = math.exp %sub3A_191 : vector<16xf32>
      %jit3A_193 = arith.constant 0.000000e+00 : f32
      %broadcast_in_dim3A_194 = vector.broadcast %jit3A_193 : f32 to vector<16xf32>
      %select_n3A_195 = arith.select %lt3A_4, %exp3A_192, %broadcast_in_dim3A_194 : vector<16xi1>, vector<16xf32>
      %reduce_sum3A_196 = arith.constant true
      %reduce_sum3A_197 = vector.broadcast %reduce_sum3A_196 : i1 to vector<16xi1>
      %reduce_sum3A_198 = tpu.scan <sum>, %select_n3A_195 masked %reduce_sum3A_197 : vector<16xf32>, vector<16xi1> -> vector<16xf32>
      %reduce_sum3A_199 = vector.extract %reduce_sum3A_198[15] : f32 from vector<16xf32>
      %div3A_200 = vector.broadcast %reduce_sum3A_199 : f32 to vector<16xf32>
      %div3A_201 = arith.divf %select_n3A_195, %div3A_200 : vector<16xf32>
      %broadcast_in_dim3A_202 = vector.shape_cast %max3A_8 : vector<16xi32> to vector<16x1xi32>
      %gather3A_203 = vector.shape_cast %broadcast_in_dim3A_202 : vector<16x1xi32> to vector<16xi32>
      %gather3A_204 = tpu.dynamic_gather %div3A_201[%gather3A_203] in [0] : vector<16xf32>, vector<16xi32> -> vector<16xf32>
      %select_n3A_205 = arith.select %lt3A_4, %div3A_105, %gather3A_204 : vector<16xi1>, vector<16xf32>
      %broadcast_in_dim3A_206 = vector.shape_cast %max3A_8 : vector<16xi32> to vector<16x1xi32>
      %gather3A_207 = vector.shape_cast %broadcast_in_dim3A_206 : vector<16x1xi32> to vector<16xi32>
      %gather3A_208 = tpu.dynamic_gather %masked_sort3A_187[%gather3A_207] in [0] : vector<16xi32>, vector<16xi32> -> vector<16xi32>
      %select_n3A_209 = arith.select %lt3A_4, %masked_sort3A_95, %gather3A_208 : vector<16xi1>, vector<16xi32>
      %mul3A_210 = arith.constant 16 : i32
      %mul3A_211 = arith.muli %scan3A_17, %mul3A_210 : i32
      %swap3A = arith.index_cast %mul3A_211 : i32 to index
      %swap3A_212 = tpu.vector_load %arg6[%swap3A] {strides = array<i32>} : memref<1024xf32, #tpu.memory_space<vmem>>, vector<16xf32>,
      tpu.vector_store %arg6[%swap3A], %select_n3A_205 {strides = array<i32>} : memref<1024xf32, #tpu.memory_space<vmem>>, vector<16xf32>,
      %mul3A_213 = arith.constant 16 : i32
      %mul3A_214 = arith.muli %scan3A_17, %mul3A_213 : i32
      %swap3A_215 = arith.index_cast %mul3A_214 : i32 to index
      %swap3A_216 = tpu.vector_load %arg7[%swap3A_215] {strides = array<i32>} : memref<1024xi32, #tpu.memory_space<vmem>>, vector<16xi32>,
      tpu.vector_store %arg7[%swap3A_215], %select_n3A_209 {strides = array<i32>} : memref<1024xi32, #tpu.memory_space<vmem>>, vector<16xi32>,
    }
    %scan3A_14 = arith.constant 64 : i32
    %mul3A_15 = arith.constant 1024 : i32
    %mul3A_16 = arith.muli %add3A, %mul3A_15 : i32
    "tpu.region"() ({
      %run_scoped3A = tpu.sem_alloc : memref<!tpu.dma_semaphore, #tpu.memory_space<semaphore_mem>>
      %dma_start3A = tpu.memref_slice %arg3[%mul3A_16] : memref<32768xf32, #tpu.memory_space<hbm>> -> memref<1024xf32, #tpu.memory_space<hbm>>
      %dma_start3A_17 = tpu.memref_slice %arg3[%mul3A_16] : memref<32768xf32, #tpu.memory_space<hbm>> -> memref<1024xf32, #tpu.memory_space<hbm>>
      tpu.enqueue_dma source(%arg6 : memref<1024xf32, #tpu.memory_space<vmem>>) target(%dma_start3A_17 : memref<1024xf32, #tpu.memory_space<hbm>>) target_semaphore(%run_scoped3A : memref<!tpu.dma_semaphore, #tpu.memory_space<semaphore_mem>>)
      %dma_wait3A = tpu.memref_slice %arg3[%mul3A_16] : memref<32768xf32, #tpu.memory_space<hbm>> -> memref<1024xf32, #tpu.memory_space<hbm>>
      %dma_wait3A_18 = tpu.memref_slice %arg3[%mul3A_16] : memref<32768xf32, #tpu.memory_space<hbm>> -> memref<1024xf32, #tpu.memory_space<hbm>>
      tpu.wait_dma2 semaphore(%run_scoped3A : memref<!tpu.dma_semaphore, #tpu.memory_space<semaphore_mem>>) src(%arg6 : memref<1024xf32, #tpu.memory_space<vmem>>) dst(%dma_wait3A_18 : memref<1024xf32, #tpu.memory_space<hbm>>)
      tpu.yield
    }) : () -> ()
    "tpu.region"() ({
      %run_scoped3A = tpu.sem_alloc : memref<!tpu.dma_semaphore, #tpu.memory_space<semaphore_mem>>
      %dma_start3A = tpu.memref_slice %arg4[%mul3A_16] : memref<32768xi32, #tpu.memory_space<hbm>> -> memref<1024xi32, #tpu.memory_space<hbm>>
      %dma_start3A_17 = tpu.memref_slice %arg4[%mul3A_16] : memref<32768xi32, #tpu.memory_space<hbm>> -> memref<1024xi32, #tpu.memory_space<hbm>>
      tpu.enqueue_dma source(%arg7 : memref<1024xi32, #tpu.memory_space<vmem>>) target(%dma_start3A_17 : memref<1024xi32, #tpu.memory_space<hbm>>) target_semaphore(%run_scoped3A : memref<!tpu.dma_semaphore, #tpu.memory_space<semaphore_mem>>)
      %dma_wait3A = tpu.memref_slice %arg4[%mul3A_16] : memref<32768xi32, #tpu.memory_space<hbm>> -> memref<1024xi32, #tpu.memory_space<hbm>>
      %dma_wait3A_18 = tpu.memref_slice %arg4[%mul3A_16] : memref<32768xi32, #tpu.memory_space<hbm>> -> memref<1024xi32, #tpu.memory_space<hbm>>
      tpu.wait_dma2 semaphore(%run_scoped3A : memref<!tpu.dma_semaphore, #tpu.memory_space<semaphore_mem>>) src(%arg7 : memref<1024xi32, #tpu.memory_space<vmem>>) dst(%dma_wait3A_18 : memref<1024xi32, #tpu.memory_space<hbm>>)
      tpu.yield
    }) : () -> ()
    return
  }
}

#map = affine_map<(d0, d1) -> (0)>
module attributes {stable_mosaic.version = 14 : i64} {
  func.func @_sc_topk_body(%arg0: i32, %arg1: i32, %arg2: memref<262144xf32, #tpu.memory_space<hbm>>, %arg3: memref<32768xf32, #tpu.memory_space<hbm>>, %arg4: memref<32768xi32, #tpu.memory_space<hbm>>, %arg5: memref<8192xf32, #tpu.memory_space<vmem>>, %arg6: memref<1024xf32, #tpu.memory_space<vmem>>, %arg7: memref<1024xi32, #tpu.memory_space<vmem>>) attributes {dimension_semantics = [#tpu.dimension_semantics<core_parallel>, #tpu.dimension_semantics<subcore_parallel>], iteration_bounds = array<i64: 2, 16>, scalar_prefetch = 0 : i64, scratch_operands = 3 : i64, tpu.core_type = #tpu.core_type<sc_vector_subcore>, window_params = [{transform_indices = #map}, {transform_indices = #map}, {transform_indices = #map}]} {
    %mul3A = arith.constant 2 : i32
    %mul3A_0 = arith.muli %arg1, %mul3A : i32
    %add3A = arith.addi %mul3A_0, %arg0 : i32
    %mul3A_1 = arith.constant 8192 : i32
    %mul3A_2 = arith.muli %add3A, %mul3A_1 : i32
    "tpu.region"() ({
      %run_scoped3A = tpu.sem_alloc : memref<!tpu.dma_semaphore, #tpu.memory_space<semaphore_mem>>
      %dma_start3A = tpu.memref_slice %arg2[%mul3A_2] : memref<262144xf32, #tpu.memory_space<hbm>> -> memref<8192xf32, #tpu.memory_space<hbm>>
      %dma_start3A_17 = tpu.memref_slice %arg2[%mul3A_2] : memref<262144xf32, #tpu.memory_space<hbm>> -> memref<8192xf32, #tpu.memory_space<hbm>>
      tpu.enqueue_dma source(%dma_start3A_17 : memref<8192xf32, #tpu.memory_space<hbm>>) target(%arg5 : memref<8192xf32, #tpu.memory_space<vmem>>) target_semaphore(%run_scoped3A : memref<!tpu.dma_semaphore, #tpu.memory_space<semaphore_mem>>)
      %dma_wait3A = tpu.memref_slice %arg2[%mul3A_2] : memref<262144xf32, #tpu.memory_space<hbm>> -> memref<8192xf32, #tpu.memory_space<hbm>>
      %dma_wait3A_18 = tpu.memref_slice %arg2[%mul3A_2] : memref<262144xf32, #tpu.memory_space<hbm>> -> memref<8192xf32, #tpu.memory_space<hbm>>
      tpu.wait_dma2 semaphore(%run_scoped3A : memref<!tpu.dma_semaphore, #tpu.memory_space<semaphore_mem>>) src(%dma_wait3A_18 : memref<8192xf32, #tpu.memory_space<hbm>>) dst(%arg5 : memref<8192xf32, #tpu.memory_space<vmem>>)
      tpu.yield
    }) : () -> ()
    %iota3A = tpu.iota {dimensions = array<i32: 0>} : vector<16xi32>
    %lt3A = arith.constant 8 : i32
    %lt3A_3 = vector.broadcast %lt3A : i32 to vector<16xi32>
    %lt3A_4 = arith.cmpi slt, %iota3A, %lt3A_3 : vector<16xi32>
    %sub3A = arith.constant 8 : i32
    %sub3A_5 = vector.broadcast %sub3A : i32 to vector<16xi32>
    %sub3A_6 = arith.subi %iota3A, %sub3A_5 : vector<16xi32>
    %max3A = arith.constant 0 : i32
    %max3A_7 = vector.broadcast %max3A : i32 to vector<16xi32>
    %max3A_8 = arith.maxsi %sub3A_6, %max3A_7 : vector<16xi32>
    %broadcast_in_dim3A = arith.constant 0 : i32
    %broadcast_in_dim3A_9 = vector.broadcast %broadcast_in_dim3A : i32 to vector<16xi32>
    %scan3A = arith.constant 0 : i32
    %scan3A_10 = arith.constant 0 : i32
    %scan3A_11 = arith.constant 64 : i32
    %scan3A_12 = arith.addi %scan3A_10, %scan3A_11 : i32
    %scan3A_13 = arith.constant 1 : i32
    scf.for %scan3A_17 = %scan3A_10 to %scan3A_12 step %scan3A_13  : i32 {
      %mul3A_18 = arith.constant 128 : i32
      %mul3A_19 = arith.muli %scan3A_17, %mul3A_18 : i32
      %add3A_20 = arith.constant 0 : i32
      %add3A_21 = arith.addi %mul3A_19, %add3A_20 : i32
      %get3A = arith.index_cast %add3A_21 : i32 to index
      %get3A_22 = tpu.vector_load %arg5[%get3A] {strides = array<i32>} : memref<8192xf32, #tpu.memory_space<vmem>>, vector<16xf32>,
      %add3A_23 = arith.constant 0 : i32
      %add3A_24 = vector.broadcast %add3A_23 : i32 to vector<16xi32>
      %add3A_25 = arith.addi %iota3A, %add3A_24 : vector<16xi32>
      %masked_sort3A = arith.constant dense<true> : vector<16xi1>
      %masked_sort3A_26, %masked_sort3A_27, %masked_sort3A_28 = tpu.sort %get3A_22, %add3A_25 masked %masked_sort3A {descending = true} : (vector<16xf32>, vector<16xi32>, vector<16xi1>) -> (vector<16xi1>, vector<16xf32>, vector<16xi32>)
      %add3A_29 = arith.constant 16 : i32
      %add3A_30 = arith.addi %mul3A_19, %add3A_29 : i32
      %get3A_31 = arith.index_cast %add3A_30 : i32 to index
      %get3A_32 = tpu.vector_load %arg5[%get3A_31] {strides = array<i32>} : memref<8192xf32, #tpu.memory_space<vmem>>, vector<16xf32>,
      %add3A_33 = arith.constant 16 : i32
      %add3A_34 = vector.broadcast %add3A_33 : i32 to vector<16xi32>
      %add3A_35 = arith.addi %iota3A, %add3A_34 : vector<16xi32>
      %masked_sort3A_36 = arith.constant dense<true> : vector<16xi1>
      %masked_sort3A_37, %masked_sort3A_38, %masked_sort3A_39 = tpu.sort %get3A_32, %add3A_35 masked %masked_sort3A_36 {descending = true} : (vector<16xf32>, vector<16xi32>, vector<16xi1>) -> (vector<16xi1>, vector<16xf32>, vector<16xi32>)
      %add3A_40 = arith.constant 32 : i32
      %add3A_41 = arith.addi %mul3A_19, %add3A_40 : i32
      %get3A_42 = arith.index_cast %add3A_41 : i32 to index
      %get3A_43 = tpu.vector_load %arg5[%get3A_42] {strides = array<i32>} : memref<8192xf32, #tpu.memory_space<vmem>>, vector<16xf32>,
      %add3A_44 = arith.constant 32 : i32
      %add3A_45 = vector.broadcast %add3A_44 : i32 to vector<16xi32>
      %add3A_46 = arith.addi %iota3A, %add3A_45 : vector<16xi32>
      %masked_sort3A_47 = arith.constant dense<true> : vector<16xi1>
      %masked_sort3A_48, %masked_sort3A_49, %masked_sort3A_50 = tpu.sort %get3A_43, %add3A_46 masked %masked_sort3A_47 {descending = true} : (vector<16xf32>, vector<16xi32>, vector<16xi1>) -> (vector<16xi1>, vector<16xf32>, vector<16xi32>)
      %add3A_51 = arith.constant 48 : i32
      %add3A_52 = arith.addi %mul3A_19, %add3A_51 : i32
      %get3A_53 = arith.index_cast %add3A_52 : i32 to index
      %get3A_54 = tpu.vector_load %arg5[%get3A_53] {strides = array<i32>} : memref<8192xf32, #tpu.memory_space<vmem>>, vector<16xf32>,
      %add3A_55 = arith.constant 48 : i32
      %add3A_56 = vector.broadcast %add3A_55 : i32 to vector<16xi32>
      %add3A_57 = arith.addi %iota3A, %add3A_56 : vector<16xi32>
      %masked_sort3A_58 = arith.constant dense<true> : vector<16xi1>
      %masked_sort3A_59, %masked_sort3A_60, %masked_sort3A_61 = tpu.sort %get3A_54, %add3A_57 masked %masked_sort3A_58 {descending = true} : (vector<16xf32>, vector<16xi32>, vector<16xi1>) -> (vector<16xi1>, vector<16xf32>, vector<16xi32>)
      %broadcast_in_dim3A_62 = vector.shape_cast %max3A_8 : vector<16xi32> to vector<16x1xi32>
      %gather3A = vector.shape_cast %broadcast_in_dim3A_62 : vector<16x1xi32> to vector<16xi32>
      %gather3A_63 = tpu.dynamic_gather %masked_sort3A_38[%gather3A] in [0] : vector<16xf32>, vector<16xi32> -> vector<16xf32>
      %select_n3A = arith.select %lt3A_4, %masked_sort3A_27, %gather3A_63 : vector<16xi1>, vector<16xf32>
      %broadcast_in_dim3A_64 = vector.shape_cast %max3A_8 : vector<16xi32> to vector<16x1xi32>
      %gather3A_65 = vector.shape_cast %broadcast_in_dim3A_64 : vector<16x1xi32> to vector<16xi32>
      %gather3A_66 = tpu.dynamic_gather %masked_sort3A_39[%gather3A_65] in [0] : vector<16xi32>, vector<16xi32> -> vector<16xi32>
      %select_n3A_67 = arith.select %lt3A_4, %masked_sort3A_28, %gather3A_66 : vector<16xi1>, vector<16xi32>
      %masked_sort3A_68 = arith.constant dense<true> : vector<16xi1>
      %masked_sort3A_69, %masked_sort3A_70, %masked_sort3A_71 = tpu.sort %select_n3A, %select_n3A_67 masked %masked_sort3A_68 {descending = true} : (vector<16xf32>, vector<16xi32>, vector<16xi1>) -> (vector<16xi1>, vector<16xf32>, vector<16xi32>)
      %broadcast_in_dim3A_72 = vector.shape_cast %max3A_8 : vector<16xi32> to vector<16x1xi32>
      %gather3A_73 = vector.shape_cast %broadcast_in_dim3A_72 : vector<16x1xi32> to vector<16xi32>
      %gather3A_74 = tpu.dynamic_gather %masked_sort3A_60[%gather3A_73] in [0] : vector<16xf32>, vector<16xi32> -> vector<16xf32>
      %select_n3A_75 = arith.select %lt3A_4, %masked_sort3A_49, %gather3A_74 : vector<16xi1>, vector<16xf32>
      %broadcast_in_dim3A_76 = vector.shape_cast %max3A_8 : vector<16xi32> to vector<16x1xi32>
      %gather3A_77 = vector.shape_cast %broadcast_in_dim3A_76 : vector<16x1xi32> to vector<16xi32>
      %gather3A_78 = tpu.dynamic_gather %masked_sort3A_61[%gather3A_77] in [0] : vector<16xi32>, vector<16xi32> -> vector<16xi32>
      %select_n3A_79 = arith.select %lt3A_4, %masked_sort3A_50, %gather3A_78 : vector<16xi1>, vector<16xi32>
      %masked_sort3A_80 = arith.constant dense<true> : vector<16xi1>
      %masked_sort3A_81, %masked_sort3A_82, %masked_sort3A_83 = tpu.sort %select_n3A_75, %select_n3A_79 masked %masked_sort3A_80 {descending = true} : (vector<16xf32>, vector<16xi32>, vector<16xi1>) -> (vector<16xi1>, vector<16xf32>, vector<16xi32>)
      %broadcast_in_dim3A_84 = vector.shape_cast %max3A_8 : vector<16xi32> to vector<16x1xi32>
      %gather3A_85 = vector.shape_cast %broadcast_in_dim3A_84 : vector<16x1xi32> to vector<16xi32>
      %gather3A_86 = tpu.dynamic_gather %masked_sort3A_82[%gather3A_85] in [0] : vector<16xf32>, vector<16xi32> -> vector<16xf32>
      %select_n3A_87 = arith.select %lt3A_4, %masked_sort3A_70, %gather3A_86 : vector<16xi1>, vector<16xf32>
      %broadcast_in_dim3A_88 = vector.shape_cast %max3A_8 : vector<16xi32> to vector<16x1xi32>
      %gather3A_89 = vector.shape_cast %broadcast_in_dim3A_88 : vector<16x1xi32> to vector<16xi32>
      %gather3A_90 = tpu.dynamic_gather %masked_sort3A_83[%gather3A_89] in [0] : vector<16xi32>, vector<16xi32> -> vector<16xi32>
      %select_n3A_91 = arith.select %lt3A_4, %masked_sort3A_71, %gather3A_90 : vector<16xi1>, vector<16xi32>
      %masked_sort3A_92 = arith.constant dense<true> : vector<16xi1>
      %masked_sort3A_93, %masked_sort3A_94, %masked_sort3A_95 = tpu.sort %select_n3A_87, %select_n3A_91 masked %masked_sort3A_92 {descending = true} : (vector<16xf32>, vector<16xi32>, vector<16xi1>) -> (vector<16xi1>, vector<16xf32>, vector<16xi32>)
      %broadcast_in_dim3A_96 = vector.shape_cast %broadcast_in_dim3A_9 : vector<16xi32> to vector<16x1xi32>
      %gather3A_97 = vector.shape_cast %broadcast_in_dim3A_96 : vector<16x1xi32> to vector<16xi32>
      %gather3A_98 = tpu.dynamic_gather %masked_sort3A_94[%gather3A_97] in [0] : vector<16xf32>, vector<16xi32> -> vector<16xf32>
      %sub3A_99 = arith.subf %masked_sort3A_94, %gather3A_98 : vector<16xf32>
      %exp3A = math.exp %sub3A_99 : vector<16xf32>
      %jit3A = arith.constant 0.000000e+00 : f32
      %broadcast_in_dim3A_100 = vector.broadcast %jit3A : f32 to vector<16xf32>
      %select_n3A_101 = arith.select %lt3A_4, %exp3A, %broadcast_in_dim3A_100 : vector<16xi1>, vector<16xf32>
      %reduce_sum3A = arith.constant true
      %reduce_sum3A_102 = vector.broadcast %reduce_sum3A : i1 to vector<16xi1>
      %reduce_sum3A_103 = tpu.scan <sum>, %select_n3A_101 masked %reduce_sum3A_102 : vector<16xf32>, vector<16xi1> -> vector<16xf32>
      %reduce_sum3A_104 = vector.extract %reduce_sum3A_103[15] : f32 from vector<16xf32>
      %div3A = vector.broadcast %reduce_sum3A_104 : f32 to vector<16xf32>
      %div3A_105 = arith.divf %select_n3A_101, %div3A : vector<16xf32>
      %add3A_106 = arith.constant 64 : i32
      %add3A_107 = arith.addi %mul3A_19, %add3A_106 : i32
      %add3A_108 = arith.constant 0 : i32
      %add3A_109 = arith.addi %add3A_107, %add3A_108 : i32
      %get3A_110 = arith.index_cast %add3A_109 : i32 to index
      %get3A_111 = tpu.vector_load %arg5[%get3A_110] {strides = array<i32>} : memref<8192xf32, #tpu.memory_space<vmem>>, vector<16xf32>,
      %add3A_112 = arith.constant 0 : i32
      %add3A_113 = vector.broadcast %add3A_112 : i32 to vector<16xi32>
      %add3A_114 = arith.addi %iota3A, %add3A_113 : vector<16xi32>
      %masked_sort3A_115 = arith.constant dense<true> : vector<16xi1>
      %masked_sort3A_116, %masked_sort3A_117, %masked_sort3A_118 = tpu.sort %get3A_111, %add3A_114 masked %masked_sort3A_115 {descending = true} : (vector<16xf32>, vector<16xi32>, vector<16xi1>) -> (vector<16xi1>, vector<16xf32>, vector<16xi32>)
      %add3A_119 = arith.constant 16 : i32
      %add3A_120 = arith.addi %add3A_107, %add3A_119 : i32
      %get3A_121 = arith.index_cast %add3A_120 : i32 to index
      %get3A_122 = tpu.vector_load %arg5[%get3A_121] {strides = array<i32>} : memref<8192xf32, #tpu.memory_space<vmem>>, vector<16xf32>,
      %add3A_123 = arith.constant 16 : i32
      %add3A_124 = vector.broadcast %add3A_123 : i32 to vector<16xi32>
      %add3A_125 = arith.addi %iota3A, %add3A_124 : vector<16xi32>
      %masked_sort3A_126 = arith.constant dense<true> : vector<16xi1>
      %masked_sort3A_127, %masked_sort3A_128, %masked_sort3A_129 = tpu.sort %get3A_122, %add3A_125 masked %masked_sort3A_126 {descending = true} : (vector<16xf32>, vector<16xi32>, vector<16xi1>) -> (vector<16xi1>, vector<16xf32>, vector<16xi32>)
      %add3A_130 = arith.constant 32 : i32
      %add3A_131 = arith.addi %add3A_107, %add3A_130 : i32
      %get3A_132 = arith.index_cast %add3A_131 : i32 to index
      %get3A_133 = tpu.vector_load %arg5[%get3A_132] {strides = array<i32>} : memref<8192xf32, #tpu.memory_space<vmem>>, vector<16xf32>,
      %add3A_134 = arith.constant 32 : i32
      %add3A_135 = vector.broadcast %add3A_134 : i32 to vector<16xi32>
      %add3A_136 = arith.addi %iota3A, %add3A_135 : vector<16xi32>
      %masked_sort3A_137 = arith.constant dense<true> : vector<16xi1>
      %masked_sort3A_138, %masked_sort3A_139, %masked_sort3A_140 = tpu.sort %get3A_133, %add3A_136 masked %masked_sort3A_137 {descending = true} : (vector<16xf32>, vector<16xi32>, vector<16xi1>) -> (vector<16xi1>, vector<16xf32>, vector<16xi32>)
      %add3A_141 = arith.constant 48 : i32
      %add3A_142 = arith.addi %add3A_107, %add3A_141 : i32
      %get3A_143 = arith.index_cast %add3A_142 : i32 to index
      %get3A_144 = tpu.vector_load %arg5[%get3A_143] {strides = array<i32>} : memref<8192xf32, #tpu.memory_space<vmem>>, vector<16xf32>,
      %add3A_145 = arith.constant 48 : i32
      %add3A_146 = vector.broadcast %add3A_145 : i32 to vector<16xi32>
      %add3A_147 = arith.addi %iota3A, %add3A_146 : vector<16xi32>
      %masked_sort3A_148 = arith.constant dense<true> : vector<16xi1>
      %masked_sort3A_149, %masked_sort3A_150, %masked_sort3A_151 = tpu.sort %get3A_144, %add3A_147 masked %masked_sort3A_148 {descending = true} : (vector<16xf32>, vector<16xi32>, vector<16xi1>) -> (vector<16xi1>, vector<16xf32>, vector<16xi32>)
      %broadcast_in_dim3A_152 = vector.shape_cast %max3A_8 : vector<16xi32> to vector<16x1xi32>
      %gather3A_153 = vector.shape_cast %broadcast_in_dim3A_152 : vector<16x1xi32> to vector<16xi32>
      %gather3A_154 = tpu.dynamic_gather %masked_sort3A_128[%gather3A_153] in [0] : vector<16xf32>, vector<16xi32> -> vector<16xf32>
      %select_n3A_155 = arith.select %lt3A_4, %masked_sort3A_117, %gather3A_154 : vector<16xi1>, vector<16xf32>
      %broadcast_in_dim3A_156 = vector.shape_cast %max3A_8 : vector<16xi32> to vector<16x1xi32>
      %gather3A_157 = vector.shape_cast %broadcast_in_dim3A_156 : vector<16x1xi32> to vector<16xi32>
      %gather3A_158 = tpu.dynamic_gather %masked_sort3A_129[%gather3A_157] in [0] : vector<16xi32>, vector<16xi32> -> vector<16xi32>
      %select_n3A_159 = arith.select %lt3A_4, %masked_sort3A_118, %gather3A_158 : vector<16xi1>, vector<16xi32>
      %masked_sort3A_160 = arith.constant dense<true> : vector<16xi1>
      %masked_sort3A_161, %masked_sort3A_162, %masked_sort3A_163 = tpu.sort %select_n3A_155, %select_n3A_159 masked %masked_sort3A_160 {descending = true} : (vector<16xf32>, vector<16xi32>, vector<16xi1>) -> (vector<16xi1>, vector<16xf32>, vector<16xi32>)
      %broadcast_in_dim3A_164 = vector.shape_cast %max3A_8 : vector<16xi32> to vector<16x1xi32>
      %gather3A_165 = vector.shape_cast %broadcast_in_dim3A_164 : vector<16x1xi32> to vector<16xi32>
      %gather3A_166 = tpu.dynamic_gather %masked_sort3A_150[%gather3A_165] in [0] : vector<16xf32>, vector<16xi32> -> vector<16xf32>
      %select_n3A_167 = arith.select %lt3A_4, %masked_sort3A_139, %gather3A_166 : vector<16xi1>, vector<16xf32>
      %broadcast_in_dim3A_168 = vector.shape_cast %max3A_8 : vector<16xi32> to vector<16x1xi32>
      %gather3A_169 = vector.shape_cast %broadcast_in_dim3A_168 : vector<16x1xi32> to vector<16xi32>
      %gather3A_170 = tpu.dynamic_gather %masked_sort3A_151[%gather3A_169] in [0] : vector<16xi32>, vector<16xi32> -> vector<16xi32>
      %select_n3A_171 = arith.select %lt3A_4, %masked_sort3A_140, %gather3A_170 : vector<16xi1>, vector<16xi32>
      %masked_sort3A_172 = arith.constant dense<true> : vector<16xi1>
      %masked_sort3A_173, %masked_sort3A_174, %masked_sort3A_175 = tpu.sort %select_n3A_167, %select_n3A_171 masked %masked_sort3A_172 {descending = true} : (vector<16xf32>, vector<16xi32>, vector<16xi1>) -> (vector<16xi1>, vector<16xf32>, vector<16xi32>)
      %broadcast_in_dim3A_176 = vector.shape_cast %max3A_8 : vector<16xi32> to vector<16x1xi32>
      %gather3A_177 = vector.shape_cast %broadcast_in_dim3A_176 : vector<16x1xi32> to vector<16xi32>
      %gather3A_178 = tpu.dynamic_gather %masked_sort3A_174[%gather3A_177] in [0] : vector<16xf32>, vector<16xi32> -> vector<16xf32>
      %select_n3A_179 = arith.select %lt3A_4, %masked_sort3A_162, %gather3A_178 : vector<16xi1>, vector<16xf32>
      %broadcast_in_dim3A_180 = vector.shape_cast %max3A_8 : vector<16xi32> to vector<16x1xi32>
      %gather3A_181 = vector.shape_cast %broadcast_in_dim3A_180 : vector<16x1xi32> to vector<16xi32>
      %gather3A_182 = tpu.dynamic_gather %masked_sort3A_175[%gather3A_181] in [0] : vector<16xi32>, vector<16xi32> -> vector<16xi32>
      %select_n3A_183 = arith.select %lt3A_4, %masked_sort3A_163, %gather3A_182 : vector<16xi1>, vector<16xi32>
      %masked_sort3A_184 = arith.constant dense<true> : vector<16xi1>
      %masked_sort3A_185, %masked_sort3A_186, %masked_sort3A_187 = tpu.sort %select_n3A_179, %select_n3A_183 masked %masked_sort3A_184 {descending = true} : (vector<16xf32>, vector<16xi32>, vector<16xi1>) -> (vector<16xi1>, vector<16xf32>, vector<16xi32>)
      %broadcast_in_dim3A_188 = vector.shape_cast %broadcast_in_dim3A_9 : vector<16xi32> to vector<16x1xi32>
      %gather3A_189 = vector.shape_cast %broadcast_in_dim3A_188 : vector<16x1xi32> to vector<16xi32>
      %gather3A_190 = tpu.dynamic_gather %masked_sort3A_186[%gather3A_189] in [0] : vector<16xf32>, vector<16xi32> -> vector<16xf32>
      %sub3A_191 = arith.subf %masked_sort3A_186, %gather3A_190 : vector<16xf32>
      %exp3A_192 = math.exp %sub3A_191 : vector<16xf32>
      %jit3A_193 = arith.constant 0.000000e+00 : f32
      %broadcast_in_dim3A_194 = vector.broadcast %jit3A_193 : f32 to vector<16xf32>
      %select_n3A_195 = arith.select %lt3A_4, %exp3A_192, %broadcast_in_dim3A_194 : vector<16xi1>, vector<16xf32>
      %reduce_sum3A_196 = arith.constant true
      %reduce_sum3A_197 = vector.broadcast %reduce_sum3A_196 : i1 to vector<16xi1>
      %reduce_sum3A_198 = tpu.scan <sum>, %select_n3A_195 masked %reduce_sum3A_197 : vector<16xf32>, vector<16xi1> -> vector<16xf32>
      %reduce_sum3A_199 = vector.extract %reduce_sum3A_198[15] : f32 from vector<16xf32>
      %div3A_200 = vector.broadcast %reduce_sum3A_199 : f32 to vector<16xf32>
      %div3A_201 = arith.divf %select_n3A_195, %div3A_200 : vector<16xf32>
      %broadcast_in_dim3A_202 = vector.shape_cast %max3A_8 : vector<16xi32> to vector<16x1xi32>
      %gather3A_203 = vector.shape_cast %broadcast_in_dim3A_202 : vector<16x1xi32> to vector<16xi32>
      %gather3A_204 = tpu.dynamic_gather %div3A_201[%gather3A_203] in [0] : vector<16xf32>, vector<16xi32> -> vector<16xf32>
      %select_n3A_205 = arith.select %lt3A_4, %div3A_105, %gather3A_204 : vector<16xi1>, vector<16xf32>
      %broadcast_in_dim3A_206 = vector.shape_cast %max3A_8 : vector<16xi32> to vector<16x1xi32>
      %gather3A_207 = vector.shape_cast %broadcast_in_dim3A_206 : vector<16x1xi32> to vector<16xi32>
      %gather3A_208 = tpu.dynamic_gather %masked_sort3A_187[%gather3A_207] in [0] : vector<16xi32>, vector<16xi32> -> vector<16xi32>
      %select_n3A_209 = arith.select %lt3A_4, %masked_sort3A_95, %gather3A_208 : vector<16xi1>, vector<16xi32>
      %mul3A_210 = arith.constant 16 : i32
      %mul3A_211 = arith.muli %scan3A_17, %mul3A_210 : i32
      %swap3A = arith.index_cast %mul3A_211 : i32 to index
      %swap3A_212 = tpu.vector_load %arg6[%swap3A] {strides = array<i32>} : memref<1024xf32, #tpu.memory_space<vmem>>, vector<16xf32>,
      tpu.vector_store %arg6[%swap3A], %select_n3A_205 {strides = array<i32>} : memref<1024xf32, #tpu.memory_space<vmem>>, vector<16xf32>,
      %mul3A_213 = arith.constant 16 : i32
      %mul3A_214 = arith.muli %scan3A_17, %mul3A_213 : i32
      %swap3A_215 = arith.index_cast %mul3A_214 : i32 to index
      %swap3A_216 = tpu.vector_load %arg7[%swap3A_215] {strides = array<i32>} : memref<1024xi32, #tpu.memory_space<vmem>>, vector<16xi32>,
      tpu.vector_store %arg7[%swap3A_215], %select_n3A_209 {strides = array<i32>} : memref<1024xi32, #tpu.memory_space<vmem>>, vector<16xi32>,
    }
    %scan3A_14 = arith.constant 64 : i32
    %mul3A_15 = arith.constant 1024 : i32
    %mul3A_16 = arith.muli %add3A, %mul3A_15 : i32
    "tpu.region"() ({
      %run_scoped3A = tpu.sem_alloc : memref<!tpu.dma_semaphore, #tpu.memory_space<semaphore_mem>>
      %dma_start3A = tpu.memref_slice %arg3[%mul3A_16] : memref<32768xf32, #tpu.memory_space<hbm>> -> memref<1024xf32, #tpu.memory_space<hbm>>
      %dma_start3A_17 = tpu.memref_slice %arg3[%mul3A_16] : memref<32768xf32, #tpu.memory_space<hbm>> -> memref<1024xf32, #tpu.memory_space<hbm>>
      tpu.enqueue_dma source(%arg6 : memref<1024xf32, #tpu.memory_space<vmem>>) target(%dma_start3A_17 : memref<1024xf32, #tpu.memory_space<hbm>>) target_semaphore(%run_scoped3A : memref<!tpu.dma_semaphore, #tpu.memory_space<semaphore_mem>>)
      %dma_wait3A = tpu.memref_slice %arg3[%mul3A_16] : memref<32768xf32, #tpu.memory_space<hbm>> -> memref<1024xf32, #tpu.memory_space<hbm>>
      %dma_wait3A_18 = tpu.memref_slice %arg3[%mul3A_16] : memref<32768xf32, #tpu.memory_space<hbm>> -> memref<1024xf32, #tpu.memory_space<hbm>>
      tpu.wait_dma2 semaphore(%run_scoped3A : memref<!tpu.dma_semaphore, #tpu.memory_space<semaphore_mem>>) src(%arg6 : memref<1024xf32, #tpu.memory_space<vmem>>) dst(%dma_wait3A_18 : memref<1024xf32, #tpu.memory_space<hbm>>)
      tpu.yield
    }) : () -> ()
    "tpu.region"() ({
      %run_scoped3A = tpu.sem_alloc : memref<!tpu.dma_semaphore, #tpu.memory_space<semaphore_mem>>
      %dma_start3A = tpu.memref_slice %arg4[%mul3A_16] : memref<32768xi32, #tpu.memory_space<hbm>> -> memref<1024xi32, #tpu.memory_space<hbm>>
      %dma_start3A_17 = tpu.memref_slice %arg4[%mul3A_16] : memref<32768xi32, #tpu.memory_space<hbm>> -> memref<1024xi32, #tpu.memory_space<hbm>>
      tpu.enqueue_dma source(%arg7 : memref<1024xi32, #tpu.memory_space<vmem>>) target(%dma_start3A_17 : memref<1024xi32, #tpu.memory_space<hbm>>) target_semaphore(%run_scoped3A : memref<!tpu.dma_semaphore, #tpu.memory_space<semaphore_mem>>)
      %dma_wait3A = tpu.memref_slice %arg4[%mul3A_16] : memref<32768xi32, #tpu.memory_space<hbm>> -> memref<1024xi32, #tpu.memory_space<hbm>>
      %dma_wait3A_18 = tpu.memref_slice %arg4[%mul3A_16] : memref<32768xi32, #tpu.memory_space<hbm>> -> memref<1024xi32, #tpu.memory_space<hbm>>
      tpu.wait_dma2 semaphore(%run_scoped3A : memref<!tpu.dma_semaphore, #tpu.memory_space<semaphore_mem>>) src(%arg7 : memref<1024xi32, #tpu.memory_space<vmem>>) dst(%dma_wait3A_18 : memref<1024xi32, #tpu.memory_space<hbm>>)
      tpu.yield
    }) : () -> ()
    return
  }
}

#map = affine_map<(d0, d1) -> (0)>
module attributes {stable_mosaic.version = 14 : i64} {
  func.func @_sc_topk_body(%arg0: i32, %arg1: i32, %arg2: memref<262144xf32, #tpu.memory_space<hbm>>, %arg3: memref<32768xf32, #tpu.memory_space<hbm>>, %arg4: memref<32768xi32, #tpu.memory_space<hbm>>, %arg5: memref<8192xf32, #tpu.memory_space<vmem>>, %arg6: memref<1024xf32, #tpu.memory_space<vmem>>, %arg7: memref<1024xi32, #tpu.memory_space<vmem>>) attributes {dimension_semantics = [#tpu.dimension_semantics<core_parallel>, #tpu.dimension_semantics<subcore_parallel>], iteration_bounds = array<i64: 2, 16>, scalar_prefetch = 0 : i64, scratch_operands = 3 : i64, tpu.core_type = #tpu.core_type<sc_vector_subcore>, window_params = [{transform_indices = #map}, {transform_indices = #map}, {transform_indices = #map}]} {
    %mul3A = arith.constant 2 : i32
    %mul3A_0 = arith.muli %arg1, %mul3A : i32
    %add3A = arith.addi %mul3A_0, %arg0 : i32
    %mul3A_1 = arith.constant 8192 : i32
    %mul3A_2 = arith.muli %add3A, %mul3A_1 : i32
    "tpu.region"() ({
      %run_scoped3A = tpu.sem_alloc : memref<!tpu.dma_semaphore, #tpu.memory_space<semaphore_mem>>
      %dma_start3A = tpu.memref_slice %arg2[%mul3A_2] : memref<262144xf32, #tpu.memory_space<hbm>> -> memref<8192xf32, #tpu.memory_space<hbm>>
      %dma_start3A_17 = tpu.memref_slice %arg2[%mul3A_2] : memref<262144xf32, #tpu.memory_space<hbm>> -> memref<8192xf32, #tpu.memory_space<hbm>>
      tpu.enqueue_dma source(%dma_start3A_17 : memref<8192xf32, #tpu.memory_space<hbm>>) target(%arg5 : memref<8192xf32, #tpu.memory_space<vmem>>) target_semaphore(%run_scoped3A : memref<!tpu.dma_semaphore, #tpu.memory_space<semaphore_mem>>)
      %dma_wait3A = tpu.memref_slice %arg2[%mul3A_2] : memref<262144xf32, #tpu.memory_space<hbm>> -> memref<8192xf32, #tpu.memory_space<hbm>>
      %dma_wait3A_18 = tpu.memref_slice %arg2[%mul3A_2] : memref<262144xf32, #tpu.memory_space<hbm>> -> memref<8192xf32, #tpu.memory_space<hbm>>
      tpu.wait_dma2 semaphore(%run_scoped3A : memref<!tpu.dma_semaphore, #tpu.memory_space<semaphore_mem>>) src(%dma_wait3A_18 : memref<8192xf32, #tpu.memory_space<hbm>>) dst(%arg5 : memref<8192xf32, #tpu.memory_space<vmem>>)
      tpu.yield
    }) : () -> ()
    %iota3A = tpu.iota {dimensions = array<i32: 0>} : vector<16xi32>
    %lt3A = arith.constant 8 : i32
    %lt3A_3 = vector.broadcast %lt3A : i32 to vector<16xi32>
    %lt3A_4 = arith.cmpi slt, %iota3A, %lt3A_3 : vector<16xi32>
    %sub3A = arith.constant 8 : i32
    %sub3A_5 = vector.broadcast %sub3A : i32 to vector<16xi32>
    %sub3A_6 = arith.subi %iota3A, %sub3A_5 : vector<16xi32>
    %max3A = arith.constant 0 : i32
    %max3A_7 = vector.broadcast %max3A : i32 to vector<16xi32>
    %max3A_8 = arith.maxsi %sub3A_6, %max3A_7 : vector<16xi32>
    %broadcast_in_dim3A = arith.constant 0 : i32
    %broadcast_in_dim3A_9 = vector.broadcast %broadcast_in_dim3A : i32 to vector<16xi32>
    %scan3A = arith.constant 0 : i32
    %scan3A_10 = arith.constant 0 : i32
    %scan3A_11 = arith.constant 64 : i32
    %scan3A_12 = arith.addi %scan3A_10, %scan3A_11 : i32
    %scan3A_13 = arith.constant 1 : i32
    scf.for %scan3A_17 = %scan3A_10 to %scan3A_12 step %scan3A_13  : i32 {
      %mul3A_18 = arith.constant 128 : i32
      %mul3A_19 = arith.muli %scan3A_17, %mul3A_18 : i32
      %add3A_20 = arith.constant 0 : i32
      %add3A_21 = arith.addi %mul3A_19, %add3A_20 : i32
      %get3A = arith.index_cast %add3A_21 : i32 to index
      %get3A_22 = tpu.vector_load %arg5[%get3A] {strides = array<i32>} : memref<8192xf32, #tpu.memory_space<vmem>>, vector<16xf32>,
      %add3A_23 = arith.constant 0 : i32
      %add3A_24 = vector.broadcast %add3A_23 : i32 to vector<16xi32>
      %add3A_25 = arith.addi %iota3A, %add3A_24 : vector<16xi32>
      %masked_sort3A = arith.constant dense<true> : vector<16xi1>
      %masked_sort3A_26, %masked_sort3A_27, %masked_sort3A_28 = tpu.sort %get3A_22, %add3A_25 masked %masked_sort3A {descending = true} : (vector<16xf32>, vector<16xi32>, vector<16xi1>) -> (vector<16xi1>, vector<16xf32>, vector<16xi32>)
      %add3A_29 = arith.constant 16 : i32
      %add3A_30 = arith.addi %mul3A_19, %add3A_29 : i32
      %get3A_31 = arith.index_cast %add3A_30 : i32 to index
      %get3A_32 = tpu.vector_load %arg5[%get3A_31] {strides = array<i32>} : memref<8192xf32, #tpu.memory_space<vmem>>, vector<16xf32>,
      %add3A_33 = arith.constant 16 : i32
      %add3A_34 = vector.broadcast %add3A_33 : i32 to vector<16xi32>
      %add3A_35 = arith.addi %iota3A, %add3A_34 : vector<16xi32>
      %masked_sort3A_36 = arith.constant dense<true> : vector<16xi1>
      %masked_sort3A_37, %masked_sort3A_38, %masked_sort3A_39 = tpu.sort %get3A_32, %add3A_35 masked %masked_sort3A_36 {descending = true} : (vector<16xf32>, vector<16xi32>, vector<16xi1>) -> (vector<16xi1>, vector<16xf32>, vector<16xi32>)
      %add3A_40 = arith.constant 32 : i32
      %add3A_41 = arith.addi %mul3A_19, %add3A_40 : i32
      %get3A_42 = arith.index_cast %add3A_41 : i32 to index
      %get3A_43 = tpu.vector_load %arg5[%get3A_42] {strides = array<i32>} : memref<8192xf32, #tpu.memory_space<vmem>>, vector<16xf32>,
      %add3A_44 = arith.constant 32 : i32
      %add3A_45 = vector.broadcast %add3A_44 : i32 to vector<16xi32>
      %add3A_46 = arith.addi %iota3A, %add3A_45 : vector<16xi32>
      %masked_sort3A_47 = arith.constant dense<true> : vector<16xi1>
      %masked_sort3A_48, %masked_sort3A_49, %masked_sort3A_50 = tpu.sort %get3A_43, %add3A_46 masked %masked_sort3A_47 {descending = true} : (vector<16xf32>, vector<16xi32>, vector<16xi1>) -> (vector<16xi1>, vector<16xf32>, vector<16xi32>)
      %add3A_51 = arith.constant 48 : i32
      %add3A_52 = arith.addi %mul3A_19, %add3A_51 : i32
      %get3A_53 = arith.index_cast %add3A_52 : i32 to index
      %get3A_54 = tpu.vector_load %arg5[%get3A_53] {strides = array<i32>} : memref<8192xf32, #tpu.memory_space<vmem>>, vector<16xf32>,
      %add3A_55 = arith.constant 48 : i32
      %add3A_56 = vector.broadcast %add3A_55 : i32 to vector<16xi32>
      %add3A_57 = arith.addi %iota3A, %add3A_56 : vector<16xi32>
      %masked_sort3A_58 = arith.constant dense<true> : vector<16xi1>
      %masked_sort3A_59, %masked_sort3A_60, %masked_sort3A_61 = tpu.sort %get3A_54, %add3A_57 masked %masked_sort3A_58 {descending = true} : (vector<16xf32>, vector<16xi32>, vector<16xi1>) -> (vector<16xi1>, vector<16xf32>, vector<16xi32>)
      %broadcast_in_dim3A_62 = vector.shape_cast %max3A_8 : vector<16xi32> to vector<16x1xi32>
      %gather3A = vector.shape_cast %broadcast_in_dim3A_62 : vector<16x1xi32> to vector<16xi32>
      %gather3A_63 = tpu.dynamic_gather %masked_sort3A_38[%gather3A] in [0] : vector<16xf32>, vector<16xi32> -> vector<16xf32>
      %select_n3A = arith.select %lt3A_4, %masked_sort3A_27, %gather3A_63 : vector<16xi1>, vector<16xf32>
      %broadcast_in_dim3A_64 = vector.shape_cast %max3A_8 : vector<16xi32> to vector<16x1xi32>
      %gather3A_65 = vector.shape_cast %broadcast_in_dim3A_64 : vector<16x1xi32> to vector<16xi32>
      %gather3A_66 = tpu.dynamic_gather %masked_sort3A_39[%gather3A_65] in [0] : vector<16xi32>, vector<16xi32> -> vector<16xi32>
      %select_n3A_67 = arith.select %lt3A_4, %masked_sort3A_28, %gather3A_66 : vector<16xi1>, vector<16xi32>
      %masked_sort3A_68 = arith.constant dense<true> : vector<16xi1>
      %masked_sort3A_69, %masked_sort3A_70, %masked_sort3A_71 = tpu.sort %select_n3A, %select_n3A_67 masked %masked_sort3A_68 {descending = true} : (vector<16xf32>, vector<16xi32>, vector<16xi1>) -> (vector<16xi1>, vector<16xf32>, vector<16xi32>)
      %broadcast_in_dim3A_72 = vector.shape_cast %max3A_8 : vector<16xi32> to vector<16x1xi32>
      %gather3A_73 = vector.shape_cast %broadcast_in_dim3A_72 : vector<16x1xi32> to vector<16xi32>
      %gather3A_74 = tpu.dynamic_gather %masked_sort3A_60[%gather3A_73] in [0] : vector<16xf32>, vector<16xi32> -> vector<16xf32>
      %select_n3A_75 = arith.select %lt3A_4, %masked_sort3A_49, %gather3A_74 : vector<16xi1>, vector<16xf32>
      %broadcast_in_dim3A_76 = vector.shape_cast %max3A_8 : vector<16xi32> to vector<16x1xi32>
      %gather3A_77 = vector.shape_cast %broadcast_in_dim3A_76 : vector<16x1xi32> to vector<16xi32>
      %gather3A_78 = tpu.dynamic_gather %masked_sort3A_61[%gather3A_77] in [0] : vector<16xi32>, vector<16xi32> -> vector<16xi32>
      %select_n3A_79 = arith.select %lt3A_4, %masked_sort3A_50, %gather3A_78 : vector<16xi1>, vector<16xi32>
      %masked_sort3A_80 = arith.constant dense<true> : vector<16xi1>
      %masked_sort3A_81, %masked_sort3A_82, %masked_sort3A_83 = tpu.sort %select_n3A_75, %select_n3A_79 masked %masked_sort3A_80 {descending = true} : (vector<16xf32>, vector<16xi32>, vector<16xi1>) -> (vector<16xi1>, vector<16xf32>, vector<16xi32>)
      %broadcast_in_dim3A_84 = vector.shape_cast %max3A_8 : vector<16xi32> to vector<16x1xi32>
      %gather3A_85 = vector.shape_cast %broadcast_in_dim3A_84 : vector<16x1xi32> to vector<16xi32>
      %gather3A_86 = tpu.dynamic_gather %masked_sort3A_82[%gather3A_85] in [0] : vector<16xf32>, vector<16xi32> -> vector<16xf32>
      %select_n3A_87 = arith.select %lt3A_4, %masked_sort3A_70, %gather3A_86 : vector<16xi1>, vector<16xf32>
      %broadcast_in_dim3A_88 = vector.shape_cast %max3A_8 : vector<16xi32> to vector<16x1xi32>
      %gather3A_89 = vector.shape_cast %broadcast_in_dim3A_88 : vector<16x1xi32> to vector<16xi32>
      %gather3A_90 = tpu.dynamic_gather %masked_sort3A_83[%gather3A_89] in [0] : vector<16xi32>, vector<16xi32> -> vector<16xi32>
      %select_n3A_91 = arith.select %lt3A_4, %masked_sort3A_71, %gather3A_90 : vector<16xi1>, vector<16xi32>
      %masked_sort3A_92 = arith.constant dense<true> : vector<16xi1>
      %masked_sort3A_93, %masked_sort3A_94, %masked_sort3A_95 = tpu.sort %select_n3A_87, %select_n3A_91 masked %masked_sort3A_92 {descending = true} : (vector<16xf32>, vector<16xi32>, vector<16xi1>) -> (vector<16xi1>, vector<16xf32>, vector<16xi32>)
      %broadcast_in_dim3A_96 = vector.shape_cast %broadcast_in_dim3A_9 : vector<16xi32> to vector<16x1xi32>
      %gather3A_97 = vector.shape_cast %broadcast_in_dim3A_96 : vector<16x1xi32> to vector<16xi32>
      %gather3A_98 = tpu.dynamic_gather %masked_sort3A_94[%gather3A_97] in [0] : vector<16xf32>, vector<16xi32> -> vector<16xf32>
      %sub3A_99 = arith.subf %masked_sort3A_94, %gather3A_98 : vector<16xf32>
      %exp3A = math.exp %sub3A_99 : vector<16xf32>
      %jit3A = arith.constant 0.000000e+00 : f32
      %broadcast_in_dim3A_100 = vector.broadcast %jit3A : f32 to vector<16xf32>
      %select_n3A_101 = arith.select %lt3A_4, %exp3A, %broadcast_in_dim3A_100 : vector<16xi1>, vector<16xf32>
      %reduce_sum3A = arith.constant true
      %reduce_sum3A_102 = vector.broadcast %reduce_sum3A : i1 to vector<16xi1>
      %reduce_sum3A_103 = tpu.scan <sum>, %select_n3A_101 masked %reduce_sum3A_102 : vector<16xf32>, vector<16xi1> -> vector<16xf32>
      %reduce_sum3A_104 = vector.extract %reduce_sum3A_103[15] : f32 from vector<16xf32>
      %div3A = vector.broadcast %reduce_sum3A_104 : f32 to vector<16xf32>
      %div3A_105 = arith.divf %select_n3A_101, %div3A : vector<16xf32>
      %add3A_106 = arith.constant 64 : i32
      %add3A_107 = arith.addi %mul3A_19, %add3A_106 : i32
      %add3A_108 = arith.constant 0 : i32
      %add3A_109 = arith.addi %add3A_107, %add3A_108 : i32
      %get3A_110 = arith.index_cast %add3A_109 : i32 to index
      %get3A_111 = tpu.vector_load %arg5[%get3A_110] {strides = array<i32>} : memref<8192xf32, #tpu.memory_space<vmem>>, vector<16xf32>,
      %add3A_112 = arith.constant 0 : i32
      %add3A_113 = vector.broadcast %add3A_112 : i32 to vector<16xi32>
      %add3A_114 = arith.addi %iota3A, %add3A_113 : vector<16xi32>
      %masked_sort3A_115 = arith.constant dense<true> : vector<16xi1>
      %masked_sort3A_116, %masked_sort3A_117, %masked_sort3A_118 = tpu.sort %get3A_111, %add3A_114 masked %masked_sort3A_115 {descending = true} : (vector<16xf32>, vector<16xi32>, vector<16xi1>) -> (vector<16xi1>, vector<16xf32>, vector<16xi32>)
      %add3A_119 = arith.constant 16 : i32
      %add3A_120 = arith.addi %add3A_107, %add3A_119 : i32
      %get3A_121 = arith.index_cast %add3A_120 : i32 to index
      %get3A_122 = tpu.vector_load %arg5[%get3A_121] {strides = array<i32>} : memref<8192xf32, #tpu.memory_space<vmem>>, vector<16xf32>,
      %add3A_123 = arith.constant 16 : i32
      %add3A_124 = vector.broadcast %add3A_123 : i32 to vector<16xi32>
      %add3A_125 = arith.addi %iota3A, %add3A_124 : vector<16xi32>
      %masked_sort3A_126 = arith.constant dense<true> : vector<16xi1>
      %masked_sort3A_127, %masked_sort3A_128, %masked_sort3A_129 = tpu.sort %get3A_122, %add3A_125 masked %masked_sort3A_126 {descending = true} : (vector<16xf32>, vector<16xi32>, vector<16xi1>) -> (vector<16xi1>, vector<16xf32>, vector<16xi32>)
      %add3A_130 = arith.constant 32 : i32
      %add3A_131 = arith.addi %add3A_107, %add3A_130 : i32
      %get3A_132 = arith.index_cast %add3A_131 : i32 to index
      %get3A_133 = tpu.vector_load %arg5[%get3A_132] {strides = array<i32>} : memref<8192xf32, #tpu.memory_space<vmem>>, vector<16xf32>,
      %add3A_134 = arith.constant 32 : i32
      %add3A_135 = vector.broadcast %add3A_134 : i32 to vector<16xi32>
      %add3A_136 = arith.addi %iota3A, %add3A_135 : vector<16xi32>
      %masked_sort3A_137 = arith.constant dense<true> : vector<16xi1>
      %masked_sort3A_138, %masked_sort3A_139, %masked_sort3A_140 = tpu.sort %get3A_133, %add3A_136 masked %masked_sort3A_137 {descending = true} : (vector<16xf32>, vector<16xi32>, vector<16xi1>) -> (vector<16xi1>, vector<16xf32>, vector<16xi32>)
      %add3A_141 = arith.constant 48 : i32
      %add3A_142 = arith.addi %add3A_107, %add3A_141 : i32
      %get3A_143 = arith.index_cast %add3A_142 : i32 to index
      %get3A_144 = tpu.vector_load %arg5[%get3A_143] {strides = array<i32>} : memref<8192xf32, #tpu.memory_space<vmem>>, vector<16xf32>,
      %add3A_145 = arith.constant 48 : i32
      %add3A_146 = vector.broadcast %add3A_145 : i32 to vector<16xi32>
      %add3A_147 = arith.addi %iota3A, %add3A_146 : vector<16xi32>
      %masked_sort3A_148 = arith.constant dense<true> : vector<16xi1>
      %masked_sort3A_149, %masked_sort3A_150, %masked_sort3A_151 = tpu.sort %get3A_144, %add3A_147 masked %masked_sort3A_148 {descending = true} : (vector<16xf32>, vector<16xi32>, vector<16xi1>) -> (vector<16xi1>, vector<16xf32>, vector<16xi32>)
      %broadcast_in_dim3A_152 = vector.shape_cast %max3A_8 : vector<16xi32> to vector<16x1xi32>
      %gather3A_153 = vector.shape_cast %broadcast_in_dim3A_152 : vector<16x1xi32> to vector<16xi32>
      %gather3A_154 = tpu.dynamic_gather %masked_sort3A_128[%gather3A_153] in [0] : vector<16xf32>, vector<16xi32> -> vector<16xf32>
      %select_n3A_155 = arith.select %lt3A_4, %masked_sort3A_117, %gather3A_154 : vector<16xi1>, vector<16xf32>
      %broadcast_in_dim3A_156 = vector.shape_cast %max3A_8 : vector<16xi32> to vector<16x1xi32>
      %gather3A_157 = vector.shape_cast %broadcast_in_dim3A_156 : vector<16x1xi32> to vector<16xi32>
      %gather3A_158 = tpu.dynamic_gather %masked_sort3A_129[%gather3A_157] in [0] : vector<16xi32>, vector<16xi32> -> vector<16xi32>
      %select_n3A_159 = arith.select %lt3A_4, %masked_sort3A_118, %gather3A_158 : vector<16xi1>, vector<16xi32>
      %masked_sort3A_160 = arith.constant dense<true> : vector<16xi1>
      %masked_sort3A_161, %masked_sort3A_162, %masked_sort3A_163 = tpu.sort %select_n3A_155, %select_n3A_159 masked %masked_sort3A_160 {descending = true} : (vector<16xf32>, vector<16xi32>, vector<16xi1>) -> (vector<16xi1>, vector<16xf32>, vector<16xi32>)
      %broadcast_in_dim3A_164 = vector.shape_cast %max3A_8 : vector<16xi32> to vector<16x1xi32>
      %gather3A_165 = vector.shape_cast %broadcast_in_dim3A_164 : vector<16x1xi32> to vector<16xi32>
      %gather3A_166 = tpu.dynamic_gather %masked_sort3A_150[%gather3A_165] in [0] : vector<16xf32>, vector<16xi32> -> vector<16xf32>
      %select_n3A_167 = arith.select %lt3A_4, %masked_sort3A_139, %gather3A_166 : vector<16xi1>, vector<16xf32>
      %broadcast_in_dim3A_168 = vector.shape_cast %max3A_8 : vector<16xi32> to vector<16x1xi32>
      %gather3A_169 = vector.shape_cast %broadcast_in_dim3A_168 : vector<16x1xi32> to vector<16xi32>
      %gather3A_170 = tpu.dynamic_gather %masked_sort3A_151[%gather3A_169] in [0] : vector<16xi32>, vector<16xi32> -> vector<16xi32>
      %select_n3A_171 = arith.select %lt3A_4, %masked_sort3A_140, %gather3A_170 : vector<16xi1>, vector<16xi32>
      %masked_sort3A_172 = arith.constant dense<true> : vector<16xi1>
      %masked_sort3A_173, %masked_sort3A_174, %masked_sort3A_175 = tpu.sort %select_n3A_167, %select_n3A_171 masked %masked_sort3A_172 {descending = true} : (vector<16xf32>, vector<16xi32>, vector<16xi1>) -> (vector<16xi1>, vector<16xf32>, vector<16xi32>)
      %broadcast_in_dim3A_176 = vector.shape_cast %max3A_8 : vector<16xi32> to vector<16x1xi32>
      %gather3A_177 = vector.shape_cast %broadcast_in_dim3A_176 : vector<16x1xi32> to vector<16xi32>
      %gather3A_178 = tpu.dynamic_gather %masked_sort3A_174[%gather3A_177] in [0] : vector<16xf32>, vector<16xi32> -> vector<16xf32>
      %select_n3A_179 = arith.select %lt3A_4, %masked_sort3A_162, %gather3A_178 : vector<16xi1>, vector<16xf32>
      %broadcast_in_dim3A_180 = vector.shape_cast %max3A_8 : vector<16xi32> to vector<16x1xi32>
      %gather3A_181 = vector.shape_cast %broadcast_in_dim3A_180 : vector<16x1xi32> to vector<16xi32>
      %gather3A_182 = tpu.dynamic_gather %masked_sort3A_175[%gather3A_181] in [0] : vector<16xi32>, vector<16xi32> -> vector<16xi32>
      %select_n3A_183 = arith.select %lt3A_4, %masked_sort3A_163, %gather3A_182 : vector<16xi1>, vector<16xi32>
      %masked_sort3A_184 = arith.constant dense<true> : vector<16xi1>
      %masked_sort3A_185, %masked_sort3A_186, %masked_sort3A_187 = tpu.sort %select_n3A_179, %select_n3A_183 masked %masked_sort3A_184 {descending = true} : (vector<16xf32>, vector<16xi32>, vector<16xi1>) -> (vector<16xi1>, vector<16xf32>, vector<16xi32>)
      %broadcast_in_dim3A_188 = vector.shape_cast %broadcast_in_dim3A_9 : vector<16xi32> to vector<16x1xi32>
      %gather3A_189 = vector.shape_cast %broadcast_in_dim3A_188 : vector<16x1xi32> to vector<16xi32>
      %gather3A_190 = tpu.dynamic_gather %masked_sort3A_186[%gather3A_189] in [0] : vector<16xf32>, vector<16xi32> -> vector<16xf32>
      %sub3A_191 = arith.subf %masked_sort3A_186, %gather3A_190 : vector<16xf32>
      %exp3A_192 = math.exp %sub3A_191 : vector<16xf32>
      %jit3A_193 = arith.constant 0.000000e+00 : f32
      %broadcast_in_dim3A_194 = vector.broadcast %jit3A_193 : f32 to vector<16xf32>
      %select_n3A_195 = arith.select %lt3A_4, %exp3A_192, %broadcast_in_dim3A_194 : vector<16xi1>, vector<16xf32>
      %reduce_sum3A_196 = arith.constant true
      %reduce_sum3A_197 = vector.broadcast %reduce_sum3A_196 : i1 to vector<16xi1>
      %reduce_sum3A_198 = tpu.scan <sum>, %select_n3A_195 masked %reduce_sum3A_197 : vector<16xf32>, vector<16xi1> -> vector<16xf32>
      %reduce_sum3A_199 = vector.extract %reduce_sum3A_198[15] : f32 from vector<16xf32>
      %div3A_200 = vector.broadcast %reduce_sum3A_199 : f32 to vector<16xf32>
      %div3A_201 = arith.divf %select_n3A_195, %div3A_200 : vector<16xf32>
      %broadcast_in_dim3A_202 = vector.shape_cast %max3A_8 : vector<16xi32> to vector<16x1xi32>
      %gather3A_203 = vector.shape_cast %broadcast_in_dim3A_202 : vector<16x1xi32> to vector<16xi32>
      %gather3A_204 = tpu.dynamic_gather %div3A_201[%gather3A_203] in [0] : vector<16xf32>, vector<16xi32> -> vector<16xf32>
      %select_n3A_205 = arith.select %lt3A_4, %div3A_105, %gather3A_204 : vector<16xi1>, vector<16xf32>
      %broadcast_in_dim3A_206 = vector.shape_cast %max3A_8 : vector<16xi32> to vector<16x1xi32>
      %gather3A_207 = vector.shape_cast %broadcast_in_dim3A_206 : vector<16x1xi32> to vector<16xi32>
      %gather3A_208 = tpu.dynamic_gather %masked_sort3A_187[%gather3A_207] in [0] : vector<16xi32>, vector<16xi32> -> vector<16xi32>
      %select_n3A_209 = arith.select %lt3A_4, %masked_sort3A_95, %gather3A_208 : vector<16xi1>, vector<16xi32>
      %mul3A_210 = arith.constant 16 : i32
      %mul3A_211 = arith.muli %scan3A_17, %mul3A_210 : i32
      %swap3A = arith.index_cast %mul3A_211 : i32 to index
      %swap3A_212 = tpu.vector_load %arg6[%swap3A] {strides = array<i32>} : memref<1024xf32, #tpu.memory_space<vmem>>, vector<16xf32>,
      tpu.vector_store %arg6[%swap3A], %select_n3A_205 {strides = array<i32>} : memref<1024xf32, #tpu.memory_space<vmem>>, vector<16xf32>,
      %mul3A_213 = arith.constant 16 : i32
      %mul3A_214 = arith.muli %scan3A_17, %mul3A_213 : i32
      %swap3A_215 = arith.index_cast %mul3A_214 : i32 to index
      %swap3A_216 = tpu.vector_load %arg7[%swap3A_215] {strides = array<i32>} : memref<1024xi32, #tpu.memory_space<vmem>>, vector<16xi32>,
      tpu.vector_store %arg7[%swap3A_215], %select_n3A_209 {strides = array<i32>} : memref<1024xi32, #tpu.memory_space<vmem>>, vector<16xi32>,
    }
    %scan3A_14 = arith.constant 64 : i32
    %mul3A_15 = arith.constant 1024 : i32
    %mul3A_16 = arith.muli %add3A, %mul3A_15 : i32
    "tpu.region"() ({
      %run_scoped3A = tpu.sem_alloc : memref<!tpu.dma_semaphore, #tpu.memory_space<semaphore_mem>>
      %dma_start3A = tpu.memref_slice %arg3[%mul3A_16] : memref<32768xf32, #tpu.memory_space<hbm>> -> memref<1024xf32, #tpu.memory_space<hbm>>
      %dma_start3A_17 = tpu.memref_slice %arg3[%mul3A_16] : memref<32768xf32, #tpu.memory_space<hbm>> -> memref<1024xf32, #tpu.memory_space<hbm>>
      tpu.enqueue_dma source(%arg6 : memref<1024xf32, #tpu.memory_space<vmem>>) target(%dma_start3A_17 : memref<1024xf32, #tpu.memory_space<hbm>>) target_semaphore(%run_scoped3A : memref<!tpu.dma_semaphore, #tpu.memory_space<semaphore_mem>>)
      %dma_wait3A = tpu.memref_slice %arg3[%mul3A_16] : memref<32768xf32, #tpu.memory_space<hbm>> -> memref<1024xf32, #tpu.memory_space<hbm>>
      %dma_wait3A_18 = tpu.memref_slice %arg3[%mul3A_16] : memref<32768xf32, #tpu.memory_space<hbm>> -> memref<1024xf32, #tpu.memory_space<hbm>>
      tpu.wait_dma2 semaphore(%run_scoped3A : memref<!tpu.dma_semaphore, #tpu.memory_space<semaphore_mem>>) src(%arg6 : memref<1024xf32, #tpu.memory_space<vmem>>) dst(%dma_wait3A_18 : memref<1024xf32, #tpu.memory_space<hbm>>)
      tpu.yield
    }) : () -> ()
    "tpu.region"() ({
      %run_scoped3A = tpu.sem_alloc : memref<!tpu.dma_semaphore, #tpu.memory_space<semaphore_mem>>
      %dma_start3A = tpu.memref_slice %arg4[%mul3A_16] : memref<32768xi32, #tpu.memory_space<hbm>> -> memref<1024xi32, #tpu.memory_space<hbm>>
      %dma_start3A_17 = tpu.memref_slice %arg4[%mul3A_16] : memref<32768xi32, #tpu.memory_space<hbm>> -> memref<1024xi32, #tpu.memory_space<hbm>>
      tpu.enqueue_dma source(%arg7 : memref<1024xi32, #tpu.memory_space<vmem>>) target(%dma_start3A_17 : memref<1024xi32, #tpu.memory_space<hbm>>) target_semaphore(%run_scoped3A : memref<!tpu.dma_semaphore, #tpu.memory_space<semaphore_mem>>)
      %dma_wait3A = tpu.memref_slice %arg4[%mul3A_16] : memref<32768xi32, #tpu.memory_space<hbm>> -> memref<1024xi32, #tpu.memory_space<hbm>>
      %dma_wait3A_18 = tpu.memref_slice %arg4[%mul3A_16] : memref<32768xi32, #tpu.memory_space<hbm>> -> memref<1024xi32, #tpu.memory_space<hbm>>
      tpu.wait_dma2 semaphore(%run_scoped3A : memref<!tpu.dma_semaphore, #tpu.memory_space<semaphore_mem>>) src(%arg7 : memref<1024xi32, #tpu.memory_space<vmem>>) dst(%dma_wait3A_18 : memref<1024xi32, #tpu.memory_space<hbm>>)
      tpu.yield
    }) : () -> ()
    return
  }
}

#map = affine_map<(d0, d1) -> (0)>
module attributes {stable_mosaic.version = 14 : i64} {
  func.func @_sc_topk_body(%arg0: i32, %arg1: i32, %arg2: memref<262144xf32, #tpu.memory_space<hbm>>, %arg3: memref<32768xf32, #tpu.memory_space<hbm>>, %arg4: memref<32768xi32, #tpu.memory_space<hbm>>, %arg5: memref<8192xf32, #tpu.memory_space<vmem>>, %arg6: memref<1024xf32, #tpu.memory_space<vmem>>, %arg7: memref<1024xi32, #tpu.memory_space<vmem>>) attributes {dimension_semantics = [#tpu.dimension_semantics<core_parallel>, #tpu.dimension_semantics<subcore_parallel>], iteration_bounds = array<i64: 2, 16>, scalar_prefetch = 0 : i64, scratch_operands = 3 : i64, tpu.core_type = #tpu.core_type<sc_vector_subcore>, window_params = [{transform_indices = #map}, {transform_indices = #map}, {transform_indices = #map}]} {
    %mul3A = arith.constant 2 : i32
    %mul3A_0 = arith.muli %arg1, %mul3A : i32
    %add3A = arith.addi %mul3A_0, %arg0 : i32
    %mul3A_1 = arith.constant 8192 : i32
    %mul3A_2 = arith.muli %add3A, %mul3A_1 : i32
    "tpu.region"() ({
      %run_scoped3A = tpu.sem_alloc : memref<!tpu.dma_semaphore, #tpu.memory_space<semaphore_mem>>
      %dma_start3A = tpu.memref_slice %arg2[%mul3A_2] : memref<262144xf32, #tpu.memory_space<hbm>> -> memref<8192xf32, #tpu.memory_space<hbm>>
      %dma_start3A_17 = tpu.memref_slice %arg2[%mul3A_2] : memref<262144xf32, #tpu.memory_space<hbm>> -> memref<8192xf32, #tpu.memory_space<hbm>>
      tpu.enqueue_dma source(%dma_start3A_17 : memref<8192xf32, #tpu.memory_space<hbm>>) target(%arg5 : memref<8192xf32, #tpu.memory_space<vmem>>) target_semaphore(%run_scoped3A : memref<!tpu.dma_semaphore, #tpu.memory_space<semaphore_mem>>)
      %dma_wait3A = tpu.memref_slice %arg2[%mul3A_2] : memref<262144xf32, #tpu.memory_space<hbm>> -> memref<8192xf32, #tpu.memory_space<hbm>>
      %dma_wait3A_18 = tpu.memref_slice %arg2[%mul3A_2] : memref<262144xf32, #tpu.memory_space<hbm>> -> memref<8192xf32, #tpu.memory_space<hbm>>
      tpu.wait_dma2 semaphore(%run_scoped3A : memref<!tpu.dma_semaphore, #tpu.memory_space<semaphore_mem>>) src(%dma_wait3A_18 : memref<8192xf32, #tpu.memory_space<hbm>>) dst(%arg5 : memref<8192xf32, #tpu.memory_space<vmem>>)
      tpu.yield
    }) : () -> ()
    %iota3A = tpu.iota {dimensions = array<i32: 0>} : vector<16xi32>
    %lt3A = arith.constant 8 : i32
    %lt3A_3 = vector.broadcast %lt3A : i32 to vector<16xi32>
    %lt3A_4 = arith.cmpi slt, %iota3A, %lt3A_3 : vector<16xi32>
    %sub3A = arith.constant 8 : i32
    %sub3A_5 = vector.broadcast %sub3A : i32 to vector<16xi32>
    %sub3A_6 = arith.subi %iota3A, %sub3A_5 : vector<16xi32>
    %max3A = arith.constant 0 : i32
    %max3A_7 = vector.broadcast %max3A : i32 to vector<16xi32>
    %max3A_8 = arith.maxsi %sub3A_6, %max3A_7 : vector<16xi32>
    %broadcast_in_dim3A = arith.constant 0 : i32
    %broadcast_in_dim3A_9 = vector.broadcast %broadcast_in_dim3A : i32 to vector<16xi32>
    %scan3A = arith.constant 0 : i32
    %scan3A_10 = arith.constant 0 : i32
    %scan3A_11 = arith.constant 64 : i32
    %scan3A_12 = arith.addi %scan3A_10, %scan3A_11 : i32
    %scan3A_13 = arith.constant 1 : i32
    scf.for %scan3A_17 = %scan3A_10 to %scan3A_12 step %scan3A_13  : i32 {
      %mul3A_18 = arith.constant 128 : i32
      %mul3A_19 = arith.muli %scan3A_17, %mul3A_18 : i32
      %add3A_20 = arith.constant 0 : i32
      %add3A_21 = arith.addi %mul3A_19, %add3A_20 : i32
      %get3A = arith.index_cast %add3A_21 : i32 to index
      %get3A_22 = tpu.vector_load %arg5[%get3A] {strides = array<i32>} : memref<8192xf32, #tpu.memory_space<vmem>>, vector<16xf32>,
      %add3A_23 = arith.constant 0 : i32
      %add3A_24 = vector.broadcast %add3A_23 : i32 to vector<16xi32>
      %add3A_25 = arith.addi %iota3A, %add3A_24 : vector<16xi32>
      %masked_sort3A = arith.constant dense<true> : vector<16xi1>
      %masked_sort3A_26, %masked_sort3A_27, %masked_sort3A_28 = tpu.sort %get3A_22, %add3A_25 masked %masked_sort3A {descending = true} : (vector<16xf32>, vector<16xi32>, vector<16xi1>) -> (vector<16xi1>, vector<16xf32>, vector<16xi32>)
      %add3A_29 = arith.constant 16 : i32
      %add3A_30 = arith.addi %mul3A_19, %add3A_29 : i32
      %get3A_31 = arith.index_cast %add3A_30 : i32 to index
      %get3A_32 = tpu.vector_load %arg5[%get3A_31] {strides = array<i32>} : memref<8192xf32, #tpu.memory_space<vmem>>, vector<16xf32>,
      %add3A_33 = arith.constant 16 : i32
      %add3A_34 = vector.broadcast %add3A_33 : i32 to vector<16xi32>
      %add3A_35 = arith.addi %iota3A, %add3A_34 : vector<16xi32>
      %masked_sort3A_36 = arith.constant dense<true> : vector<16xi1>
      %masked_sort3A_37, %masked_sort3A_38, %masked_sort3A_39 = tpu.sort %get3A_32, %add3A_35 masked %masked_sort3A_36 {descending = true} : (vector<16xf32>, vector<16xi32>, vector<16xi1>) -> (vector<16xi1>, vector<16xf32>, vector<16xi32>)
      %add3A_40 = arith.constant 32 : i32
      %add3A_41 = arith.addi %mul3A_19, %add3A_40 : i32
      %get3A_42 = arith.index_cast %add3A_41 : i32 to index
      %get3A_43 = tpu.vector_load %arg5[%get3A_42] {strides = array<i32>} : memref<8192xf32, #tpu.memory_space<vmem>>, vector<16xf32>,
      %add3A_44 = arith.constant 32 : i32
      %add3A_45 = vector.broadcast %add3A_44 : i32 to vector<16xi32>
      %add3A_46 = arith.addi %iota3A, %add3A_45 : vector<16xi32>
      %masked_sort3A_47 = arith.constant dense<true> : vector<16xi1>
      %masked_sort3A_48, %masked_sort3A_49, %masked_sort3A_50 = tpu.sort %get3A_43, %add3A_46 masked %masked_sort3A_47 {descending = true} : (vector<16xf32>, vector<16xi32>, vector<16xi1>) -> (vector<16xi1>, vector<16xf32>, vector<16xi32>)
      %add3A_51 = arith.constant 48 : i32
      %add3A_52 = arith.addi %mul3A_19, %add3A_51 : i32
      %get3A_53 = arith.index_cast %add3A_52 : i32 to index
      %get3A_54 = tpu.vector_load %arg5[%get3A_53] {strides = array<i32>} : memref<8192xf32, #tpu.memory_space<vmem>>, vector<16xf32>,
      %add3A_55 = arith.constant 48 : i32
      %add3A_56 = vector.broadcast %add3A_55 : i32 to vector<16xi32>
      %add3A_57 = arith.addi %iota3A, %add3A_56 : vector<16xi32>
      %masked_sort3A_58 = arith.constant dense<true> : vector<16xi1>
      %masked_sort3A_59, %masked_sort3A_60, %masked_sort3A_61 = tpu.sort %get3A_54, %add3A_57 masked %masked_sort3A_58 {descending = true} : (vector<16xf32>, vector<16xi32>, vector<16xi1>) -> (vector<16xi1>, vector<16xf32>, vector<16xi32>)
      %broadcast_in_dim3A_62 = vector.shape_cast %max3A_8 : vector<16xi32> to vector<16x1xi32>
      %gather3A = vector.shape_cast %broadcast_in_dim3A_62 : vector<16x1xi32> to vector<16xi32>
      %gather3A_63 = tpu.dynamic_gather %masked_sort3A_38[%gather3A] in [0] : vector<16xf32>, vector<16xi32> -> vector<16xf32>
      %select_n3A = arith.select %lt3A_4, %masked_sort3A_27, %gather3A_63 : vector<16xi1>, vector<16xf32>
      %broadcast_in_dim3A_64 = vector.shape_cast %max3A_8 : vector<16xi32> to vector<16x1xi32>
      %gather3A_65 = vector.shape_cast %broadcast_in_dim3A_64 : vector<16x1xi32> to vector<16xi32>
      %gather3A_66 = tpu.dynamic_gather %masked_sort3A_39[%gather3A_65] in [0] : vector<16xi32>, vector<16xi32> -> vector<16xi32>
      %select_n3A_67 = arith.select %lt3A_4, %masked_sort3A_28, %gather3A_66 : vector<16xi1>, vector<16xi32>
      %masked_sort3A_68 = arith.constant dense<true> : vector<16xi1>
      %masked_sort3A_69, %masked_sort3A_70, %masked_sort3A_71 = tpu.sort %select_n3A, %select_n3A_67 masked %masked_sort3A_68 {descending = true} : (vector<16xf32>, vector<16xi32>, vector<16xi1>) -> (vector<16xi1>, vector<16xf32>, vector<16xi32>)
      %broadcast_in_dim3A_72 = vector.shape_cast %max3A_8 : vector<16xi32> to vector<16x1xi32>
      %gather3A_73 = vector.shape_cast %broadcast_in_dim3A_72 : vector<16x1xi32> to vector<16xi32>
      %gather3A_74 = tpu.dynamic_gather %masked_sort3A_60[%gather3A_73] in [0] : vector<16xf32>, vector<16xi32> -> vector<16xf32>
      %select_n3A_75 = arith.select %lt3A_4, %masked_sort3A_49, %gather3A_74 : vector<16xi1>, vector<16xf32>
      %broadcast_in_dim3A_76 = vector.shape_cast %max3A_8 : vector<16xi32> to vector<16x1xi32>
      %gather3A_77 = vector.shape_cast %broadcast_in_dim3A_76 : vector<16x1xi32> to vector<16xi32>
      %gather3A_78 = tpu.dynamic_gather %masked_sort3A_61[%gather3A_77] in [0] : vector<16xi32>, vector<16xi32> -> vector<16xi32>
      %select_n3A_79 = arith.select %lt3A_4, %masked_sort3A_50, %gather3A_78 : vector<16xi1>, vector<16xi32>
      %masked_sort3A_80 = arith.constant dense<true> : vector<16xi1>
      %masked_sort3A_81, %masked_sort3A_82, %masked_sort3A_83 = tpu.sort %select_n3A_75, %select_n3A_79 masked %masked_sort3A_80 {descending = true} : (vector<16xf32>, vector<16xi32>, vector<16xi1>) -> (vector<16xi1>, vector<16xf32>, vector<16xi32>)
      %broadcast_in_dim3A_84 = vector.shape_cast %max3A_8 : vector<16xi32> to vector<16x1xi32>
      %gather3A_85 = vector.shape_cast %broadcast_in_dim3A_84 : vector<16x1xi32> to vector<16xi32>
      %gather3A_86 = tpu.dynamic_gather %masked_sort3A_82[%gather3A_85] in [0] : vector<16xf32>, vector<16xi32> -> vector<16xf32>
      %select_n3A_87 = arith.select %lt3A_4, %masked_sort3A_70, %gather3A_86 : vector<16xi1>, vector<16xf32>
      %broadcast_in_dim3A_88 = vector.shape_cast %max3A_8 : vector<16xi32> to vector<16x1xi32>
      %gather3A_89 = vector.shape_cast %broadcast_in_dim3A_88 : vector<16x1xi32> to vector<16xi32>
      %gather3A_90 = tpu.dynamic_gather %masked_sort3A_83[%gather3A_89] in [0] : vector<16xi32>, vector<16xi32> -> vector<16xi32>
      %select_n3A_91 = arith.select %lt3A_4, %masked_sort3A_71, %gather3A_90 : vector<16xi1>, vector<16xi32>
      %masked_sort3A_92 = arith.constant dense<true> : vector<16xi1>
      %masked_sort3A_93, %masked_sort3A_94, %masked_sort3A_95 = tpu.sort %select_n3A_87, %select_n3A_91 masked %masked_sort3A_92 {descending = true} : (vector<16xf32>, vector<16xi32>, vector<16xi1>) -> (vector<16xi1>, vector<16xf32>, vector<16xi32>)
      %broadcast_in_dim3A_96 = vector.shape_cast %broadcast_in_dim3A_9 : vector<16xi32> to vector<16x1xi32>
      %gather3A_97 = vector.shape_cast %broadcast_in_dim3A_96 : vector<16x1xi32> to vector<16xi32>
      %gather3A_98 = tpu.dynamic_gather %masked_sort3A_94[%gather3A_97] in [0] : vector<16xf32>, vector<16xi32> -> vector<16xf32>
      %sub3A_99 = arith.subf %masked_sort3A_94, %gather3A_98 : vector<16xf32>
      %exp3A = math.exp %sub3A_99 : vector<16xf32>
      %jit3A = arith.constant 0.000000e+00 : f32
      %broadcast_in_dim3A_100 = vector.broadcast %jit3A : f32 to vector<16xf32>
      %select_n3A_101 = arith.select %lt3A_4, %exp3A, %broadcast_in_dim3A_100 : vector<16xi1>, vector<16xf32>
      %reduce_sum3A = arith.constant true
      %reduce_sum3A_102 = vector.broadcast %reduce_sum3A : i1 to vector<16xi1>
      %reduce_sum3A_103 = tpu.scan <sum>, %select_n3A_101 masked %reduce_sum3A_102 : vector<16xf32>, vector<16xi1> -> vector<16xf32>
      %reduce_sum3A_104 = vector.extract %reduce_sum3A_103[15] : f32 from vector<16xf32>
      %div3A = vector.broadcast %reduce_sum3A_104 : f32 to vector<16xf32>
      %div3A_105 = arith.divf %select_n3A_101, %div3A : vector<16xf32>
      %add3A_106 = arith.constant 64 : i32
      %add3A_107 = arith.addi %mul3A_19, %add3A_106 : i32
      %add3A_108 = arith.constant 0 : i32
      %add3A_109 = arith.addi %add3A_107, %add3A_108 : i32
      %get3A_110 = arith.index_cast %add3A_109 : i32 to index
      %get3A_111 = tpu.vector_load %arg5[%get3A_110] {strides = array<i32>} : memref<8192xf32, #tpu.memory_space<vmem>>, vector<16xf32>,
      %add3A_112 = arith.constant 0 : i32
      %add3A_113 = vector.broadcast %add3A_112 : i32 to vector<16xi32>
      %add3A_114 = arith.addi %iota3A, %add3A_113 : vector<16xi32>
      %masked_sort3A_115 = arith.constant dense<true> : vector<16xi1>
      %masked_sort3A_116, %masked_sort3A_117, %masked_sort3A_118 = tpu.sort %get3A_111, %add3A_114 masked %masked_sort3A_115 {descending = true} : (vector<16xf32>, vector<16xi32>, vector<16xi1>) -> (vector<16xi1>, vector<16xf32>, vector<16xi32>)
      %add3A_119 = arith.constant 16 : i32
      %add3A_120 = arith.addi %add3A_107, %add3A_119 : i32
      %get3A_121 = arith.index_cast %add3A_120 : i32 to index
      %get3A_122 = tpu.vector_load %arg5[%get3A_121] {strides = array<i32>} : memref<8192xf32, #tpu.memory_space<vmem>>, vector<16xf32>,
      %add3A_123 = arith.constant 16 : i32
      %add3A_124 = vector.broadcast %add3A_123 : i32 to vector<16xi32>
      %add3A_125 = arith.addi %iota3A, %add3A_124 : vector<16xi32>
      %masked_sort3A_126 = arith.constant dense<true> : vector<16xi1>
      %masked_sort3A_127, %masked_sort3A_128, %masked_sort3A_129 = tpu.sort %get3A_122, %add3A_125 masked %masked_sort3A_126 {descending = true} : (vector<16xf32>, vector<16xi32>, vector<16xi1>) -> (vector<16xi1>, vector<16xf32>, vector<16xi32>)
      %add3A_130 = arith.constant 32 : i32
      %add3A_131 = arith.addi %add3A_107, %add3A_130 : i32
      %get3A_132 = arith.index_cast %add3A_131 : i32 to index
      %get3A_133 = tpu.vector_load %arg5[%get3A_132] {strides = array<i32>} : memref<8192xf32, #tpu.memory_space<vmem>>, vector<16xf32>,
      %add3A_134 = arith.constant 32 : i32
      %add3A_135 = vector.broadcast %add3A_134 : i32 to vector<16xi32>
      %add3A_136 = arith.addi %iota3A, %add3A_135 : vector<16xi32>
      %masked_sort3A_137 = arith.constant dense<true> : vector<16xi1>
      %masked_sort3A_138, %masked_sort3A_139, %masked_sort3A_140 = tpu.sort %get3A_133, %add3A_136 masked %masked_sort3A_137 {descending = true} : (vector<16xf32>, vector<16xi32>, vector<16xi1>) -> (vector<16xi1>, vector<16xf32>, vector<16xi32>)
      %add3A_141 = arith.constant 48 : i32
      %add3A_142 = arith.addi %add3A_107, %add3A_141 : i32
      %get3A_143 = arith.index_cast %add3A_142 : i32 to index
      %get3A_144 = tpu.vector_load %arg5[%get3A_143] {strides = array<i32>} : memref<8192xf32, #tpu.memory_space<vmem>>, vector<16xf32>,
      %add3A_145 = arith.constant 48 : i32
      %add3A_146 = vector.broadcast %add3A_145 : i32 to vector<16xi32>
      %add3A_147 = arith.addi %iota3A, %add3A_146 : vector<16xi32>
      %masked_sort3A_148 = arith.constant dense<true> : vector<16xi1>
      %masked_sort3A_149, %masked_sort3A_150, %masked_sort3A_151 = tpu.sort %get3A_144, %add3A_147 masked %masked_sort3A_148 {descending = true} : (vector<16xf32>, vector<16xi32>, vector<16xi1>) -> (vector<16xi1>, vector<16xf32>, vector<16xi32>)
      %broadcast_in_dim3A_152 = vector.shape_cast %max3A_8 : vector<16xi32> to vector<16x1xi32>
      %gather3A_153 = vector.shape_cast %broadcast_in_dim3A_152 : vector<16x1xi32> to vector<16xi32>
      %gather3A_154 = tpu.dynamic_gather %masked_sort3A_128[%gather3A_153] in [0] : vector<16xf32>, vector<16xi32> -> vector<16xf32>
      %select_n3A_155 = arith.select %lt3A_4, %masked_sort3A_117, %gather3A_154 : vector<16xi1>, vector<16xf32>
      %broadcast_in_dim3A_156 = vector.shape_cast %max3A_8 : vector<16xi32> to vector<16x1xi32>
      %gather3A_157 = vector.shape_cast %broadcast_in_dim3A_156 : vector<16x1xi32> to vector<16xi32>
      %gather3A_158 = tpu.dynamic_gather %masked_sort3A_129[%gather3A_157] in [0] : vector<16xi32>, vector<16xi32> -> vector<16xi32>
      %select_n3A_159 = arith.select %lt3A_4, %masked_sort3A_118, %gather3A_158 : vector<16xi1>, vector<16xi32>
      %masked_sort3A_160 = arith.constant dense<true> : vector<16xi1>
      %masked_sort3A_161, %masked_sort3A_162, %masked_sort3A_163 = tpu.sort %select_n3A_155, %select_n3A_159 masked %masked_sort3A_160 {descending = true} : (vector<16xf32>, vector<16xi32>, vector<16xi1>) -> (vector<16xi1>, vector<16xf32>, vector<16xi32>)
      %broadcast_in_dim3A_164 = vector.shape_cast %max3A_8 : vector<16xi32> to vector<16x1xi32>
      %gather3A_165 = vector.shape_cast %broadcast_in_dim3A_164 : vector<16x1xi32> to vector<16xi32>
      %gather3A_166 = tpu.dynamic_gather %masked_sort3A_150[%gather3A_165] in [0] : vector<16xf32>, vector<16xi32> -> vector<16xf32>
      %select_n3A_167 = arith.select %lt3A_4, %masked_sort3A_139, %gather3A_166 : vector<16xi1>, vector<16xf32>
      %broadcast_in_dim3A_168 = vector.shape_cast %max3A_8 : vector<16xi32> to vector<16x1xi32>
      %gather3A_169 = vector.shape_cast %broadcast_in_dim3A_168 : vector<16x1xi32> to vector<16xi32>
      %gather3A_170 = tpu.dynamic_gather %masked_sort3A_151[%gather3A_169] in [0] : vector<16xi32>, vector<16xi32> -> vector<16xi32>
      %select_n3A_171 = arith.select %lt3A_4, %masked_sort3A_140, %gather3A_170 : vector<16xi1>, vector<16xi32>
      %masked_sort3A_172 = arith.constant dense<true> : vector<16xi1>
      %masked_sort3A_173, %masked_sort3A_174, %masked_sort3A_175 = tpu.sort %select_n3A_167, %select_n3A_171 masked %masked_sort3A_172 {descending = true} : (vector<16xf32>, vector<16xi32>, vector<16xi1>) -> (vector<16xi1>, vector<16xf32>, vector<16xi32>)
      %broadcast_in_dim3A_176 = vector.shape_cast %max3A_8 : vector<16xi32> to vector<16x1xi32>
      %gather3A_177 = vector.shape_cast %broadcast_in_dim3A_176 : vector<16x1xi32> to vector<16xi32>
      %gather3A_178 = tpu.dynamic_gather %masked_sort3A_174[%gather3A_177] in [0] : vector<16xf32>, vector<16xi32> -> vector<16xf32>
      %select_n3A_179 = arith.select %lt3A_4, %masked_sort3A_162, %gather3A_178 : vector<16xi1>, vector<16xf32>
      %broadcast_in_dim3A_180 = vector.shape_cast %max3A_8 : vector<16xi32> to vector<16x1xi32>
      %gather3A_181 = vector.shape_cast %broadcast_in_dim3A_180 : vector<16x1xi32> to vector<16xi32>
      %gather3A_182 = tpu.dynamic_gather %masked_sort3A_175[%gather3A_181] in [0] : vector<16xi32>, vector<16xi32> -> vector<16xi32>
      %select_n3A_183 = arith.select %lt3A_4, %masked_sort3A_163, %gather3A_182 : vector<16xi1>, vector<16xi32>
      %masked_sort3A_184 = arith.constant dense<true> : vector<16xi1>
      %masked_sort3A_185, %masked_sort3A_186, %masked_sort3A_187 = tpu.sort %select_n3A_179, %select_n3A_183 masked %masked_sort3A_184 {descending = true} : (vector<16xf32>, vector<16xi32>, vector<16xi1>) -> (vector<16xi1>, vector<16xf32>, vector<16xi32>)
      %broadcast_in_dim3A_188 = vector.shape_cast %broadcast_in_dim3A_9 : vector<16xi32> to vector<16x1xi32>
      %gather3A_189 = vector.shape_cast %broadcast_in_dim3A_188 : vector<16x1xi32> to vector<16xi32>
      %gather3A_190 = tpu.dynamic_gather %masked_sort3A_186[%gather3A_189] in [0] : vector<16xf32>, vector<16xi32> -> vector<16xf32>
      %sub3A_191 = arith.subf %masked_sort3A_186, %gather3A_190 : vector<16xf32>
      %exp3A_192 = math.exp %sub3A_191 : vector<16xf32>
      %jit3A_193 = arith.constant 0.000000e+00 : f32
      %broadcast_in_dim3A_194 = vector.broadcast %jit3A_193 : f32 to vector<16xf32>
      %select_n3A_195 = arith.select %lt3A_4, %exp3A_192, %broadcast_in_dim3A_194 : vector<16xi1>, vector<16xf32>
      %reduce_sum3A_196 = arith.constant true
      %reduce_sum3A_197 = vector.broadcast %reduce_sum3A_196 : i1 to vector<16xi1>
      %reduce_sum3A_198 = tpu.scan <sum>, %select_n3A_195 masked %reduce_sum3A_197 : vector<16xf32>, vector<16xi1> -> vector<16xf32>
      %reduce_sum3A_199 = vector.extract %reduce_sum3A_198[15] : f32 from vector<16xf32>
      %div3A_200 = vector.broadcast %reduce_sum3A_199 : f32 to vector<16xf32>
      %div3A_201 = arith.divf %select_n3A_195, %div3A_200 : vector<16xf32>
      %broadcast_in_dim3A_202 = vector.shape_cast %max3A_8 : vector<16xi32> to vector<16x1xi32>
      %gather3A_203 = vector.shape_cast %broadcast_in_dim3A_202 : vector<16x1xi32> to vector<16xi32>
      %gather3A_204 = tpu.dynamic_gather %div3A_201[%gather3A_203] in [0] : vector<16xf32>, vector<16xi32> -> vector<16xf32>
      %select_n3A_205 = arith.select %lt3A_4, %div3A_105, %gather3A_204 : vector<16xi1>, vector<16xf32>
      %broadcast_in_dim3A_206 = vector.shape_cast %max3A_8 : vector<16xi32> to vector<16x1xi32>
      %gather3A_207 = vector.shape_cast %broadcast_in_dim3A_206 : vector<16x1xi32> to vector<16xi32>
      %gather3A_208 = tpu.dynamic_gather %masked_sort3A_187[%gather3A_207] in [0] : vector<16xi32>, vector<16xi32> -> vector<16xi32>
      %select_n3A_209 = arith.select %lt3A_4, %masked_sort3A_95, %gather3A_208 : vector<16xi1>, vector<16xi32>
      %mul3A_210 = arith.constant 16 : i32
      %mul3A_211 = arith.muli %scan3A_17, %mul3A_210 : i32
      %swap3A = arith.index_cast %mul3A_211 : i32 to index
      %swap3A_212 = tpu.vector_load %arg6[%swap3A] {strides = array<i32>} : memref<1024xf32, #tpu.memory_space<vmem>>, vector<16xf32>,
      tpu.vector_store %arg6[%swap3A], %select_n3A_205 {strides = array<i32>} : memref<1024xf32, #tpu.memory_space<vmem>>, vector<16xf32>,
      %mul3A_213 = arith.constant 16 : i32
      %mul3A_214 = arith.muli %scan3A_17, %mul3A_213 : i32
      %swap3A_215 = arith.index_cast %mul3A_214 : i32 to index
      %swap3A_216 = tpu.vector_load %arg7[%swap3A_215] {strides = array<i32>} : memref<1024xi32, #tpu.memory_space<vmem>>, vector<16xi32>,
      tpu.vector_store %arg7[%swap3A_215], %select_n3A_209 {strides = array<i32>} : memref<1024xi32, #tpu.memory_space<vmem>>, vector<16xi32>,
    }
    %scan3A_14 = arith.constant 64 : i32
    %mul3A_15 = arith.constant 1024 : i32
    %mul3A_16 = arith.muli %add3A, %mul3A_15 : i32
    "tpu.region"() ({
      %run_scoped3A = tpu.sem_alloc : memref<!tpu.dma_semaphore, #tpu.memory_space<semaphore_mem>>
      %dma_start3A = tpu.memref_slice %arg3[%mul3A_16] : memref<32768xf32, #tpu.memory_space<hbm>> -> memref<1024xf32, #tpu.memory_space<hbm>>
      %dma_start3A_17 = tpu.memref_slice %arg3[%mul3A_16] : memref<32768xf32, #tpu.memory_space<hbm>> -> memref<1024xf32, #tpu.memory_space<hbm>>
      tpu.enqueue_dma source(%arg6 : memref<1024xf32, #tpu.memory_space<vmem>>) target(%dma_start3A_17 : memref<1024xf32, #tpu.memory_space<hbm>>) target_semaphore(%run_scoped3A : memref<!tpu.dma_semaphore, #tpu.memory_space<semaphore_mem>>)
      %dma_wait3A = tpu.memref_slice %arg3[%mul3A_16] : memref<32768xf32, #tpu.memory_space<hbm>> -> memref<1024xf32, #tpu.memory_space<hbm>>
      %dma_wait3A_18 = tpu.memref_slice %arg3[%mul3A_16] : memref<32768xf32, #tpu.memory_space<hbm>> -> memref<1024xf32, #tpu.memory_space<hbm>>
      tpu.wait_dma2 semaphore(%run_scoped3A : memref<!tpu.dma_semaphore, #tpu.memory_space<semaphore_mem>>) src(%arg6 : memref<1024xf32, #tpu.memory_space<vmem>>) dst(%dma_wait3A_18 : memref<1024xf32, #tpu.memory_space<hbm>>)
      tpu.yield
    }) : () -> ()
    "tpu.region"() ({
      %run_scoped3A = tpu.sem_alloc : memref<!tpu.dma_semaphore, #tpu.memory_space<semaphore_mem>>
      %dma_start3A = tpu.memref_slice %arg4[%mul3A_16] : memref<32768xi32, #tpu.memory_space<hbm>> -> memref<1024xi32, #tpu.memory_space<hbm>>
      %dma_start3A_17 = tpu.memref_slice %arg4[%mul3A_16] : memref<32768xi32, #tpu.memory_space<hbm>> -> memref<1024xi32, #tpu.memory_space<hbm>>
      tpu.enqueue_dma source(%arg7 : memref<1024xi32, #tpu.memory_space<vmem>>) target(%dma_start3A_17 : memref<1024xi32, #tpu.memory_space<hbm>>) target_semaphore(%run_scoped3A : memref<!tpu.dma_semaphore, #tpu.memory_space<semaphore_mem>>)
      %dma_wait3A = tpu.memref_slice %arg4[%mul3A_16] : memref<32768xi32, #tpu.memory_space<hbm>> -> memref<1024xi32, #tpu.memory_space<hbm>>
      %dma_wait3A_18 = tpu.memref_slice %arg4[%mul3A_16] : memref<32768xi32, #tpu.memory_space<hbm>> -> memref<1024xi32, #tpu.memory_space<hbm>>
      tpu.wait_dma2 semaphore(%run_scoped3A : memref<!tpu.dma_semaphore, #tpu.memory_space<semaphore_mem>>) src(%arg7 : memref<1024xi32, #tpu.memory_space<vmem>>) dst(%dma_wait3A_18 : memref<1024xi32, #tpu.memory_space<hbm>>)
      tpu.yield
    }) : () -> ()
    return
  }
}

module attributes {stable_mosaic.version = 14 : i64} {
  func.func @_logits_body(%arg0: i32, %arg1: memref<1024x4096xf32, #tpu.memory_space<vmem>>, %arg2: memref<64x4096xf32, #tpu.memory_space<vmem>>, %arg3: memref<1x64xf32, #tpu.memory_space<vmem>>, %arg4: memref<1024x64xf32, #tpu.memory_space<vmem>>) attributes {dimension_semantics = [#tpu.dimension_semantics<arbitrary>], iteration_bounds = array<i64: 4>, scalar_prefetch = 0 : i64, scratch_operands = 0 : i64, tpu.core_type = #tpu.core_type<tc>, window_params = [{transform_indices = @transform_0, window_bounds = array<i64: 1024, 4096>}, {pipeline_mode = #tpu.pipeline_mode<synchronous>, transform_indices = @transform_1, window_bounds = array<i64: 64, 4096>}, {pipeline_mode = #tpu.pipeline_mode<synchronous>, transform_indices = @transform_2, window_bounds = array<i64: 1, 64>}, {transform_indices = @transform_3, window_bounds = array<i64: 1024, 64>}]} {
    %get3A = arith.constant 0 : index
    %get3A_0 = arith.constant 0 : index
    %get3A_1 = vector.load %arg1[%get3A, %get3A_0] : memref<1024x4096xf32, #tpu.memory_space<vmem>>, vector<1024x4096xf32>
    %get3A_2 = arith.constant 0 : index
    %get3A_3 = arith.constant 0 : index
    %get3A_4 = vector.load %arg2[%get3A_2, %get3A_3] : memref<64x4096xf32, #tpu.memory_space<vmem>>, vector<64x4096xf32>
    %dot_general3A = arith.constant dense<0.000000e+00> : vector<1024x64xf32>
    %dot_general3A_5 = tpu.matmul %get3A_1, %get3A_4, %dot_general3A {dimension_numbers = #tpu.dot_dimension_numbers<[1], [1], [0], [0], [0, 0, 1, 0], [], []>, transpose_lhs_hint = false} : vector<1024x4096xf32>, vector<64x4096xf32>, vector<1024x64xf32> -> vector<1024x64xf32>
    %get3A_6 = arith.constant 0 : index
    %get3A_7 = arith.constant 0 : index
    %get3A_8 = vector.load %arg3[%get3A_6, %get3A_7] : memref<1x64xf32, #tpu.memory_space<vmem>>, vector<1x64xf32>
    %add3A = vector.broadcast %get3A_8 : vector<1x64xf32> to vector<1024x64xf32>
    %add3A_9 = arith.addf %dot_general3A_5, %add3A : vector<1024x64xf32>
    %swap3A = arith.constant 0 : index
    %swap3A_10 = arith.constant 0 : index
    %swap3A_11 = vector.load %arg4[%swap3A, %swap3A_10] : memref<1024x64xf32, #tpu.memory_space<vmem>>, vector<1024x64xf32>
    tpu.vector_store %arg4[%swap3A, %swap3A_10], %add3A_9 {strides = array<i32>} : memref<1024x64xf32, #tpu.memory_space<vmem>>, vector<1024x64xf32>,
    return
  }
  func.func @transform_0(%arg0: i32) -> (i32, i32) {
    %add3A = arith.constant 4 : i32
    %add3A_0 = arith.addi %arg0, %add3A : i32
    %c0_i32 = arith.constant 0 : i32
    %c0_i32_1 = arith.constant 0 : i32
    return %add3A_0, %c0_i32 : i32, i32
  }
  func.func @transform_1(%arg0: i32) -> (i32, i32) {
    %c0_i32 = arith.constant 0 : i32
    %c0_i32_0 = arith.constant 0 : i32
    %c0_i32_1 = arith.constant 0 : i32
    return %c0_i32, %c0_i32_0 : i32, i32
  }
  func.func @transform_2(%arg0: i32) -> (i32, i32) {
    %c0_i32 = arith.constant 0 : i32
    %c0_i32_0 = arith.constant 0 : i32
    %c0_i32_1 = arith.constant 0 : i32
    return %c0_i32, %c0_i32_0 : i32, i32
  }
  func.func @transform_3(%arg0: i32) -> (i32, i32) {
    %c0_i32 = arith.constant 0 : i32
    %c0_i32_0 = arith.constant 0 : i32
    return %arg0, %c0_i32 : i32, i32
  }
}

module attributes {stable_mosaic.version = 14 : i64} {
  func.func @_logits_body(%arg0: i32, %arg1: memref<1024x4096xf32, #tpu.memory_space<vmem>>, %arg2: memref<64x4096xf32, #tpu.memory_space<vmem>>, %arg3: memref<1x64xf32, #tpu.memory_space<vmem>>, %arg4: memref<1024x64xf32, #tpu.memory_space<vmem>>) attributes {dimension_semantics = [#tpu.dimension_semantics<arbitrary>], iteration_bounds = array<i64: 4>, scalar_prefetch = 0 : i64, scratch_operands = 0 : i64, tpu.core_type = #tpu.core_type<tc>, window_params = [{transform_indices = @transform_0, window_bounds = array<i64: 1024, 4096>}, {pipeline_mode = #tpu.pipeline_mode<synchronous>, transform_indices = @transform_1, window_bounds = array<i64: 64, 4096>}, {pipeline_mode = #tpu.pipeline_mode<synchronous>, transform_indices = @transform_2, window_bounds = array<i64: 1, 64>}, {transform_indices = @transform_3, window_bounds = array<i64: 1024, 64>}]} {
    %get3A = arith.constant 0 : index
    %get3A_0 = arith.constant 0 : index
    %get3A_1 = vector.load %arg1[%get3A, %get3A_0] : memref<1024x4096xf32, #tpu.memory_space<vmem>>, vector<1024x4096xf32>
    %get3A_2 = arith.constant 0 : index
    %get3A_3 = arith.constant 0 : index
    %get3A_4 = vector.load %arg2[%get3A_2, %get3A_3] : memref<64x4096xf32, #tpu.memory_space<vmem>>, vector<64x4096xf32>
    %dot_general3A = arith.constant dense<0.000000e+00> : vector<1024x64xf32>
    %dot_general3A_5 = tpu.matmul %get3A_1, %get3A_4, %dot_general3A {dimension_numbers = #tpu.dot_dimension_numbers<[1], [1], [0], [0], [0, 0, 1, 0], [], []>, transpose_lhs_hint = false} : vector<1024x4096xf32>, vector<64x4096xf32>, vector<1024x64xf32> -> vector<1024x64xf32>
    %get3A_6 = arith.constant 0 : index
    %get3A_7 = arith.constant 0 : index
    %get3A_8 = vector.load %arg3[%get3A_6, %get3A_7] : memref<1x64xf32, #tpu.memory_space<vmem>>, vector<1x64xf32>
    %add3A = vector.broadcast %get3A_8 : vector<1x64xf32> to vector<1024x64xf32>
    %add3A_9 = arith.addf %dot_general3A_5, %add3A : vector<1024x64xf32>
    %swap3A = arith.constant 0 : index
    %swap3A_10 = arith.constant 0 : index
    %swap3A_11 = vector.load %arg4[%swap3A, %swap3A_10] : memref<1024x64xf32, #tpu.memory_space<vmem>>, vector<1024x64xf32>
    tpu.vector_store %arg4[%swap3A, %swap3A_10], %add3A_9 {strides = array<i32>} : memref<1024x64xf32, #tpu.memory_space<vmem>>, vector<1024x64xf32>,
    return
  }
  func.func @transform_0(%arg0: i32) -> (i32, i32) {
    %add3A = arith.constant 12 : i32
    %add3A_0 = arith.addi %arg0, %add3A : i32
    %c0_i32 = arith.constant 0 : i32
    %c0_i32_1 = arith.constant 0 : i32
    return %add3A_0, %c0_i32 : i32, i32
  }
  func.func @transform_1(%arg0: i32) -> (i32, i32) {
    %c0_i32 = arith.constant 0 : i32
    %c0_i32_0 = arith.constant 0 : i32
    %c0_i32_1 = arith.constant 0 : i32
    return %c0_i32, %c0_i32_0 : i32, i32
  }
  func.func @transform_2(%arg0: i32) -> (i32, i32) {
    %c0_i32 = arith.constant 0 : i32
    %c0_i32_0 = arith.constant 0 : i32
    %c0_i32_1 = arith.constant 0 : i32
    return %c0_i32, %c0_i32_0 : i32, i32
  }
  func.func @transform_3(%arg0: i32) -> (i32, i32) {
    %c0_i32 = arith.constant 0 : i32
    %c0_i32_0 = arith.constant 0 : i32
    return %arg0, %c0_i32 : i32, i32
  }
}

module attributes {stable_mosaic.version = 14 : i64} {
  func.func @_logits_body(%arg0: i32, %arg1: memref<1024x4096xf32, #tpu.memory_space<vmem>>, %arg2: memref<64x4096xf32, #tpu.memory_space<vmem>>, %arg3: memref<1x64xf32, #tpu.memory_space<vmem>>, %arg4: memref<1024x64xf32, #tpu.memory_space<vmem>>) attributes {dimension_semantics = [#tpu.dimension_semantics<arbitrary>], iteration_bounds = array<i64: 4>, scalar_prefetch = 0 : i64, scratch_operands = 0 : i64, tpu.core_type = #tpu.core_type<tc>, window_params = [{transform_indices = @transform_0, window_bounds = array<i64: 1024, 4096>}, {pipeline_mode = #tpu.pipeline_mode<synchronous>, transform_indices = @transform_1, window_bounds = array<i64: 64, 4096>}, {pipeline_mode = #tpu.pipeline_mode<synchronous>, transform_indices = @transform_2, window_bounds = array<i64: 1, 64>}, {transform_indices = @transform_3, window_bounds = array<i64: 1024, 64>}]} {
    %get3A = arith.constant 0 : index
    %get3A_0 = arith.constant 0 : index
    %get3A_1 = vector.load %arg1[%get3A, %get3A_0] : memref<1024x4096xf32, #tpu.memory_space<vmem>>, vector<1024x4096xf32>
    %get3A_2 = arith.constant 0 : index
    %get3A_3 = arith.constant 0 : index
    %get3A_4 = vector.load %arg2[%get3A_2, %get3A_3] : memref<64x4096xf32, #tpu.memory_space<vmem>>, vector<64x4096xf32>
    %dot_general3A = arith.constant dense<0.000000e+00> : vector<1024x64xf32>
    %dot_general3A_5 = tpu.matmul %get3A_1, %get3A_4, %dot_general3A {dimension_numbers = #tpu.dot_dimension_numbers<[1], [1], [0], [0], [0, 0, 1, 0], [], []>, transpose_lhs_hint = false} : vector<1024x4096xf32>, vector<64x4096xf32>, vector<1024x64xf32> -> vector<1024x64xf32>
    %get3A_6 = arith.constant 0 : index
    %get3A_7 = arith.constant 0 : index
    %get3A_8 = vector.load %arg3[%get3A_6, %get3A_7] : memref<1x64xf32, #tpu.memory_space<vmem>>, vector<1x64xf32>
    %add3A = vector.broadcast %get3A_8 : vector<1x64xf32> to vector<1024x64xf32>
    %add3A_9 = arith.addf %dot_general3A_5, %add3A : vector<1024x64xf32>
    %swap3A = arith.constant 0 : index
    %swap3A_10 = arith.constant 0 : index
    %swap3A_11 = vector.load %arg4[%swap3A, %swap3A_10] : memref<1024x64xf32, #tpu.memory_space<vmem>>, vector<1024x64xf32>
    tpu.vector_store %arg4[%swap3A, %swap3A_10], %add3A_9 {strides = array<i32>} : memref<1024x64xf32, #tpu.memory_space<vmem>>, vector<1024x64xf32>,
    return
  }
  func.func @transform_0(%arg0: i32) -> (i32, i32) {
    %add3A = arith.constant 8 : i32
    %add3A_0 = arith.addi %arg0, %add3A : i32
    %c0_i32 = arith.constant 0 : i32
    %c0_i32_1 = arith.constant 0 : i32
    return %add3A_0, %c0_i32 : i32, i32
  }
  func.func @transform_1(%arg0: i32) -> (i32, i32) {
    %c0_i32 = arith.constant 0 : i32
    %c0_i32_0 = arith.constant 0 : i32
    %c0_i32_1 = arith.constant 0 : i32
    return %c0_i32, %c0_i32_0 : i32, i32
  }
  func.func @transform_2(%arg0: i32) -> (i32, i32) {
    %c0_i32 = arith.constant 0 : i32
    %c0_i32_0 = arith.constant 0 : i32
    %c0_i32_1 = arith.constant 0 : i32
    return %c0_i32, %c0_i32_0 : i32, i32
  }
  func.func @transform_3(%arg0: i32) -> (i32, i32) {
    %c0_i32 = arith.constant 0 : i32
    %c0_i32_0 = arith.constant 0 : i32
    return %arg0, %c0_i32 : i32, i32
  }
}

module attributes {stable_mosaic.version = 14 : i64} {
  func.func @_logits_body(%arg0: i32, %arg1: memref<1024x4096xf32, #tpu.memory_space<vmem>>, %arg2: memref<64x4096xf32, #tpu.memory_space<vmem>>, %arg3: memref<1x64xf32, #tpu.memory_space<vmem>>, %arg4: memref<1024x64xf32, #tpu.memory_space<vmem>>) attributes {dimension_semantics = [#tpu.dimension_semantics<arbitrary>], iteration_bounds = array<i64: 4>, scalar_prefetch = 0 : i64, scratch_operands = 0 : i64, tpu.core_type = #tpu.core_type<tc>, window_params = [{transform_indices = @transform_0, window_bounds = array<i64: 1024, 4096>}, {pipeline_mode = #tpu.pipeline_mode<synchronous>, transform_indices = @transform_1, window_bounds = array<i64: 64, 4096>}, {pipeline_mode = #tpu.pipeline_mode<synchronous>, transform_indices = @transform_2, window_bounds = array<i64: 1, 64>}, {transform_indices = @transform_3, window_bounds = array<i64: 1024, 64>}]} {
    %get3A = arith.constant 0 : index
    %get3A_0 = arith.constant 0 : index
    %get3A_1 = vector.load %arg1[%get3A, %get3A_0] : memref<1024x4096xf32, #tpu.memory_space<vmem>>, vector<1024x4096xf32>
    %get3A_2 = arith.constant 0 : index
    %get3A_3 = arith.constant 0 : index
    %get3A_4 = vector.load %arg2[%get3A_2, %get3A_3] : memref<64x4096xf32, #tpu.memory_space<vmem>>, vector<64x4096xf32>
    %dot_general3A = arith.constant dense<0.000000e+00> : vector<1024x64xf32>
    %dot_general3A_5 = tpu.matmul %get3A_1, %get3A_4, %dot_general3A {dimension_numbers = #tpu.dot_dimension_numbers<[1], [1], [0], [0], [0, 0, 1, 0], [], []>, transpose_lhs_hint = false} : vector<1024x4096xf32>, vector<64x4096xf32>, vector<1024x64xf32> -> vector<1024x64xf32>
    %get3A_6 = arith.constant 0 : index
    %get3A_7 = arith.constant 0 : index
    %get3A_8 = vector.load %arg3[%get3A_6, %get3A_7] : memref<1x64xf32, #tpu.memory_space<vmem>>, vector<1x64xf32>
    %add3A = vector.broadcast %get3A_8 : vector<1x64xf32> to vector<1024x64xf32>
    %add3A_9 = arith.addf %dot_general3A_5, %add3A : vector<1024x64xf32>
    %swap3A = arith.constant 0 : index
    %swap3A_10 = arith.constant 0 : index
    %swap3A_11 = vector.load %arg4[%swap3A, %swap3A_10] : memref<1024x64xf32, #tpu.memory_space<vmem>>, vector<1024x64xf32>
    tpu.vector_store %arg4[%swap3A, %swap3A_10], %add3A_9 {strides = array<i32>} : memref<1024x64xf32, #tpu.memory_space<vmem>>, vector<1024x64xf32>,
    return
  }
  func.func @transform_0(%arg0: i32) -> (i32, i32) {
    %add3A = arith.constant 0 : i32
    %add3A_0 = arith.addi %arg0, %add3A : i32
    %c0_i32 = arith.constant 0 : i32
    %c0_i32_1 = arith.constant 0 : i32
    return %add3A_0, %c0_i32 : i32, i32
  }
  func.func @transform_1(%arg0: i32) -> (i32, i32) {
    %c0_i32 = arith.constant 0 : i32
    %c0_i32_0 = arith.constant 0 : i32
    %c0_i32_1 = arith.constant 0 : i32
    return %c0_i32, %c0_i32_0 : i32, i32
  }
  func.func @transform_2(%arg0: i32) -> (i32, i32) {
    %c0_i32 = arith.constant 0 : i32
    %c0_i32_0 = arith.constant 0 : i32
    %c0_i32_1 = arith.constant 0 : i32
    return %c0_i32, %c0_i32_0 : i32, i32
  }
  func.func @transform_3(%arg0: i32) -> (i32, i32) {
    %c0_i32 = arith.constant 0 : i32
    %c0_i32_0 = arith.constant 0 : i32
    return %arg0, %c0_i32 : i32, i32
  }
}

</mosaic_0001>

<sc_bundles>
// kernel: kernel.10.cloned.1.call-start
scs
__scs_entry_jumppad:
0x0: {  	(pc) =	sbr.rel $0x88, $3  }
0x1: {  	(tag) =	ssettag $0x0;
	lr =	simm.s32 $0x1  }
0x2: {  	[smem:$0x3F9E] =	sst lr;
	_ =	strace $0xD0000000  }
0x3: {  	_ = 	snop  }
0x4: {  	_ = 	snop  }
0x5: {  	_ = 	snop  }
0x6: {  	_ = 	snop  }
0x7: {  	_ = 	snop  }
__scs_overlays_trampoline_lowered:
0x8: {  	[smem:$0x3FAD] =	sst s0  }
0x9: {  	[smem:$0x3FAE] =	sst s1  }
0xa: {  	[smem:$0x3FAF] =	sst s2  }
0xb: {  	[smem:$0x3FB0] =	sst s3  }
0xc: {  	[smem:$0x3FB1] =	sst s4  }
0xd: {  	[smem:$0x3FB2] =	sst s5  }
0xe: {  	[smem:$0x3FB3] =	sst s6  }
0xf: {  	[smem:$0x3FB4] =	sst s7  }
0x10: {  	[smem:$0x3FB5] =	sst s8  }
0x11: {  	[smem:$0x3FB6] =	sst s9;
	s0 =	simm.s32 @!p0 $0x0  }
0x12: {  	s1 =	sld [smem:$0x3F9C];
	s0 =	simm.s32 @p0 $0x1  }
0x13: {  	[smem:$0x3FB7] =	sst s0;
	s0 =	simm.s32 @!p1 $0x0  }
0x14: {  	s2 =	sld [smem:$0x3F9B];
	s0 =	simm.s32 @p1 $0x1  }
0x15: {  	[smem:$0x3FB8] =	sst s0;
	s0 =	simm.s32 @!p2 $0x0  }
0x16: {  	s3 =	sld [smem:$0x3FDB];
	s0 =	simm.s32 @p2 $0x1  }
0x17: {  	s4 =	simm.s32 $0x1BF5;
	[smem:$0x3FBA] =	sst s0  }
0x18: {  	s0 =	sld [smem:$0x3F9D];
	_ =	swait.ge [sflag:s4], $0x0  }
0x19: {  	s7 =	sld [smem:$0x3F9E]  }
0x1a: {  	s8 =	sadd.s32 $0xFFFFE003, lr  }
0x1b: {  	s9 =	sadd.s32 $0xFFFFFEF7, lr;
	s5 =	simm.s32 $0xFFFFFFFF;
	p2 =	slt.u32 s8, $0xFFFFF086  }
0x1c: {  	p1 =	slt.u32 s9, $0xF7A;
	s5 =	simm.s32 @!p2 $0x0  }
0x1d: {  	s5 =	simm.s32 @p1 $0x1;
	p0 =	seq.s32 s7, s2  }
0x1e: {  	s7 =	smul.u32 @!p0 $0xF7A, s2;
	p2 =	seq.s32 @!p0 s5, $0x0  }
0x1f: {  	s9 =	smul.u32 $0xF7A, s1;
	s8 =	simm.s32 @!p0 $0x1BF5;
	p2 =	por !p2, p0  }
0x20: {  	[sflag:s8] =	ssyncset.s32 @!p0 $0xFFFFF086;
	s6 =	sadd.s32 @!p0 s3, s7;
	s7 =	simm.s32 @!p0 $0x108  }
0x21: {  	s3 =	sadd.s32 s3, s9;
	s6 =	sadd.s32 @!p0 $0x88, s6;
	s7 =	simm.s32 @p2 $0x1082  }
0x22: {  	[simem:s7], [sflag:s8] =	dma.local @!p0 [hbm:s6], $0xF7A  }
0x23: {  	s9 =	sor.u32 $0xD0000000, s2;
	s6 =	simm.s32 $0x108;
	_ =	swait.ge @!p0 [sflag:s8], $0x0  }
0x24: {  	s3 =	sadd.s32 $0x88, s3;
	s6 =	simm.s32 @!p1 $0x1082;
	[sflag:s4] =	ssyncset.s32 $0xFFFFF086  }
0x25: {  	[simem:s6], [sflag:s4] =	dma.local [hbm:s3], $0xF7A  }
0x26: {  	[smem:$0x3F9E] =	sst s1;
	(tag) =	ssettag s2;
	_ =	strace s9  }
0x27: {  	s1 =	sld [smem:$0x3FAE]  }
0x28: {  	s2 =	sld [smem:$0x3FAF]  }
0x29: {  	s4 =	sld [smem:$0x3FB1]  }
0x2a: {  	p0 =	seq.s32 s5, $0x0;
	s5 =	sld [smem:$0x3FB2]  }
0x2b: {  	s6 =	sld [smem:$0x3FB3]  }
0x2c: {  	s7 =	sld [smem:$0x3FB4]  }
0x2d: {  	s3 =	simm.s32 $0x108;
	s8 =	sld [smem:$0x3FB5]  }
0x2e: {  	s3 =	simm.s32 @!p0 $0x1082;
	s9 =	sld [smem:$0x3FB6]  }
0x2f: {  	lr =	sadd.s32 s0, s3;
	s0 =	sld [smem:$0x3FAD]  }
0x30: {  	s3 =	sld [smem:$0x3FB0]  }
0x31: {  	[smem:$0x3FB9] =	sst s10  }
0x32: {  	s10 =	sld [smem:$0x3FB7];
	_ =	sdelay $0x3  }
0x33: {  	p0 =	seq.s32 s10, $0x1;
	s10 =	sld [smem:$0x3FB9];
	_ =	sdelay $0x3  }
0x34: {  	[smem:$0x3FB9] =	sst s10  }
0x35: {  	s10 =	sld [smem:$0x3FB8];
	_ =	sdelay $0x3  }
0x36: {  	p1 =	seq.s32 s10, $0x1;
	s10 =	sld [smem:$0x3FB9];
	_ =	sdelay $0x3  }
0x37: {  	[smem:$0x3FB9] =	sst s10  }
0x38: {  	s10 =	sld [smem:$0x3FBA]  }
0x39: {  	_ = 	snop;
	(pc) =	sbr.ind lr, $3  }
0x3a: {  	_ = 	snop  }
0x3b: {  	_ = 	snop  }
0x3c: {  	p2 =	seq.s32 s10, $0x1;
	s10 =	sld [smem:$0x3FB9]  }
0x3d: {  	_ =	shalt  }
0x3e: {  	_ =	shalt  }
0x3f: {  	_ =	shalt  }
0x40: {  	_ =	shalt  }
0x41: {  	_ =	shalt  }
0x42: {  	_ =	shalt  }
0x43: {  	_ =	shalt  }
0x44: {  	_ =	shalt  }
0x45: {  	_ =	shalt  }
0x46: {  	_ =	shalt  }
0x47: {  	_ =	shalt  }
0x48: {  	_ =	shalt  }
0x49: {  	_ =	shalt  }
0x4a: {  	_ =	shalt  }
0x4b: {  	_ =	shalt  }
0x4c: {  	_ =	shalt  }
0x4d: {  	_ =	shalt  }
0x4e: {  	_ =	shalt  }
0x4f: {  	_ =	shalt  }
0x50: {  	_ =	shalt  }
0x51: {  	_ =	shalt  }
0x52: {  	_ =	shalt  }
0x53: {  	_ =	shalt  }
0x54: {  	_ =	shalt  }
0x55: {  	_ =	shalt  }
0x56: {  	_ =	shalt  }
0x57: {  	_ =	shalt  }
0x58: {  	_ =	shalt  }
0x59: {  	_ =	shalt  }
0x5a: {  	_ =	shalt  }
0x5b: {  	_ =	shalt  }
0x5c: {  	_ =	shalt  }
0x5d: {  	_ =	shalt  }
0x5e: {  	_ =	shalt  }
0x5f: {  	_ =	shalt  }
0x60: {  	_ =	shalt  }
0x61: {  	_ =	shalt  }
0x62: {  	_ =	shalt  }
0x63: {  	_ =	shalt  }
0x64: {  	_ =	shalt  }
0x65: {  	_ =	shalt  }
0x66: {  	_ =	shalt  }
0x67: {  	_ =	shalt  }
0x68: {  	_ =	shalt  }
0x69: {  	_ =	shalt  }
0x6a: {  	_ =	shalt  }
0x6b: {  	_ =	shalt  }
0x6c: {  	_ =	shalt  }
0x6d: {  	_ =	shalt  }
0x6e: {  	_ =	shalt  }
0x6f: {  	_ =	shalt  }
0x70: {  	_ =	shalt  }
0x71: {  	_ =	shalt  }
0x72: {  	_ =	shalt  }
0x73: {  	_ =	shalt  }
0x74: {  	_ =	shalt  }
0x75: {  	_ =	shalt  }
0x76: {  	_ =	shalt  }
0x77: {  	_ =	shalt  }
0x78: {  	_ =	shalt  }
0x79: {  	_ =	shalt  }
0x7a: {  	_ =	shalt  }
0x7b: {  	_ =	shalt  }
0x7c: {  	_ =	shalt  }
0x7d: {  	_ =	shalt  }
0x7e: {  	_ =	shalt  }
0x7f: {  	_ =	shalt  }
0x80: {  	_ =	shalt  }
0x81: {  	_ =	shalt  }
0x82: {  	_ =	shalt  }
0x83: {  	_ =	shalt  }
0x84: {  	_ =	shalt  }
0x85: {  	_ =	shalt  }
0x86: {  	_ =	shalt  }
0x87: {  	_ =	shalt  }
.Lfunc_end0:
.L_simem_size_0:
called_computation_lowered:
.L_overlay_start_0:
0x88: {  	s2 =	sld [smem:$0x3FD9]  }
0x89: {  	s3 =	sld [smem:$0x3FFE];
	_ =	sdelay $0x1  }
0x8a: {  	s1 =	srdreg.scid  }
0x8b: {  	s0 =	sand.u32 $0x1, s1  }
0x8c: {  	s15 =	sshll.u32 s0, $0xA;
	s2 =	sadd.s32 s3, s2  }
0x8d: {  	s2 =	sadd.s32 s2, s15  }
0x8e: {  	[smem:$0x3FC5] =	sst s2  }
0x8f: {  	_ = 	snop  }
0x90: {  	s2 =	sld [smem:$0x3FD0];
	_ =	sdelay $0x2  }
0x91: {  	s4 =	simm.s32 $0xD;
	s16 =	simm.s32 $0x10  }
0x92: {  	[smem:s16], [sflag:s4] =	dma.local [hbm:s2], $0x1  }
0x93: {  	_ =	swait.eq [sflag:s4], $0x1  }
0x94: {  	[sflag:s4] =	ssyncset.done $0x0  }
0x95: {  	s17 =	sld [smem:$0x10];
	[sflag:s4] =	ssyncadd.s32 $0xFFFFFFFF  }
0x96: {  	s18 =	sld [smem:$0x11];
	(tm) =	ssettm $0x1  }
0x97: {  	s19 =	sld [smem:$0x3FFB];
	_ =	sdelay $0x3  }
0x98: {  	_ =	strace s19  }
0x99: {  	s2 =	sld [smem:$0x3FFC];
	_ =	sdelay $0x3  }
0x9a: {  	_ =	strace s2  }
0x9b: {  	s2 =	sld [smem:$0x3FFD];
	_ =	sdelay $0x3  }
0x9c: {  	_ =	strace s2  }
0x9d: {  	_ =	strace $0x8FFFFFFF  }
0x9e: {  	s20 =	sld [smem:$0x3FDB];
	_ =	sdelay $0x1  }
0x9f: {  	s5 =	simm.s32 $_scs_section_size  }
0xa0: {  	s6 =	simm.s32 $_size__tile_overlayer_lowered;
	s7 =	simm.s32 $_tile_overlayer_lowered  }
0xa1: {  	s8 =	simm.s32 $0x1BFF;
	s21 =	sshll.u32 s7, $0x1;
	s5 =	sadd.s32 s5, s20  }
0xa2: {  	s22 =	simm.s32 $0x0;
	s6 =	sshll.u32 s6, $0x1;
	s7 =	sadd.s32 s21, s5  }
0xa3: {  	[timem:s22], [sflag:s8] =	dma.local [hbm:s7], s6  }
0xa4: {  	_ =	swait.ge [sflag:s8], s6  }
0xa5: {  	s6 =	ssub.s32 $0x0, s6;
	[sflag:s8] =	ssyncset.done $0x0  }
0xa6: {  	[sflag:s8] =	ssyncadd.s32 s6;
	_ =	sdelay $0x1  }
0xa7: {  	s23 =	simm.s32 $0x1B8B  }
0xa8: {  	_ =	swait.ge [sflag:s23], $0x1  }
0xa9: {  	[sflag:s23] =	ssyncset.done $0x0  }
0xaa: {  	[sflag:s23] =	ssyncadd.s32 $0xFFFFFFFF  }
0xab: {  	s6 =	sld [smem:$0x0]  }
0xac: {  	s7 =	sand.u32 $0xFFFFFFFE, s1  }
0xad: {  	p0 =	sne.s32 s1, s7  }
0xae: {  	s7 =	sshll.u32 @p0 s7, $0xE  }
0xaf: {  	s7 =	sadd.s32 @p0 $0x11B8D, s7;
	s8 =	sshll.u32 @p0 s6, $0x11  }
0xb0: {  	s7 =	sor.u32 @p0 s8, s7  }
0xb1: {  	[sflag:s7] =	ssyncadd.remote.s32 @p0 $0x1;
	_ =	sdelay $0x1  }
0xb2: {  	s7 =	simm.s32 @p0 $0x1B8D  }
0xb3: {  	_ =	swait.eq @p0 [sflag:s7], $0x1  }
0xb4: {  	[sflag:s7] =	ssyncadd.s32 @p0 $0xFFFFFFFF  }
0xb5: {  	s8 =	sshll.u32 @!p0 s1, $0xE  }
0xb6: {  	s8 =	sor.u32 @!p0 $0x4000, s8;
	s7 =	simm.s32 @!p0 $0x1B8D  }
0xb7: {  	s6 =	sshll.u32 @!p0 s6, $0x11;
	s8 =	sadd.s32 @!p0 $0x11B8D, s8;
	_ =	swait.eq @!p0 [sflag:s7], $0x1  }
0xb8: {  	s6 =	sor.u32 @!p0 s6, s8;
	[sflag:s7] =	ssyncadd.s32 @!p0 $0xFFFFFFFF  }
0xb9: {  	s25 =	simm.s32 $0x1B8E;
	s24 =	sld [smem:$0x3FFE];
	[sflag:s6] =	ssyncadd.remote.s32 @!p0 $0x1  }
0xba: {  	s26 =	simm.s32 $execute0_lowered;
	[smem:$0x3FD2] =	sst s25  }
0xbb: {  	s7 =	sshll.u32 s26, $0x1;
	_ =	strace $0x8000004F;
	[dreg:$0x1] =	wrdreg $0xFFFFFFFF  }
0xbc: {  	s28 =	simm.s32 $_size_execute0_lowered;
	s5 =	sadd.s32 s5, s7;
	[dreg:$0x0] =	wrdreg $0x0  }
0xbd: {  	s7 =	sshll.u32 s28, $0x1;
	[dreg:$0x2] =	wrdreg s5  }
0xbe: {  	[dreg:$0x3] =	wrdreg s7  }
0xbf: {  	[dreg:$0x4] =	wrdreg $0xC0  }
0xc0: {  	_ =	task [dreg:s22], $0x5FFFF  }
0xc1: {  	[dreg:$0x1] =	wrdreg $0xFFFFFFFF  }
0xc2: {  	[dreg:$0x0] =	wrdreg $0x60  }
0xc3: {  	[dreg:$0x2] =	wrdreg s24  }
0xc4: {  	[dreg:$0x3] =	wrdreg s18  }
0xc5: {  	[dreg:$0x4] =	wrdreg s17  }
0xc6: {  	[dreg:$0x5] =	wrdreg $0x9  }
0xc7: {  	_ =	task.clear_ibuf [dreg:s22], $0x6FFFF;
	_ =	strace $0x9000004F  }
0xc8: {  	s29 =	simm.s32 $0x9;
	_ =	strace $0x80000051  }
0xc9: {  	_ =	swait.ge [sflag:s29], $0x1  }
0xca: {  	[sflag:s29] =	ssyncadd.s32 $0xFFFFFFFF  }
0xcb: {  	_ =	strace $0x90000051  }
0xcc: {  	_ =	sfence  }
0xcd: {  	s30 =	sld [smem:$0x0];
	_ =	sdelay $0x2  }
0xce: {  	s31 =	sshll.u32 s1, $0xD;
	s1 =	sshrl.u32 s1, $0x2  }
0xcf: {  	s4 =	sand.u32 $0x4000, s31;
	s1 =	sadd.s32 s1, s30  }
0xd0: {  	s0 =	sor.u32 s4, s0;
	s1 =	sshll.u32 s1, $0x11  }
0xd1: {  	s0 =	sor.u32 s1, s0  }
0xd2: {  	s0 =	sadd.s32 $0x8F2B, s0  }
0xd3: {  	[sflag:s0] =	ssyncadd.remote.s32 $0x1  }
0xd4: {  	_ =	sfence.sel $0xFFFF  }
0xd5: {  	[dreg:$0x0] =	wrdreg $0xFFFFFFFF;
	(pc) =	sbr.abs _section_cstart, $3  }
0xd6: {  	[dreg:$0x1] =	wrdreg $0xFFFFFFFF  }
0xd7: {  	_ =	task.clear_ibuf [dreg:s22], $0x2FFFF;
	_ =	strace $0x9FFFFFFF  }
0xd8: {  	(tm) =	ssettm $0x7FFFFFFF  }
0xd9: {  	_ =	shalt  }
tec
execute0_lowered:
.L_overlay_start_1:
0x0: {  	(tag) =	ssettag $0x1  }
0x1: {  	s3 =	rddreg [dreg:$0x0]  }
0x2: {  	s4 =	rddreg [dreg:$0x1]  }
0x3: {  	s5 =	rddreg [dreg:$0x2];
	v0 =	vimm.s32 $0xE40000  }
0x4: {  	s0 =	rddreg [dreg:$0x3];
	s6 =	srdreg.scid;
	v0 =	vunpack.c.l.s2.s4 v0  }
0x5: {  	s1 =	stileid.u32;
	s2 =	simm.s32 $0x0;
	s9 =	simm.s32 $0x2400  }
0x6: {  	s10 =	simm.s32 $0x0;
	s6 =	sand.u32 $0x1, s6;
	s7 =	sshll.u32 s1, $0x1;
	v1 =	vunpack.c.l.s4.s8 v0  }
0x7: {  	[smem:$0x7FF] =	sst s2;
	s7 =	sor.u32 s6, s7;
	s6 =	ssub.s32 $0x2, s6  }
0x8: {  	v3 =	vimm.s32 $0x7060504;
	_ =	strace $0x80000050;
	s8 =	sshll.u32 s7, $0xA;
	s31 =	sshrl.u32 s6, $0x1;
	v0 =	vlaneseq.u32;
	v4 =	vunpack.c.0.s8.s32 v1  }
0x9: {  	vm0 =	vcmask $0x3F30;
	v5 =	vunpack.c.0.s8.s32 v3;
	s7 =	sshll.u32 s7, $0x7;
	s3 =	sadd.s32 s8, s3;
	s6 =	ssub.s32 s6, s31;
	v2 =	vor.u32 $0x20, v0  }
0xa: {  	s4 =	sadd.s32 s4, s7;
	s5 =	sadd.s32 s5, s7;
	s7 =	simm.s32 $0x1;
	v3 =	vor.u32 $0x30, v0;
	v1 =	vor.u32 $0x10, v0;
	v4 =	vand.u32 $0x3, v4  }
0xb: {  	s8 =	simm.s32 $0x2000;
	s3 =	sadd.s32 $0x20C00, s3;
	s6 =	smax.u32 s6, $0x1;
	v4 =	vsel vm0, v5, v4;
	vm0 =	vmmov $0xff;
	v5 =	vimm.s32 $0x0  }
.LBB2_1:
0xc: {  	[tilespmem:s2], [sflag:$0x1] =	stream.linear.gather [hbm4b:s3+s2], $0x2000, $0x38;
	[tilespmem:$0x2800] =	vst v63  }
0xd: {  	_ =	swait.ge [sflag:s7], $0x2000  }
0xe: {  	[sflag:s7] =	ssyncset.done $0x0  }
0xf: {  	s11 =	simm.s32 $0x40;
	[sflag:s7] =	ssyncadd.s32 $0xFFFFE000  }
0x10: {  	v6 =	vld [tilespmem:s11+$0xFFFFFFE0]  }
0x11: {  	v7 =	vld [tilespmem:s11+$0x20]  }
0x12: {  	v8 =	vld [tilespmem:s11+$0x30]  }
0x13: {  	v9 =	vld [tilespmem:s11+$0x10];
	_ =	sdelay $0x1  }
0x14: {  	v10 =	vld [tilespmem:s11+$0xFFFFFFF0];
	(xrf1) =	vsort.dscd.msk.f32 $0xffff, v6, v2  }
0x15: {  	v11 =	vld [tilespmem:s11+$0x0];
	(xrf1) =	vsort.dscd.msk.f32 $0xffff, v7, v2  }
0x16: {  	(xrf1) =	vsort.dscd.msk.f32 $0xffff, v8, v3  }
0x17: {  	v6 =	vld [tilespmem:s11+$0xFFFFFFD0];
	(xrf1) =	vsort.dscd.msk.f32 $0xffff, v9, v1;
	_ =	sdelay $0x1  }
0x18: {  	(xrf1) =	vsort.dscd.msk.f32 $0xffff, v10, v3  }
0x19: {  	v7 =	vld [tilespmem:s11+$0xFFFFFFC0];
	(xrf1) =	vsort.dscd.msk.f32 $0xffff, v11, v0;
	_ =	sdelay $0x1  }
0x1a: {  	(xrf1) =	vsort.dscd.msk.f32 $0xffff, v6, v1;
	_ =	sdelay $0x2  }
0x1b: {  	(xrf1) =	vsort.dscd.msk.f32 $0xffff, v7, v0;
	_ =	sdelay $0x2  }
0x1c: {  	v6, v7, _ =	vpop (xrf1)  }
0x1d: {  	v8, v48, _ =	vpop (xrf1)  }
0x1e: {  	v49, v50, _ =	vpop (xrf1)  }
0x1f: {  	v10 =	vperm.xlane v49, v4;
	v11 =	vperm.xlane v50, v4;
	v12, v13, _ =	vpop (xrf1)  }
0x20: {  	v12 =	vperm.xlane v12, v4  }
0x21: {  	v13 =	vperm.xlane v13, v4;
	v14, v15, _ =	vpop (xrf1);
	v8 =	vsel vm0, v8, v10;
	v9 =	vsel vm0, v48, v11  }
0x22: {  	v51, v52, _ =	vpop (xrf1);
	(xrf1) =	vsort.dscd.msk.f32 $0xffff, v8, v9  }
0x23: {  	v10 =	vsel vm0, v51, v12;
	v54 =	vsel vm0, v52, v13  }
0x24: {  	v14 =	vperm.xlane v14, v4;
	v15 =	vperm.xlane v15, v4;
	v53, v16, _ =	vpop (xrf1);
	(xrf1) =	vsort.dscd.msk.f32 $0xffff, v10, v54  }
0x25: {  	v8 =	vperm.xlane v53, v4  }
0x26: {  	v6 =	vsel vm0, v6, v14;
	v55 =	vperm.xlane v16, v4;
	v7 =	vsel vm0, v7, v15  }
0x27: {  	(xrf1) =	vsort.dscd.msk.f32 $0xffff, v6, v7;
	v9, v10, _ =	vpop (xrf1)  }
0x28: {  	v6 =	vsel vm0, v9, v8;
	v7 =	vsel vm0, v10, v55  }
0x29: {  	(xrf1) =	vsort.dscd.msk.f32 $0xffff, v6, v7;
	_ =	sdelay $0x6  }
0x2a: {  	v6, v7, _ =	vpop (xrf1)  }
0x2b: {  	v7 =	vperm.xlane v7, v4  }
0x2c: {  	v6 =	vperm.xlane v6, v4;
	v8, v9, _ =	vpop (xrf1)  }
0x2d: {  	v7 =	vsel vm0, v9, v7  }
0x2e: {  	v6 =	vsel vm0, v8, v6  }
0x2f: {  	v8, v56, _ =	vpop (xrf1)  }
0x30: {  	v8 =	vperm.xlane v8, v4;
	v57 =	vperm.xlane v56, v4  }
0x31: {  	(xrf1) =	vsort.dscd.msk.f32 $0xffff, v6, v7;
	v6, v7, _ =	vpop (xrf1)  }
0x32: {  	v6 =	vsel vm0, v6, v8;
	v7 =	vsel vm0, v7, v57  }
0x33: {  	(xrf1) =	vsort.dscd.msk.f32 $0xffff, v6, v7;
	_ =	sdelay $0xb  }
0x34: {  	v6, v7, _ =	vpop (xrf1)  }
0x35: {  	v8 =	vperm.xlane v6, v5  }
0x36: {  	v58, v10, _ =	vpop (xrf1)  }
0x37: {  	v6 =	vsub.f32 v6, v8;
	v8 =	vperm.xlane v58, v5;
	_ =	sdelay $0x1  }
0x38: {  	v6 =	vmul.f32 $1.442695020e+00, v6;
	v8 =	vsub.f32 v58, v8;
	_ =	sdelay $0x1  }
0x39: {  	(erf) = vpow2.f32 v6;
	v6 =	vmul.f32 $1.442695020e+00, v8;
	_ =	sdelay $0x1  }
0x3a: {  	(erf) = vpow2.f32 v6;
	_ =	sdelay $0x6  }
0x3b: {  	v6 =	vpop (erf)  }
0x3c: {  	v6 =	vnsel vm0, $0x0, v6  }
0x3d: {  	(xrf2) =	vadd.scan.msk.f32 $0xffff, v6;
	v8 =	vpop (erf)  }
0x3e: {  	v59 =	vnsel vm0, $0x0, v8  }
0x3f: {  	(xrf2) =	vadd.scan.msk.f32 $0xffff, v59;
	_ =	sdelay $0x7  }
0x40: {  	v60, _, _ =	vpop (xrf2)  }
0x41: {  	v9 =	vbroadcast v60, $0xF  }
0x42: {  	v61, _, _ =	vpop (xrf2)  }
0x43: {  	(erf) = vrcp.f32 v9;
	v62 =	vbroadcast v61, $0xF;
	_ =	sdelay $0x1  }
0x44: {  	(erf) = vrcp.f32 v62;
	_ =	sdelay $0x4  }
0x45: {  	v7 =	vperm.xlane v7, v4;
	_ =	sdelay $0x1  }
0x46: {  	v63 =	vpop (erf)  }
0x47: {  	v9 =	vmul.f32 v63, v6  }
0x48: {  	s14 =	simm.s32 $0x0;
	v6 =	vsel vm0, v10, v7;
	v7 =	vpop (erf)  }
0x49: {  	s12 =	simm.s32 $0x40;
	[tilespmem:s14+$0x2400] =	vst v6;
	v6 =	vmul.f32 v7, v8;
	v7 =	vperm.xlane v9, v4  }
.LBB2_2:
0x4a: {  	p0 =	sne.s32 s12, $0xFC0  }
0x4b: {  	s11 =	sadd.s32 $0x80, s11;
	s13 =	smov.u32 s12;
	s12 =	sadd.s32 $0x40, s12;
	v6 =	vsel vm0, v6, v7  }
0x4c: {  	[tilespmem:s14+$0x2000] =	vst v6  }
0x4d: {  	v6 =	vld [tilespmem:s11+$0xFFFFFFE0]  }
0x4e: {  	v7 =	vld [tilespmem:s11+$0x20]  }
0x4f: {  	v8 =	vld [tilespmem:s11+$0x30]  }
0x50: {  	v9 =	vld [tilespmem:s11+$0x10]  }
0x51: {  	v10 =	vld [tilespmem:s11+$0xFFFFFFF0]  }
0x52: {  	v11 =	vld [tilespmem:s11+$0x0];
	(xrf1) =	vsort.dscd.msk.f32 $0xffff, v6, v2  }
0x53: {  	v6 =	vld [tilespmem:s11+$0xFFFFFFD0];
	(xrf1) =	vsort.dscd.msk.f32 $0xffff, v7, v2  }
0x54: {  	(xrf1) =	vsort.dscd.msk.f32 $0xffff, v8, v3  }
0x55: {  	v7 =	vld [tilespmem:s11+$0xFFFFFFC0];
	(xrf1) =	vsort.dscd.msk.f32 $0xffff, v9, v1  }
0x56: {  	(xrf1) =	vsort.dscd.msk.f32 $0xffff, v10, v3  }
0x57: {  	(xrf1) =	vsort.dscd.msk.f32 $0xffff, v11, v0  }
0x58: {  	(xrf1) =	vsort.dscd.msk.f32 $0xffff, v6, v1;
	_ =	sdelay $0x1  }
0x59: {  	(xrf1) =	vsort.dscd.msk.f32 $0xffff, v7, v0;
	_ =	sdelay $0x5  }
0x5a: {  	v6, v7, _ =	vpop (xrf1)  }
0x5b: {  	v8, v9, _ =	vpop (xrf1)  }
0x5c: {  	v10, v11, _ =	vpop (xrf1)  }
0x5d: {  	v19 =	vperm.xlane v10, v4;
	v20 =	vperm.xlane v11, v4;
	v12, v13, _ =	vpop (xrf1)  }
0x5e: {  	v17 =	vperm.xlane v12, v4;
	v18 =	vperm.xlane v13, v4;
	v14, v15, _ =	vpop (xrf1)  }
0x5f: {  	v14 =	vperm.xlane v14, v4;
	v8 =	vsel vm0, v8, v19;
	v9 =	vsel vm0, v9, v20;
	v10, v11, _ =	vpop (xrf1)  }
0x60: {  	v15 =	vperm.xlane v15, v4;
	v10 =	vsel vm0, v10, v17;
	v12, v16, _ =	vpop (xrf1);
	(xrf1) =	vsort.dscd.msk.f32 $0xffff, v8, v9  }
0x61: {  	v9 =	vsel vm0, v11, v18;
	v8 =	vperm.xlane v12, v4;
	v6 =	vsel vm0, v6, v14  }
0x62: {  	v11 =	vperm.xlane v16, v4;
	v7 =	vsel vm0, v7, v15;
	v12, v13, _ =	vpop (xrf1);
	(xrf1) =	vsort.dscd.msk.f32 $0xffff, v10, v9  }
0x63: {  	v8 =	vsel vm0, v12, v8;
	(xrf1) =	vsort.dscd.msk.f32 $0xffff, v6, v7  }
0x64: {  	v6 =	vsel vm0, v13, v11  }
0x65: {  	(xrf1) =	vsort.dscd.msk.f32 $0xffff, v8, v6;
	_ =	sdelay $0x8  }
0x66: {  	v6, v7, _ =	vpop (xrf1)  }
0x67: {  	v6 =	vperm.xlane v6, v4;
	v12 =	vperm.xlane v7, v4  }
0x68: {  	v8, v9, _ =	vpop (xrf1)  }
0x69: {  	v11 =	vsel vm0, v8, v6;
	v10 =	vsel vm0, v9, v12;
	v8, v9, _ =	vpop (xrf1)  }
0x6a: {  	v8 =	vperm.xlane v8, v4;
	v9 =	vperm.xlane v9, v4;
	(xrf1) =	vsort.dscd.msk.f32 $0xffff, v11, v10  }
0x6b: {  	v6, v7, _ =	vpop (xrf1)  }
0x6c: {  	v6 =	vsel vm0, v6, v8;
	v7 =	vsel vm0, v7, v9  }
0x6d: {  	(xrf1) =	vsort.dscd.msk.f32 $0xffff, v6, v7;
	_ =	sdelay $0xa  }
0x6e: {  	v6, v7, _ =	vpop (xrf1)  }
0x6f: {  	v10 =	vperm.xlane v6, v5  }
0x70: {  	v7 =	vperm.xlane v7, v4  }
0x71: {  	v6 =	vsub.f32 v6, v10;
	v8, v9, _ =	vpop (xrf1)  }
0x72: {  	s14 =	sshra.s32 s13, $0x2;
	v10 =	vperm.xlane v8, v5;
	v7 =	vsel vm0, v9, v7  }
0x73: {  	v6 =	vmul.f32 $1.442695020e+00, v6;
	[tilespmem:s14+$0x2400] =	vst v7  }
0x74: {  	v7 =	vsub.f32 v8, v10  }
0x75: {  	(erf) = vpow2.f32 v6  }
0x76: {  	v6 =	vmul.f32 $1.442695020e+00, v7;
	_ =	sdelay $0x1  }
0x77: {  	(erf) = vpow2.f32 v6;
	_ =	sdelay $0x5  }
0x78: {  	v6 =	vpop (erf)  }
0x79: {  	v6 =	vnsel vm0, $0x0, v6  }
0x7a: {  	(xrf2) =	vadd.scan.msk.f32 $0xffff, v6  }
0x7b: {  	v7 =	vpop (erf)  }
0x7c: {  	v8 =	vnsel vm0, $0x0, v7  }
0x7d: {  	(xrf2) =	vadd.scan.msk.f32 $0xffff, v8;
	_ =	sdelay $0x6  }
0x7e: {  	v8, _, _ =	vpop (xrf2)  }
0x7f: {  	v8 =	vbroadcast v8, $0xF;
	_ =	sdelay $0x1  }
0x80: {  	v9, _, _ =	vpop (xrf2);
	(erf) = vrcp.f32 v8  }
0x81: {  	v8 =	vbroadcast v9, $0xF;
	_ =	sdelay $0x1  }
0x82: {  	(erf) = vrcp.f32 v8;
	_ =	sdelay $0x5  }
.Ltmp0:
0x83: {  	v8 =	vpop (erf);
	(pc) =	sbr.rel @p0 .LBB2_2-.Ltmp0, $3  }
0x84: {  	v8 =	vmul.f32 v8, v6;
	_ =	sdelay $0x1  }
0x85: {  	v6 =	vpop (erf)  }
0x86: {  	v6 =	vmul.f32 v6, v7;
	v7 =	vperm.xlane v8, v4  }
0x87: {  	_ = 	snop  }
0x88: {  	v6 =	vsel vm0, v6, v7  }
0x89: {  	[tilespmem:s14+$0x2000] =	vst v6  }
0x8a: {  	[hbm4b:s4+s2] =	stream.linear.scatter [tilespmem:s8], [sflag:$0x1], $0x400, $0x38;
	[tilespmem:$0x2800] =	vst v63  }
0x8b: {  	s10 =	sadd.s32 $0x1, s10;
	_ =	swait.ge [sflag:s7], $0x400  }
0x8c: {  	p0 =	sne.s32 s10, s6;
	[sflag:s7] =	ssyncset.done $0x0  }
.Ltmp1:
0x8d: {  	[sflag:s7] =	ssyncadd.s32 $0xFFFFFC00;
	(pc) =	sbr.rel @p0 .LBB2_1-.Ltmp1, $4  }
0x8e: {  	[hbm4b:s5+s2] =	stream.linear.scatter [tilespmem:s9], [sflag:$0x1], $0x400, $0x38;
	[tilespmem:$0x2800] =	vst v63  }
0x8f: {  	_ =	swait.ge [sflag:s7], $0x400  }
0x90: {  	[sflag:s7] =	ssyncset.done $0x0  }
0x91: {  	[sflag:s7] =	ssyncadd.s32 $0xFFFFFC00  }
0x92: {  	_ =	sfence.sel $0x180000  }
0x93: {  	[bflag:$0x0] =	sbarrier.arrive $0xFFFF  }
0x94: {  	p0 =	sne.s32 s1, $0x0;
	_ =	strace $0x90000050  }
0x95: {  	s0 =	sadd.s32 @!p0 $0x100000, s0;
	[bflag:$0x2] =	sbarrier.arrive $0xFFFF  }
0x96: {  	[sflag:s0] =	ssyncadd.tile.s32 @!p0 $0x1;
	_ =	shalt  }
.Lfunc_end2:
_tile_overlayer_lowered:
.L_overlay_start_2:
0x97: {  	(tag) =	ssettag $0x2  }
0x98: {  	s0 =	rddreg [dreg:$0x0];
	s2 =	stileid.u32  }
0x99: {  	s1 =	rddreg [dreg:$0x1];
	p0 =	sne.s32 s2, $0x0  }
0x9a: {  	s3 =	rddreg [dreg:$0x2];
	[bflag:$0x3] =	sbarrier.arrive $0xFFFF;
	s2 =	simm.s32 @!p0 $0x1C01  }
0x9b: {  	[timem:s3], [sflag:s2] =	dma.local @!p0 [hbm:s0], s1  }
0x9c: {  	s0 =	simm.s32 @!p0 $0x1  }
0x9d: {  	_ =	swait.ge @!p0 [sflag:s0], s1  }
0x9e: {  	s1 =	ssub.s32 @!p0 $0x0, s1;
	[sflag:s0] =	ssyncset.done @!p0 $0x0  }
0x9f: {  	[sflag:s0] =	ssyncadd.s32 @!p0 s1  }
0xa0: {  	[bflag:$0x3] =	sbarrier.arrive $0xFFFF  }
0xa1: {  	_ =	shalt  }

// kernel: kernel.13.cloned.1.call-start
scs
__scs_entry_jumppad:
0x0: {  	(pc) =	sbr.rel $0x88, $3  }
0x1: {  	(tag) =	ssettag $0x0;
	lr =	simm.s32 $0x1  }
0x2: {  	[smem:$0x3F9E] =	sst lr;
	_ =	strace $0xD0000000  }
0x3: {  	_ = 	snop  }
0x4: {  	_ = 	snop  }
0x5: {  	_ = 	snop  }
0x6: {  	_ = 	snop  }
0x7: {  	_ = 	snop  }
__scs_overlays_trampoline_lowered:
0x8: {  	[smem:$0x3FAD] =	sst s0  }
0x9: {  	[smem:$0x3FAE] =	sst s1  }
0xa: {  	[smem:$0x3FAF] =	sst s2  }
0xb: {  	[smem:$0x3FB0] =	sst s3  }
0xc: {  	[smem:$0x3FB1] =	sst s4  }
0xd: {  	[smem:$0x3FB2] =	sst s5  }
0xe: {  	[smem:$0x3FB3] =	sst s6  }
0xf: {  	[smem:$0x3FB4] =	sst s7  }
0x10: {  	[smem:$0x3FB5] =	sst s8  }
0x11: {  	[smem:$0x3FB6] =	sst s9;
	s0 =	simm.s32 @!p0 $0x0  }
0x12: {  	s1 =	sld [smem:$0x3F9C];
	s0 =	simm.s32 @p0 $0x1  }
0x13: {  	[smem:$0x3FB7] =	sst s0;
	s0 =	simm.s32 @!p1 $0x0  }
0x14: {  	s2 =	sld [smem:$0x3F9B];
	s0 =	simm.s32 @p1 $0x1  }
0x15: {  	[smem:$0x3FB8] =	sst s0;
	s0 =	simm.s32 @!p2 $0x0  }
0x16: {  	s3 =	sld [smem:$0x3FDB];
	s0 =	simm.s32 @p2 $0x1  }
0x17: {  	s4 =	simm.s32 $0x1BF5;
	[smem:$0x3FBA] =	sst s0  }
0x18: {  	s0 =	sld [smem:$0x3F9D];
	_ =	swait.ge [sflag:s4], $0x0  }
0x19: {  	s7 =	sld [smem:$0x3F9E]  }
0x1a: {  	s8 =	sadd.s32 $0xFFFFE003, lr  }
0x1b: {  	s9 =	sadd.s32 $0xFFFFFEF7, lr;
	s5 =	simm.s32 $0xFFFFFFFF;
	p2 =	slt.u32 s8, $0xFFFFF086  }
0x1c: {  	p1 =	slt.u32 s9, $0xF7A;
	s5 =	simm.s32 @!p2 $0x0  }
0x1d: {  	s5 =	simm.s32 @p1 $0x1;
	p0 =	seq.s32 s7, s2  }
0x1e: {  	s7 =	smul.u32 @!p0 $0xF7A, s2;
	p2 =	seq.s32 @!p0 s5, $0x0  }
0x1f: {  	s9 =	smul.u32 $0xF7A, s1;
	s8 =	simm.s32 @!p0 $0x1BF5;
	p2 =	por !p2, p0  }
0x20: {  	[sflag:s8] =	ssyncset.s32 @!p0 $0xFFFFF086;
	s6 =	sadd.s32 @!p0 s3, s7;
	s7 =	simm.s32 @!p0 $0x108  }
0x21: {  	s3 =	sadd.s32 s3, s9;
	s6 =	sadd.s32 @!p0 $0x88, s6;
	s7 =	simm.s32 @p2 $0x1082  }
0x22: {  	[simem:s7], [sflag:s8] =	dma.local @!p0 [hbm:s6], $0xF7A  }
0x23: {  	s9 =	sor.u32 $0xD0000000, s2;
	s6 =	simm.s32 $0x108;
	_ =	swait.ge @!p0 [sflag:s8], $0x0  }
0x24: {  	s3 =	sadd.s32 $0x88, s3;
	s6 =	simm.s32 @!p1 $0x1082;
	[sflag:s4] =	ssyncset.s32 $0xFFFFF086  }
0x25: {  	[simem:s6], [sflag:s4] =	dma.local [hbm:s3], $0xF7A  }
0x26: {  	[smem:$0x3F9E] =	sst s1;
	(tag) =	ssettag s2;
	_ =	strace s9  }
0x27: {  	s1 =	sld [smem:$0x3FAE]  }
0x28: {  	s2 =	sld [smem:$0x3FAF]  }
0x29: {  	s4 =	sld [smem:$0x3FB1]  }
0x2a: {  	p0 =	seq.s32 s5, $0x0;
	s5 =	sld [smem:$0x3FB2]  }
0x2b: {  	s6 =	sld [smem:$0x3FB3]  }
0x2c: {  	s7 =	sld [smem:$0x3FB4]  }
0x2d: {  	s3 =	simm.s32 $0x108;
	s8 =	sld [smem:$0x3FB5]  }
0x2e: {  	s3 =	simm.s32 @!p0 $0x1082;
	s9 =	sld [smem:$0x3FB6]  }
0x2f: {  	lr =	sadd.s32 s0, s3;
	s0 =	sld [smem:$0x3FAD]  }
0x30: {  	s3 =	sld [smem:$0x3FB0]  }
0x31: {  	[smem:$0x3FB9] =	sst s10  }
0x32: {  	s10 =	sld [smem:$0x3FB7];
	_ =	sdelay $0x3  }
0x33: {  	p0 =	seq.s32 s10, $0x1;
	s10 =	sld [smem:$0x3FB9];
	_ =	sdelay $0x3  }
0x34: {  	[smem:$0x3FB9] =	sst s10  }
0x35: {  	s10 =	sld [smem:$0x3FB8];
	_ =	sdelay $0x3  }
0x36: {  	p1 =	seq.s32 s10, $0x1;
	s10 =	sld [smem:$0x3FB9];
	_ =	sdelay $0x3  }
0x37: {  	[smem:$0x3FB9] =	sst s10  }
0x38: {  	s10 =	sld [smem:$0x3FBA]  }
0x39: {  	_ = 	snop;
	(pc) =	sbr.ind lr, $3  }
0x3a: {  	_ = 	snop  }
0x3b: {  	_ = 	snop  }
0x3c: {  	p2 =	seq.s32 s10, $0x1;
	s10 =	sld [smem:$0x3FB9]  }
0x3d: {  	_ =	shalt  }
0x3e: {  	_ =	shalt  }
0x3f: {  	_ =	shalt  }
0x40: {  	_ =	shalt  }
0x41: {  	_ =	shalt  }
0x42: {  	_ =	shalt  }
0x43: {  	_ =	shalt  }
0x44: {  	_ =	shalt  }
0x45: {  	_ =	shalt  }
0x46: {  	_ =	shalt  }
0x47: {  	_ =	shalt  }
0x48: {  	_ =	shalt  }
0x49: {  	_ =	shalt  }
0x4a: {  	_ =	shalt  }
0x4b: {  	_ =	shalt  }
0x4c: {  	_ =	shalt  }
0x4d: {  	_ =	shalt  }
0x4e: {  	_ =	shalt  }
0x4f: {  	_ =	shalt  }
0x50: {  	_ =	shalt  }
0x51: {  	_ =	shalt  }
0x52: {  	_ =	shalt  }
0x53: {  	_ =	shalt  }
0x54: {  	_ =	shalt  }
0x55: {  	_ =	shalt  }
0x56: {  	_ =	shalt  }
0x57: {  	_ =	shalt  }
0x58: {  	_ =	shalt  }
0x59: {  	_ =	shalt  }
0x5a: {  	_ =	shalt  }
0x5b: {  	_ =	shalt  }
0x5c: {  	_ =	shalt  }
0x5d: {  	_ =	shalt  }
0x5e: {  	_ =	shalt  }
0x5f: {  	_ =	shalt  }
0x60: {  	_ =	shalt  }
0x61: {  	_ =	shalt  }
0x62: {  	_ =	shalt  }
0x63: {  	_ =	shalt  }
0x64: {  	_ =	shalt  }
0x65: {  	_ =	shalt  }
0x66: {  	_ =	shalt  }
0x67: {  	_ =	shalt  }
0x68: {  	_ =	shalt  }
0x69: {  	_ =	shalt  }
0x6a: {  	_ =	shalt  }
0x6b: {  	_ =	shalt  }
0x6c: {  	_ =	shalt  }
0x6d: {  	_ =	shalt  }
0x6e: {  	_ =	shalt  }
0x6f: {  	_ =	shalt  }
0x70: {  	_ =	shalt  }
0x71: {  	_ =	shalt  }
0x72: {  	_ =	shalt  }
0x73: {  	_ =	shalt  }
0x74: {  	_ =	shalt  }
0x75: {  	_ =	shalt  }
0x76: {  	_ =	shalt  }
0x77: {  	_ =	shalt  }
0x78: {  	_ =	shalt  }
0x79: {  	_ =	shalt  }
0x7a: {  	_ =	shalt  }
0x7b: {  	_ =	shalt  }
0x7c: {  	_ =	shalt  }
0x7d: {  	_ =	shalt  }
0x7e: {  	_ =	shalt  }
0x7f: {  	_ =	shalt  }
0x80: {  	_ =	shalt  }
0x81: {  	_ =	shalt  }
0x82: {  	_ =	shalt  }
0x83: {  	_ =	shalt  }
0x84: {  	_ =	shalt  }
0x85: {  	_ =	shalt  }
0x86: {  	_ =	shalt  }
0x87: {  	_ =	shalt  }
.Lfunc_end0:
.L_simem_size_0:
called_computation.1_lowered:
.L_overlay_start_0:
0x88: {  	s2 =	sld [smem:$0x3FD9]  }
0x89: {  	s3 =	sld [smem:$0x3FFE];
	_ =	sdelay $0x1  }
0x8a: {  	s1 =	srdreg.scid  }
0x8b: {  	s0 =	sand.u32 $0x1, s1  }
0x8c: {  	s17 =	sshll.u32 s0, $0xA;
	s2 =	sadd.s32 s3, s2  }
0x8d: {  	s2 =	sadd.s32 s2, s17  }
0x8e: {  	[smem:$0x3FC5] =	sst s2  }
0x8f: {  	_ = 	snop  }
0x90: {  	(tm) =	ssettm $0x1  }
0x91: {  	s18 =	sld [smem:$0x3FFB];
	_ =	sdelay $0x3  }
0x92: {  	_ =	strace s18  }
0x93: {  	s2 =	sld [smem:$0x3FFC];
	_ =	sdelay $0x3  }
0x94: {  	_ =	strace s2  }
0x95: {  	s2 =	sld [smem:$0x3FFD];
	_ =	sdelay $0x3  }
0x96: {  	_ =	strace s2  }
0x97: {  	_ =	strace $0x8FFFFFFF  }
0x98: {  	s19 =	sld [smem:$0x3FDB];
	_ =	sdelay $0x1  }
0x99: {  	s20 =	simm.s32 $_scs_section_size  }
0x9a: {  	s4 =	simm.s32 $_size__tile_overlayer_lowered;
	s5 =	simm.s32 $_tile_overlayer_lowered  }
0x9b: {  	s6 =	simm.s32 $0x1BFF;
	s21 =	sshll.u32 s5, $0x1;
	s3 =	sadd.s32 s20, s19  }
0x9c: {  	s22 =	simm.s32 $0x0;
	s4 =	sshll.u32 s4, $0x1;
	s5 =	sadd.s32 s21, s3  }
0x9d: {  	[timem:s22], [sflag:s6] =	dma.local [hbm:s5], s4  }
0x9e: {  	_ =	swait.ge [sflag:s6], s4  }
0x9f: {  	s4 =	ssub.s32 $0x0, s4;
	[sflag:s6] =	ssyncset.done $0x0  }
0xa0: {  	[sflag:s6] =	ssyncadd.s32 s4;
	_ =	sdelay $0x1  }
0xa1: {  	s23 =	simm.s32 $0x1B8B  }
0xa2: {  	_ =	swait.ge [sflag:s23], $0x1  }
0xa3: {  	[sflag:s23] =	ssyncset.done $0x0  }
0xa4: {  	[sflag:s23] =	ssyncadd.s32 $0xFFFFFFFF  }
0xa5: {  	s4 =	sld [smem:$0x0]  }
0xa6: {  	s5 =	sand.u32 $0xFFFFFFFE, s1  }
0xa7: {  	p0 =	sne.s32 s1, s5  }
0xa8: {  	s5 =	sshll.u32 @p0 s5, $0xE  }
0xa9: {  	s5 =	sadd.s32 @p0 $0x11B8D, s5;
	s6 =	sshll.u32 @p0 s4, $0x11  }
0xaa: {  	s5 =	sor.u32 @p0 s6, s5  }
0xab: {  	[sflag:s5] =	ssyncadd.remote.s32 @p0 $0x1;
	_ =	sdelay $0x1  }
0xac: {  	s5 =	simm.s32 @p0 $0x1B8D  }
0xad: {  	_ =	swait.eq @p0 [sflag:s5], $0x1  }
0xae: {  	[sflag:s5] =	ssyncadd.s32 @p0 $0xFFFFFFFF  }
0xaf: {  	s6 =	sshll.u32 @!p0 s1, $0xE  }
0xb0: {  	s6 =	sor.u32 @!p0 $0x4000, s6;
	s5 =	simm.s32 @!p0 $0x1B8D  }
0xb1: {  	s4 =	sshll.u32 @!p0 s4, $0x11;
	s6 =	sadd.s32 @!p0 $0x11B8D, s6;
	_ =	swait.eq @!p0 [sflag:s5], $0x1  }
0xb2: {  	s4 =	sor.u32 @!p0 s4, s6;
	[sflag:s5] =	ssyncadd.s32 @!p0 $0xFFFFFFFF  }
0xb3: {  	s25 =	simm.s32 $0x1B8E;
	s24 =	sld [smem:$0x3FFE];
	[sflag:s4] =	ssyncadd.remote.s32 @!p0 $0x1  }
0xb4: {  	s26 =	simm.s32 $execute0_lowered;
	[smem:$0x3FD2] =	sst s25  }
0xb5: {  	s5 =	sshll.u32 s26, $0x1;
	_ =	strace $0x8000004C;
	[dreg:$0x1] =	wrdreg $0xFFFFFFFF  }
0xb6: {  	s28 =	simm.s32 $_size_execute0_lowered;
	s3 =	sadd.s32 s3, s5;
	[dreg:$0x0] =	wrdreg $0x0  }
0xb7: {  	s5 =	sshll.u32 s28, $0x1;
	[dreg:$0x2] =	wrdreg s3  }
0xb8: {  	[dreg:$0x3] =	wrdreg s5  }
0xb9: {  	[dreg:$0x4] =	wrdreg $0xC0  }
0xba: {  	_ =	task [dreg:s22], $0x5FFFF  }
0xbb: {  	[dreg:$0x1] =	wrdreg $0xFFFFFFFF  }
0xbc: {  	[dreg:$0x0] =	wrdreg $0x60  }
0xbd: {  	[dreg:$0x2] =	wrdreg s24  }
0xbe: {  	[dreg:$0x3] =	wrdreg $0xA  }
0xbf: {  	_ =	task.clear_ibuf [dreg:s22], $0x4FFFF;
	_ =	strace $0x9000004C  }
0xc0: {  	s29 =	simm.s32 $0xA;
	_ =	strace $0x8000004E  }
0xc1: {  	_ =	swait.ge [sflag:s29], $0x1  }
0xc2: {  	[sflag:s29] =	ssyncadd.s32 $0xFFFFFFFF  }
0xc3: {  	_ =	strace $0x9000004E  }
0xc4: {  	_ =	sfence  }
0xc5: {  	s30 =	sld [smem:$0x0];
	_ =	sdelay $0x2  }
0xc6: {  	s31 =	sshll.u32 s1, $0xD;
	s1 =	sshrl.u32 s1, $0x2  }
0xc7: {  	s4 =	sand.u32 $0x4000, s31;
	s1 =	sadd.s32 s1, s30  }
0xc8: {  	s0 =	sor.u32 s4, s0;
	s1 =	sshll.u32 s1, $0x11  }
0xc9: {  	s0 =	sor.u32 s1, s0  }
0xca: {  	s0 =	sadd.s32 $0x8F2B, s0  }
0xcb: {  	[sflag:s0] =	ssyncadd.remote.s32 $0x1  }
0xcc: {  	_ =	sfence.sel $0xFFFF  }
0xcd: {  	[dreg:$0x0] =	wrdreg $0xFFFFFFFF;
	(pc) =	sbr.abs _section_cstart, $3  }
0xce: {  	[dreg:$0x1] =	wrdreg $0xFFFFFFFF  }
0xcf: {  	_ =	task.clear_ibuf [dreg:s22], $0x2FFFF;
	_ =	strace $0x9FFFFFFF  }
0xd0: {  	(tm) =	ssettm $0x7FFFFFFF  }
0xd1: {  	_ =	shalt  }
tec
execute0_lowered:
.L_overlay_start_1:
0x0: {  	(tag) =	ssettag $0x1  }
0x1: {  	s3 =	rddreg [dreg:$0x0];
	v0 =	vimm.s32 $0xE40000  }
0x2: {  	s0 =	rddreg [dreg:$0x1];
	s2 =	simm.s32 $0x0;
	s4 =	srdreg.scid;
	v0 =	vunpack.c.l.s2.s4 v0  }
0x3: {  	s1 =	stileid.u32;
	s8 =	simm.s32 $0x2000;
	s9 =	simm.s32 $0x2400  }
0x4: {  	[smem:$0x7FF] =	sst s2;
	s4 =	sand.u32 $0x1, s4;
	s5 =	sshll.u32 s1, $0x1;
	v1 =	vunpack.c.l.s4.s8 v0  }
0x5: {  	s10 =	simm.s32 $0x0;
	_ =	strace $0x8000004D;
	s5 =	sor.u32 s4, s5  }
0x6: {  	v3 =	vimm.s32 $0x7060504;
	s4 =	ssub.s32 $0x2, s4;
	s6 =	sshll.u32 s5, $0xA;
	s5 =	sshll.u32 s5, $0x7;
	v0 =	vlaneseq.u32;
	v4 =	vunpack.c.0.s8.s32 v1  }
0x7: {  	vm0 =	vcmask $0x3F30;
	v5 =	vunpack.c.0.s8.s32 v3;
	s31 =	sshrl.u32 s4, $0x1;
	s6 =	sadd.s32 s6, s3;
	s5 =	sadd.s32 s5, s3;
	v2 =	vor.u32 $0x20, v0  }
0x8: {  	s7 =	ssub.s32 s4, s31;
	v3 =	vor.u32 $0x30, v0;
	s3 =	sadd.s32 $0x16C00, s6;
	s4 =	sadd.s32 $0x1EC00, s5;
	v1 =	vor.u32 $0x10, v0;
	v4 =	vand.u32 $0x3, v4  }
0x9: {  	s5 =	sadd.s32 $0x1FC00, s5;
	s6 =	smax.u32 s7, $0x1;
	s7 =	simm.s32 $0x1;
	v4 =	vsel vm0, v5, v4;
	vm0 =	vmmov $0xff;
	v5 =	vimm.s32 $0x0  }
.LBB2_1:
0xa: {  	[tilespmem:s2], [sflag:$0x1] =	stream.linear.gather [hbm4b:s3+s2], $0x2000, $0x38;
	[tilespmem:$0x2800] =	vst v63  }
0xb: {  	_ =	swait.ge [sflag:s7], $0x2000  }
0xc: {  	[sflag:s7] =	ssyncset.done $0x0  }
0xd: {  	s11 =	simm.s32 $0x40;
	[sflag:s7] =	ssyncadd.s32 $0xFFFFE000  }
0xe: {  	v6 =	vld [tilespmem:s11+$0xFFFFFFE0]  }
0xf: {  	v7 =	vld [tilespmem:s11+$0x20]  }
0x10: {  	v8 =	vld [tilespmem:s11+$0x30]  }
0x11: {  	v9 =	vld [tilespmem:s11+$0x10];
	_ =	sdelay $0x1  }
0x12: {  	v10 =	vld [tilespmem:s11+$0xFFFFFFF0];
	(xrf1) =	vsort.dscd.msk.f32 $0xffff, v6, v2  }
0x13: {  	v11 =	vld [tilespmem:s11+$0x0];
	(xrf1) =	vsort.dscd.msk.f32 $0xffff, v7, v2  }
0x14: {  	(xrf1) =	vsort.dscd.msk.f32 $0xffff, v8, v3  }
0x15: {  	v6 =	vld [tilespmem:s11+$0xFFFFFFD0];
	(xrf1) =	vsort.dscd.msk.f32 $0xffff, v9, v1;
	_ =	sdelay $0x1  }
0x16: {  	(xrf1) =	vsort.dscd.msk.f32 $0xffff, v10, v3  }
0x17: {  	v7 =	vld [tilespmem:s11+$0xFFFFFFC0];
	(xrf1) =	vsort.dscd.msk.f32 $0xffff, v11, v0;
	_ =	sdelay $0x1  }
0x18: {  	(xrf1) =	vsort.dscd.msk.f32 $0xffff, v6, v1;
	_ =	sdelay $0x2  }
0x19: {  	(xrf1) =	vsort.dscd.msk.f32 $0xffff, v7, v0;
	_ =	sdelay $0x2  }
0x1a: {  	v6, v7, _ =	vpop (xrf1)  }
0x1b: {  	v8, v48, _ =	vpop (xrf1)  }
0x1c: {  	v49, v50, _ =	vpop (xrf1)  }
0x1d: {  	v10 =	vperm.xlane v49, v4;
	v11 =	vperm.xlane v50, v4;
	v12, v13, _ =	vpop (xrf1)  }
0x1e: {  	v12 =	vperm.xlane v12, v4  }
0x1f: {  	v13 =	vperm.xlane v13, v4;
	v14, v15, _ =	vpop (xrf1);
	v8 =	vsel vm0, v8, v10;
	v9 =	vsel vm0, v48, v11  }
0x20: {  	v51, v52, _ =	vpop (xrf1);
	(xrf1) =	vsort.dscd.msk.f32 $0xffff, v8, v9  }
0x21: {  	v10 =	vsel vm0, v51, v12;
	v54 =	vsel vm0, v52, v13  }
0x22: {  	v14 =	vperm.xlane v14, v4;
	v15 =	vperm.xlane v15, v4;
	v53, v16, _ =	vpop (xrf1);
	(xrf1) =	vsort.dscd.msk.f32 $0xffff, v10, v54  }
0x23: {  	v8 =	vperm.xlane v53, v4  }
0x24: {  	v6 =	vsel vm0, v6, v14;
	v55 =	vperm.xlane v16, v4;
	v7 =	vsel vm0, v7, v15  }
0x25: {  	(xrf1) =	vsort.dscd.msk.f32 $0xffff, v6, v7;
	v9, v10, _ =	vpop (xrf1)  }
0x26: {  	v6 =	vsel vm0, v9, v8;
	v7 =	vsel vm0, v10, v55  }
0x27: {  	(xrf1) =	vsort.dscd.msk.f32 $0xffff, v6, v7;
	_ =	sdelay $0x6  }
0x28: {  	v6, v7, _ =	vpop (xrf1)  }
0x29: {  	v7 =	vperm.xlane v7, v4  }
0x2a: {  	v6 =	vperm.xlane v6, v4;
	v8, v9, _ =	vpop (xrf1)  }
0x2b: {  	v7 =	vsel vm0, v9, v7  }
0x2c: {  	v6 =	vsel vm0, v8, v6  }
0x2d: {  	v8, v56, _ =	vpop (xrf1)  }
0x2e: {  	v8 =	vperm.xlane v8, v4;
	v57 =	vperm.xlane v56, v4  }
0x2f: {  	(xrf1) =	vsort.dscd.msk.f32 $0xffff, v6, v7;
	v6, v7, _ =	vpop (xrf1)  }
0x30: {  	v6 =	vsel vm0, v6, v8;
	v7 =	vsel vm0, v7, v57  }
0x31: {  	(xrf1) =	vsort.dscd.msk.f32 $0xffff, v6, v7;
	_ =	sdelay $0xb  }
0x32: {  	v6, v7, _ =	vpop (xrf1)  }
0x33: {  	v8 =	vperm.xlane v6, v5  }
0x34: {  	v58, v10, _ =	vpop (xrf1)  }
0x35: {  	v6 =	vsub.f32 v6, v8;
	v8 =	vperm.xlane v58, v5;
	_ =	sdelay $0x1  }
0x36: {  	v6 =	vmul.f32 $1.442695020e+00, v6;
	v8 =	vsub.f32 v58, v8;
	_ =	sdelay $0x1  }
0x37: {  	(erf) = vpow2.f32 v6;
	v6 =	vmul.f32 $1.442695020e+00, v8;
	_ =	sdelay $0x1  }
0x38: {  	(erf) = vpow2.f32 v6;
	_ =	sdelay $0x6  }
0x39: {  	v6 =	vpop (erf)  }
0x3a: {  	v6 =	vnsel vm0, $0x0, v6  }
0x3b: {  	(xrf2) =	vadd.scan.msk.f32 $0xffff, v6;
	v8 =	vpop (erf)  }
0x3c: {  	v59 =	vnsel vm0, $0x0, v8  }
0x3d: {  	(xrf2) =	vadd.scan.msk.f32 $0xffff, v59;
	_ =	sdelay $0x7  }
0x3e: {  	v60, _, _ =	vpop (xrf2)  }
0x3f: {  	v9 =	vbroadcast v60, $0xF  }
0x40: {  	v61, _, _ =	vpop (xrf2)  }
0x41: {  	(erf) = vrcp.f32 v9;
	v62 =	vbroadcast v61, $0xF;
	_ =	sdelay $0x1  }
0x42: {  	(erf) = vrcp.f32 v62;
	_ =	sdelay $0x4  }
0x43: {  	v7 =	vperm.xlane v7, v4;
	_ =	sdelay $0x1  }
0x44: {  	v63 =	vpop (erf)  }
0x45: {  	v9 =	vmul.f32 v63, v6  }
0x46: {  	s14 =	simm.s32 $0x0;
	v6 =	vsel vm0, v10, v7;
	v7 =	vpop (erf)  }
0x47: {  	s12 =	simm.s32 $0x40;
	[tilespmem:s14+$0x2400] =	vst v6;
	v6 =	vmul.f32 v7, v8;
	v7 =	vperm.xlane v9, v4  }
.LBB2_2:
0x48: {  	p0 =	sne.s32 s12, $0xFC0  }
0x49: {  	s11 =	sadd.s32 $0x80, s11;
	s13 =	smov.u32 s12;
	s12 =	sadd.s32 $0x40, s12;
	v6 =	vsel vm0, v6, v7  }
0x4a: {  	[tilespmem:s14+$0x2000] =	vst v6  }
0x4b: {  	v6 =	vld [tilespmem:s11+$0xFFFFFFE0]  }
0x4c: {  	v7 =	vld [tilespmem:s11+$0x20]  }
0x4d: {  	v8 =	vld [tilespmem:s11+$0x30]  }
0x4e: {  	v9 =	vld [tilespmem:s11+$0x10]  }
0x4f: {  	v10 =	vld [tilespmem:s11+$0xFFFFFFF0]  }
0x50: {  	v11 =	vld [tilespmem:s11+$0x0];
	(xrf1) =	vsort.dscd.msk.f32 $0xffff, v6, v2  }
0x51: {  	v6 =	vld [tilespmem:s11+$0xFFFFFFD0];
	(xrf1) =	vsort.dscd.msk.f32 $0xffff, v7, v2  }
0x52: {  	(xrf1) =	vsort.dscd.msk.f32 $0xffff, v8, v3  }
0x53: {  	v7 =	vld [tilespmem:s11+$0xFFFFFFC0];
	(xrf1) =	vsort.dscd.msk.f32 $0xffff, v9, v1  }
0x54: {  	(xrf1) =	vsort.dscd.msk.f32 $0xffff, v10, v3  }
0x55: {  	(xrf1) =	vsort.dscd.msk.f32 $0xffff, v11, v0  }
0x56: {  	(xrf1) =	vsort.dscd.msk.f32 $0xffff, v6, v1;
	_ =	sdelay $0x1  }
0x57: {  	(xrf1) =	vsort.dscd.msk.f32 $0xffff, v7, v0;
	_ =	sdelay $0x5  }
0x58: {  	v6, v7, _ =	vpop (xrf1)  }
0x59: {  	v8, v9, _ =	vpop (xrf1)  }
0x5a: {  	v10, v11, _ =	vpop (xrf1)  }
0x5b: {  	v19 =	vperm.xlane v10, v4;
	v20 =	vperm.xlane v11, v4;
	v12, v13, _ =	vpop (xrf1)  }
0x5c: {  	v17 =	vperm.xlane v12, v4;
	v18 =	vperm.xlane v13, v4;
	v14, v15, _ =	vpop (xrf1)  }
0x5d: {  	v14 =	vperm.xlane v14, v4;
	v8 =	vsel vm0, v8, v19;
	v9 =	vsel vm0, v9, v20;
	v10, v11, _ =	vpop (xrf1)  }
0x5e: {  	v15 =	vperm.xlane v15, v4;
	v10 =	vsel vm0, v10, v17;
	v12, v16, _ =	vpop (xrf1);
	(xrf1) =	vsort.dscd.msk.f32 $0xffff, v8, v9  }
0x5f: {  	v9 =	vsel vm0, v11, v18;
	v8 =	vperm.xlane v12, v4;
	v6 =	vsel vm0, v6, v14  }
0x60: {  	v11 =	vperm.xlane v16, v4;
	v7 =	vsel vm0, v7, v15;
	v12, v13, _ =	vpop (xrf1);
	(xrf1) =	vsort.dscd.msk.f32 $0xffff, v10, v9  }
0x61: {  	v8 =	vsel vm0, v12, v8;
	(xrf1) =	vsort.dscd.msk.f32 $0xffff, v6, v7  }
0x62: {  	v6 =	vsel vm0, v13, v11  }
0x63: {  	(xrf1) =	vsort.dscd.msk.f32 $0xffff, v8, v6;
	_ =	sdelay $0x8  }
0x64: {  	v6, v7, _ =	vpop (xrf1)  }
0x65: {  	v6 =	vperm.xlane v6, v4;
	v12 =	vperm.xlane v7, v4  }
0x66: {  	v8, v9, _ =	vpop (xrf1)  }
0x67: {  	v11 =	vsel vm0, v8, v6;
	v10 =	vsel vm0, v9, v12;
	v8, v9, _ =	vpop (xrf1)  }
0x68: {  	v8 =	vperm.xlane v8, v4;
	v9 =	vperm.xlane v9, v4;
	(xrf1) =	vsort.dscd.msk.f32 $0xffff, v11, v10  }
0x69: {  	v6, v7, _ =	vpop (xrf1)  }
0x6a: {  	v6 =	vsel vm0, v6, v8;
	v7 =	vsel vm0, v7, v9  }
0x6b: {  	(xrf1) =	vsort.dscd.msk.f32 $0xffff, v6, v7;
	_ =	sdelay $0xa  }
0x6c: {  	v6, v7, _ =	vpop (xrf1)  }
0x6d: {  	v10 =	vperm.xlane v6, v5  }
0x6e: {  	v7 =	vperm.xlane v7, v4  }
0x6f: {  	v6 =	vsub.f32 v6, v10;
	v8, v9, _ =	vpop (xrf1)  }
0x70: {  	s14 =	sshra.s32 s13, $0x2;
	v10 =	vperm.xlane v8, v5;
	v7 =	vsel vm0, v9, v7  }
0x71: {  	v6 =	vmul.f32 $1.442695020e+00, v6;
	[tilespmem:s14+$0x2400] =	vst v7  }
0x72: {  	v7 =	vsub.f32 v8, v10  }
0x73: {  	(erf) = vpow2.f32 v6  }
0x74: {  	v6 =	vmul.f32 $1.442695020e+00, v7;
	_ =	sdelay $0x1  }
0x75: {  	(erf) = vpow2.f32 v6;
	_ =	sdelay $0x5  }
0x76: {  	v6 =	vpop (erf)  }
0x77: {  	v6 =	vnsel vm0, $0x0, v6  }
0x78: {  	(xrf2) =	vadd.scan.msk.f32 $0xffff, v6  }
0x79: {  	v7 =	vpop (erf)  }
0x7a: {  	v8 =	vnsel vm0, $0x0, v7  }
0x7b: {  	(xrf2) =	vadd.scan.msk.f32 $0xffff, v8;
	_ =	sdelay $0x6  }
0x7c: {  	v8, _, _ =	vpop (xrf2)  }
0x7d: {  	v8 =	vbroadcast v8, $0xF;
	_ =	sdelay $0x1  }
0x7e: {  	v9, _, _ =	vpop (xrf2);
	(erf) = vrcp.f32 v8  }
0x7f: {  	v8 =	vbroadcast v9, $0xF;
	_ =	sdelay $0x1  }
0x80: {  	(erf) = vrcp.f32 v8;
	_ =	sdelay $0x5  }
.Ltmp0:
0x81: {  	v8 =	vpop (erf);
	(pc) =	sbr.rel @p0 .LBB2_2-.Ltmp0, $3  }
0x82: {  	v8 =	vmul.f32 v8, v6;
	_ =	sdelay $0x1  }
0x83: {  	v6 =	vpop (erf)  }
0x84: {  	v6 =	vmul.f32 v6, v7;
	v7 =	vperm.xlane v8, v4  }
0x85: {  	_ = 	snop  }
0x86: {  	v6 =	vsel vm0, v6, v7  }
0x87: {  	[tilespmem:s14+$0x2000] =	vst v6  }
0x88: {  	[hbm4b:s4+s2] =	stream.linear.scatter [tilespmem:s8], [sflag:$0x1], $0x400, $0x38;
	[tilespmem:$0x2800] =	vst v63  }
0x89: {  	s10 =	sadd.s32 $0x1, s10;
	_ =	swait.ge [sflag:s7], $0x400  }
0x8a: {  	p0 =	sne.s32 s10, s6;
	[sflag:s7] =	ssyncset.done $0x0  }
.Ltmp1:
0x8b: {  	[sflag:s7] =	ssyncadd.s32 $0xFFFFFC00;
	(pc) =	sbr.rel @p0 .LBB2_1-.Ltmp1, $4  }
0x8c: {  	[hbm4b:s5+s2] =	stream.linear.scatter [tilespmem:s9], [sflag:$0x1], $0x400, $0x38;
	[tilespmem:$0x2800] =	vst v63  }
0x8d: {  	_ =	swait.ge [sflag:s7], $0x400  }
0x8e: {  	[sflag:s7] =	ssyncset.done $0x0  }
0x8f: {  	[sflag:s7] =	ssyncadd.s32 $0xFFFFFC00  }
0x90: {  	_ =	sfence.sel $0x180000  }
0x91: {  	[bflag:$0x0] =	sbarrier.arrive $0xFFFF  }
0x92: {  	p0 =	sne.s32 s1, $0x0;
	_ =	strace $0x9000004D  }
0x93: {  	s0 =	sadd.s32 @!p0 $0x100000, s0;
	[bflag:$0x2] =	sbarrier.arrive $0xFFFF  }
0x94: {  	[sflag:s0] =	ssyncadd.tile.s32 @!p0 $0x1;
	_ =	shalt  }
.Lfunc_end2:
_tile_overlayer_lowered:
.L_overlay_start_2:
0x95: {  	(tag) =	ssettag $0x2  }
0x96: {  	s0 =	rddreg [dreg:$0x0];
	s2 =	stileid.u32  }
0x97: {  	s1 =	rddreg [dreg:$0x1];
	p0 =	sne.s32 s2, $0x0  }
0x98: {  	s3 =	rddreg [dreg:$0x2];
	[bflag:$0x3] =	sbarrier.arrive $0xFFFF;
	s2 =	simm.s32 @!p0 $0x1C01  }
0x99: {  	[timem:s3], [sflag:s2] =	dma.local @!p0 [hbm:s0], s1  }
0x9a: {  	s0 =	simm.s32 @!p0 $0x1  }
0x9b: {  	_ =	swait.ge @!p0 [sflag:s0], s1  }
0x9c: {  	s1 =	ssub.s32 @!p0 $0x0, s1;
	[sflag:s0] =	ssyncset.done @!p0 $0x0  }
0x9d: {  	[sflag:s0] =	ssyncadd.s32 @!p0 s1  }
0x9e: {  	[bflag:$0x3] =	sbarrier.arrive $0xFFFF  }
0x9f: {  	_ =	shalt  }

// kernel: kernel.16.cloned.1.call-start
scs
__scs_entry_jumppad:
0x0: {  	(pc) =	sbr.rel $0x88, $3  }
0x1: {  	(tag) =	ssettag $0x0;
	lr =	simm.s32 $0x1  }
0x2: {  	[smem:$0x3F9E] =	sst lr;
	_ =	strace $0xD0000000  }
0x3: {  	_ = 	snop  }
0x4: {  	_ = 	snop  }
0x5: {  	_ = 	snop  }
0x6: {  	_ = 	snop  }
0x7: {  	_ = 	snop  }
__scs_overlays_trampoline_lowered:
0x8: {  	[smem:$0x3FAD] =	sst s0  }
0x9: {  	[smem:$0x3FAE] =	sst s1  }
0xa: {  	[smem:$0x3FAF] =	sst s2  }
0xb: {  	[smem:$0x3FB0] =	sst s3  }
0xc: {  	[smem:$0x3FB1] =	sst s4  }
0xd: {  	[smem:$0x3FB2] =	sst s5  }
0xe: {  	[smem:$0x3FB3] =	sst s6  }
0xf: {  	[smem:$0x3FB4] =	sst s7  }
0x10: {  	[smem:$0x3FB5] =	sst s8  }
0x11: {  	[smem:$0x3FB6] =	sst s9;
	s0 =	simm.s32 @!p0 $0x0  }
0x12: {  	s1 =	sld [smem:$0x3F9C];
	s0 =	simm.s32 @p0 $0x1  }
0x13: {  	[smem:$0x3FB7] =	sst s0;
	s0 =	simm.s32 @!p1 $0x0  }
0x14: {  	s2 =	sld [smem:$0x3F9B];
	s0 =	simm.s32 @p1 $0x1  }
0x15: {  	[smem:$0x3FB8] =	sst s0;
	s0 =	simm.s32 @!p2 $0x0  }
0x16: {  	s3 =	sld [smem:$0x3FDB];
	s0 =	simm.s32 @p2 $0x1  }
0x17: {  	s4 =	simm.s32 $0x1BF5;
	[smem:$0x3FBA] =	sst s0  }
0x18: {  	s0 =	sld [smem:$0x3F9D];
	_ =	swait.ge [sflag:s4], $0x0  }
0x19: {  	s7 =	sld [smem:$0x3F9E]  }
0x1a: {  	s8 =	sadd.s32 $0xFFFFE003, lr  }
0x1b: {  	s9 =	sadd.s32 $0xFFFFFEF7, lr;
	s5 =	simm.s32 $0xFFFFFFFF;
	p2 =	slt.u32 s8, $0xFFFFF086  }
0x1c: {  	p1 =	slt.u32 s9, $0xF7A;
	s5 =	simm.s32 @!p2 $0x0  }
0x1d: {  	s5 =	simm.s32 @p1 $0x1;
	p0 =	seq.s32 s7, s2  }
0x1e: {  	s7 =	smul.u32 @!p0 $0xF7A, s2;
	p2 =	seq.s32 @!p0 s5, $0x0  }
0x1f: {  	s9 =	smul.u32 $0xF7A, s1;
	s8 =	simm.s32 @!p0 $0x1BF5;
	p2 =	por !p2, p0  }
0x20: {  	[sflag:s8] =	ssyncset.s32 @!p0 $0xFFFFF086;
	s6 =	sadd.s32 @!p0 s3, s7;
	s7 =	simm.s32 @!p0 $0x108  }
0x21: {  	s3 =	sadd.s32 s3, s9;
	s6 =	sadd.s32 @!p0 $0x88, s6;
	s7 =	simm.s32 @p2 $0x1082  }
0x22: {  	[simem:s7], [sflag:s8] =	dma.local @!p0 [hbm:s6], $0xF7A  }
0x23: {  	s9 =	sor.u32 $0xD0000000, s2;
	s6 =	simm.s32 $0x108;
	_ =	swait.ge @!p0 [sflag:s8], $0x0  }
0x24: {  	s3 =	sadd.s32 $0x88, s3;
	s6 =	simm.s32 @!p1 $0x1082;
	[sflag:s4] =	ssyncset.s32 $0xFFFFF086  }
0x25: {  	[simem:s6], [sflag:s4] =	dma.local [hbm:s3], $0xF7A  }
0x26: {  	[smem:$0x3F9E] =	sst s1;
	(tag) =	ssettag s2;
	_ =	strace s9  }
0x27: {  	s1 =	sld [smem:$0x3FAE]  }
0x28: {  	s2 =	sld [smem:$0x3FAF]  }
0x29: {  	s4 =	sld [smem:$0x3FB1]  }
0x2a: {  	p0 =	seq.s32 s5, $0x0;
	s5 =	sld [smem:$0x3FB2]  }
0x2b: {  	s6 =	sld [smem:$0x3FB3]  }
0x2c: {  	s7 =	sld [smem:$0x3FB4]  }
0x2d: {  	s3 =	simm.s32 $0x108;
	s8 =	sld [smem:$0x3FB5]  }
0x2e: {  	s3 =	simm.s32 @!p0 $0x1082;
	s9 =	sld [smem:$0x3FB6]  }
0x2f: {  	lr =	sadd.s32 s0, s3;
	s0 =	sld [smem:$0x3FAD]  }
0x30: {  	s3 =	sld [smem:$0x3FB0]  }
0x31: {  	[smem:$0x3FB9] =	sst s10  }
0x32: {  	s10 =	sld [smem:$0x3FB7];
	_ =	sdelay $0x3  }
0x33: {  	p0 =	seq.s32 s10, $0x1;
	s10 =	sld [smem:$0x3FB9];
	_ =	sdelay $0x3  }
0x34: {  	[smem:$0x3FB9] =	sst s10  }
0x35: {  	s10 =	sld [smem:$0x3FB8];
	_ =	sdelay $0x3  }
0x36: {  	p1 =	seq.s32 s10, $0x1;
	s10 =	sld [smem:$0x3FB9];
	_ =	sdelay $0x3  }
0x37: {  	[smem:$0x3FB9] =	sst s10  }
0x38: {  	s10 =	sld [smem:$0x3FBA]  }
0x39: {  	_ = 	snop;
	(pc) =	sbr.ind lr, $3  }
0x3a: {  	_ = 	snop  }
0x3b: {  	_ = 	snop  }
0x3c: {  	p2 =	seq.s32 s10, $0x1;
	s10 =	sld [smem:$0x3FB9]  }
0x3d: {  	_ =	shalt  }
0x3e: {  	_ =	shalt  }
0x3f: {  	_ =	shalt  }
0x40: {  	_ =	shalt  }
0x41: {  	_ =	shalt  }
0x42: {  	_ =	shalt  }
0x43: {  	_ =	shalt  }
0x44: {  	_ =	shalt  }
0x45: {  	_ =	shalt  }
0x46: {  	_ =	shalt  }
0x47: {  	_ =	shalt  }
0x48: {  	_ =	shalt  }
0x49: {  	_ =	shalt  }
0x4a: {  	_ =	shalt  }
0x4b: {  	_ =	shalt  }
0x4c: {  	_ =	shalt  }
0x4d: {  	_ =	shalt  }
0x4e: {  	_ =	shalt  }
0x4f: {  	_ =	shalt  }
0x50: {  	_ =	shalt  }
0x51: {  	_ =	shalt  }
0x52: {  	_ =	shalt  }
0x53: {  	_ =	shalt  }
0x54: {  	_ =	shalt  }
0x55: {  	_ =	shalt  }
0x56: {  	_ =	shalt  }
0x57: {  	_ =	shalt  }
0x58: {  	_ =	shalt  }
0x59: {  	_ =	shalt  }
0x5a: {  	_ =	shalt  }
0x5b: {  	_ =	shalt  }
0x5c: {  	_ =	shalt  }
0x5d: {  	_ =	shalt  }
0x5e: {  	_ =	shalt  }
0x5f: {  	_ =	shalt  }
0x60: {  	_ =	shalt  }
0x61: {  	_ =	shalt  }
0x62: {  	_ =	shalt  }
0x63: {  	_ =	shalt  }
0x64: {  	_ =	shalt  }
0x65: {  	_ =	shalt  }
0x66: {  	_ =	shalt  }
0x67: {  	_ =	shalt  }
0x68: {  	_ =	shalt  }
0x69: {  	_ =	shalt  }
0x6a: {  	_ =	shalt  }
0x6b: {  	_ =	shalt  }
0x6c: {  	_ =	shalt  }
0x6d: {  	_ =	shalt  }
0x6e: {  	_ =	shalt  }
0x6f: {  	_ =	shalt  }
0x70: {  	_ =	shalt  }
0x71: {  	_ =	shalt  }
0x72: {  	_ =	shalt  }
0x73: {  	_ =	shalt  }
0x74: {  	_ =	shalt  }
0x75: {  	_ =	shalt  }
0x76: {  	_ =	shalt  }
0x77: {  	_ =	shalt  }
0x78: {  	_ =	shalt  }
0x79: {  	_ =	shalt  }
0x7a: {  	_ =	shalt  }
0x7b: {  	_ =	shalt  }
0x7c: {  	_ =	shalt  }
0x7d: {  	_ =	shalt  }
0x7e: {  	_ =	shalt  }
0x7f: {  	_ =	shalt  }
0x80: {  	_ =	shalt  }
0x81: {  	_ =	shalt  }
0x82: {  	_ =	shalt  }
0x83: {  	_ =	shalt  }
0x84: {  	_ =	shalt  }
0x85: {  	_ =	shalt  }
0x86: {  	_ =	shalt  }
0x87: {  	_ =	shalt  }
.Lfunc_end0:
.L_simem_size_0:
called_computation.2_lowered:
.L_overlay_start_0:
0x88: {  	s2 =	sld [smem:$0x3FD9]  }
0x89: {  	s3 =	sld [smem:$0x3FFE];
	_ =	sdelay $0x1  }
0x8a: {  	s1 =	srdreg.scid  }
0x8b: {  	s0 =	sand.u32 $0x1, s1  }
0x8c: {  	s17 =	sshll.u32 s0, $0xA;
	s2 =	sadd.s32 s3, s2  }
0x8d: {  	s2 =	sadd.s32 s2, s17  }
0x8e: {  	[smem:$0x3FC5] =	sst s2  }
0x8f: {  	_ = 	snop  }
0x90: {  	(tm) =	ssettm $0x1  }
0x91: {  	s18 =	sld [smem:$0x3FFB];
	_ =	sdelay $0x3  }
0x92: {  	_ =	strace s18  }
0x93: {  	s2 =	sld [smem:$0x3FFC];
	_ =	sdelay $0x3  }
0x94: {  	_ =	strace s2  }
0x95: {  	s2 =	sld [smem:$0x3FFD];
	_ =	sdelay $0x3  }
0x96: {  	_ =	strace s2  }
0x97: {  	_ =	strace $0x8FFFFFFF  }
0x98: {  	s19 =	sld [smem:$0x3FDB];
	_ =	sdelay $0x1  }
0x99: {  	s20 =	simm.s32 $_scs_section_size  }
0x9a: {  	s4 =	simm.s32 $_size__tile_overlayer_lowered;
	s5 =	simm.s32 $_tile_overlayer_lowered  }
0x9b: {  	s6 =	simm.s32 $0x1BFF;
	s21 =	sshll.u32 s5, $0x1;
	s3 =	sadd.s32 s20, s19  }
0x9c: {  	s22 =	simm.s32 $0x0;
	s4 =	sshll.u32 s4, $0x1;
	s5 =	sadd.s32 s21, s3  }
0x9d: {  	[timem:s22], [sflag:s6] =	dma.local [hbm:s5], s4  }
0x9e: {  	_ =	swait.ge [sflag:s6], s4  }
0x9f: {  	s4 =	ssub.s32 $0x0, s4;
	[sflag:s6] =	ssyncset.done $0x0  }
0xa0: {  	[sflag:s6] =	ssyncadd.s32 s4;
	_ =	sdelay $0x1  }
0xa1: {  	s23 =	simm.s32 $0x1B8B  }
0xa2: {  	_ =	swait.ge [sflag:s23], $0x1  }
0xa3: {  	[sflag:s23] =	ssyncset.done $0x0  }
0xa4: {  	[sflag:s23] =	ssyncadd.s32 $0xFFFFFFFF  }
0xa5: {  	s4 =	sld [smem:$0x0]  }
0xa6: {  	s5 =	sand.u32 $0xFFFFFFFE, s1  }
0xa7: {  	p0 =	sne.s32 s1, s5  }
0xa8: {  	s5 =	sshll.u32 @p0 s5, $0xE  }
0xa9: {  	s5 =	sadd.s32 @p0 $0x11B8D, s5;
	s6 =	sshll.u32 @p0 s4, $0x11  }
0xaa: {  	s5 =	sor.u32 @p0 s6, s5  }
0xab: {  	[sflag:s5] =	ssyncadd.remote.s32 @p0 $0x1;
	_ =	sdelay $0x1  }
0xac: {  	s5 =	simm.s32 @p0 $0x1B8D  }
0xad: {  	_ =	swait.eq @p0 [sflag:s5], $0x1  }
0xae: {  	[sflag:s5] =	ssyncadd.s32 @p0 $0xFFFFFFFF  }
0xaf: {  	s6 =	sshll.u32 @!p0 s1, $0xE  }
0xb0: {  	s6 =	sor.u32 @!p0 $0x4000, s6;
	s5 =	simm.s32 @!p0 $0x1B8D  }
0xb1: {  	s4 =	sshll.u32 @!p0 s4, $0x11;
	s6 =	sadd.s32 @!p0 $0x11B8D, s6;
	_ =	swait.eq @!p0 [sflag:s5], $0x1  }
0xb2: {  	s4 =	sor.u32 @!p0 s4, s6;
	[sflag:s5] =	ssyncadd.s32 @!p0 $0xFFFFFFFF  }
0xb3: {  	s25 =	simm.s32 $0x1B8E;
	s24 =	sld [smem:$0x3FFE];
	[sflag:s4] =	ssyncadd.remote.s32 @!p0 $0x1  }
0xb4: {  	s26 =	simm.s32 $execute0_lowered;
	[smem:$0x3FD2] =	sst s25  }
0xb5: {  	s5 =	sshll.u32 s26, $0x1;
	_ =	strace $0x80000049;
	[dreg:$0x1] =	wrdreg $0xFFFFFFFF  }
0xb6: {  	s28 =	simm.s32 $_size_execute0_lowered;
	s3 =	sadd.s32 s3, s5;
	[dreg:$0x0] =	wrdreg $0x0  }
0xb7: {  	s5 =	sshll.u32 s28, $0x1;
	[dreg:$0x2] =	wrdreg s3  }
0xb8: {  	[dreg:$0x3] =	wrdreg s5  }
0xb9: {  	[dreg:$0x4] =	wrdreg $0xC0  }
0xba: {  	_ =	task [dreg:s22], $0x5FFFF  }
0xbb: {  	[dreg:$0x1] =	wrdreg $0xFFFFFFFF  }
0xbc: {  	[dreg:$0x0] =	wrdreg $0x60  }
0xbd: {  	[dreg:$0x2] =	wrdreg s24  }
0xbe: {  	[dreg:$0x3] =	wrdreg $0xB  }
0xbf: {  	_ =	task.clear_ibuf [dreg:s22], $0x4FFFF;
	_ =	strace $0x90000049  }
0xc0: {  	s29 =	simm.s32 $0xB;
	_ =	strace $0x8000004B  }
0xc1: {  	_ =	swait.ge [sflag:s29], $0x1  }
0xc2: {  	[sflag:s29] =	ssyncadd.s32 $0xFFFFFFFF  }
0xc3: {  	_ =	strace $0x9000004B  }
0xc4: {  	_ =	sfence  }
0xc5: {  	s30 =	sld [smem:$0x0];
	_ =	sdelay $0x2  }
0xc6: {  	s31 =	sshll.u32 s1, $0xD;
	s1 =	sshrl.u32 s1, $0x2  }
0xc7: {  	s4 =	sand.u32 $0x4000, s31;
	s1 =	sadd.s32 s1, s30  }
0xc8: {  	s0 =	sor.u32 s4, s0;
	s1 =	sshll.u32 s1, $0x11  }
0xc9: {  	s0 =	sor.u32 s1, s0  }
0xca: {  	s0 =	sadd.s32 $0x8F2B, s0  }
0xcb: {  	[sflag:s0] =	ssyncadd.remote.s32 $0x1  }
0xcc: {  	_ =	sfence.sel $0xFFFF  }
0xcd: {  	[dreg:$0x0] =	wrdreg $0xFFFFFFFF;
	(pc) =	sbr.abs _section_cstart, $3  }
0xce: {  	[dreg:$0x1] =	wrdreg $0xFFFFFFFF  }
0xcf: {  	_ =	task.clear_ibuf [dreg:s22], $0x2FFFF;
	_ =	strace $0x9FFFFFFF  }
0xd0: {  	(tm) =	ssettm $0x7FFFFFFF  }
0xd1: {  	_ =	shalt  }
tec
execute0_lowered:
.L_overlay_start_1:
0x0: {  	(tag) =	ssettag $0x1  }
0x1: {  	s3 =	rddreg [dreg:$0x0];
	v0 =	vimm.s32 $0xE40000  }
0x2: {  	s0 =	rddreg [dreg:$0x1];
	s2 =	simm.s32 $0x0;
	s4 =	srdreg.scid;
	v0 =	vunpack.c.l.s2.s4 v0  }
0x3: {  	s1 =	stileid.u32;
	s8 =	simm.s32 $0x2000;
	s9 =	simm.s32 $0x2400  }
0x4: {  	[smem:$0x7FF] =	sst s2;
	s4 =	sand.u32 $0x1, s4;
	s5 =	sshll.u32 s1, $0x1;
	v1 =	vunpack.c.l.s4.s8 v0  }
0x5: {  	s10 =	simm.s32 $0x0;
	_ =	strace $0x8000004A;
	s5 =	sor.u32 s4, s5  }
0x6: {  	v3 =	vimm.s32 $0x7060504;
	s4 =	ssub.s32 $0x2, s4;
	s6 =	sshll.u32 s5, $0xA;
	s5 =	sshll.u32 s5, $0x7;
	v0 =	vlaneseq.u32;
	v4 =	vunpack.c.0.s8.s32 v1  }
0x7: {  	vm0 =	vcmask $0x3F30;
	v5 =	vunpack.c.0.s8.s32 v3;
	s31 =	sshrl.u32 s4, $0x1;
	s6 =	sadd.s32 s6, s3;
	s5 =	sadd.s32 s5, s3;
	v2 =	vor.u32 $0x20, v0  }
0x8: {  	s7 =	ssub.s32 s4, s31;
	v3 =	vor.u32 $0x30, v0;
	s3 =	sadd.s32 $0xCC00, s6;
	s4 =	sadd.s32 $0x14C00, s5;
	v1 =	vor.u32 $0x10, v0;
	v4 =	vand.u32 $0x3, v4  }
0x9: {  	s5 =	sadd.s32 $0x15C00, s5;
	s6 =	smax.u32 s7, $0x1;
	s7 =	simm.s32 $0x1;
	v4 =	vsel vm0, v5, v4;
	vm0 =	vmmov $0xff;
	v5 =	vimm.s32 $0x0  }
.LBB2_1:
0xa: {  	[tilespmem:s2], [sflag:$0x1] =	stream.linear.gather [hbm4b:s3+s2], $0x2000, $0x38;
	[tilespmem:$0x2800] =	vst v63  }
0xb: {  	_ =	swait.ge [sflag:s7], $0x2000  }
0xc: {  	[sflag:s7] =	ssyncset.done $0x0  }
0xd: {  	s11 =	simm.s32 $0x40;
	[sflag:s7] =	ssyncadd.s32 $0xFFFFE000  }
0xe: {  	v6 =	vld [tilespmem:s11+$0xFFFFFFE0]  }
0xf: {  	v7 =	vld [tilespmem:s11+$0x20]  }
0x10: {  	v8 =	vld [tilespmem:s11+$0x30]  }
0x11: {  	v9 =	vld [tilespmem:s11+$0x10];
	_ =	sdelay $0x1  }
0x12: {  	v10 =	vld [tilespmem:s11+$0xFFFFFFF0];
	(xrf1) =	vsort.dscd.msk.f32 $0xffff, v6, v2  }
0x13: {  	v11 =	vld [tilespmem:s11+$0x0];
	(xrf1) =	vsort.dscd.msk.f32 $0xffff, v7, v2  }
0x14: {  	(xrf1) =	vsort.dscd.msk.f32 $0xffff, v8, v3  }
0x15: {  	v6 =	vld [tilespmem:s11+$0xFFFFFFD0];
	(xrf1) =	vsort.dscd.msk.f32 $0xffff, v9, v1;
	_ =	sdelay $0x1  }
0x16: {  	(xrf1) =	vsort.dscd.msk.f32 $0xffff, v10, v3  }
0x17: {  	v7 =	vld [tilespmem:s11+$0xFFFFFFC0];
	(xrf1) =	vsort.dscd.msk.f32 $0xffff, v11, v0;
	_ =	sdelay $0x1  }
0x18: {  	(xrf1) =	vsort.dscd.msk.f32 $0xffff, v6, v1;
	_ =	sdelay $0x2  }
0x19: {  	(xrf1) =	vsort.dscd.msk.f32 $0xffff, v7, v0;
	_ =	sdelay $0x2  }
0x1a: {  	v6, v7, _ =	vpop (xrf1)  }
0x1b: {  	v8, v48, _ =	vpop (xrf1)  }
0x1c: {  	v49, v50, _ =	vpop (xrf1)  }
0x1d: {  	v10 =	vperm.xlane v49, v4;
	v11 =	vperm.xlane v50, v4;
	v12, v13, _ =	vpop (xrf1)  }
0x1e: {  	v12 =	vperm.xlane v12, v4  }
0x1f: {  	v13 =	vperm.xlane v13, v4;
	v14, v15, _ =	vpop (xrf1);
	v8 =	vsel vm0, v8, v10;
	v9 =	vsel vm0, v48, v11  }
0x20: {  	v51, v52, _ =	vpop (xrf1);
	(xrf1) =	vsort.dscd.msk.f32 $0xffff, v8, v9  }
0x21: {  	v10 =	vsel vm0, v51, v12;
	v54 =	vsel vm0, v52, v13  }
0x22: {  	v14 =	vperm.xlane v14, v4;
	v15 =	vperm.xlane v15, v4;
	v53, v16, _ =	vpop (xrf1);
	(xrf1) =	vsort.dscd.msk.f32 $0xffff, v10, v54  }
0x23: {  	v8 =	vperm.xlane v53, v4  }
0x24: {  	v6 =	vsel vm0, v6, v14;
	v55 =	vperm.xlane v16, v4;
	v7 =	vsel vm0, v7, v15  }
0x25: {  	(xrf1) =	vsort.dscd.msk.f32 $0xffff, v6, v7;
	v9, v10, _ =	vpop (xrf1)  }
0x26: {  	v6 =	vsel vm0, v9, v8;
	v7 =	vsel vm0, v10, v55  }
0x27: {  	(xrf1) =	vsort.dscd.msk.f32 $0xffff, v6, v7;
	_ =	sdelay $0x6  }
0x28: {  	v6, v7, _ =	vpop (xrf1)  }
0x29: {  	v7 =	vperm.xlane v7, v4  }
0x2a: {  	v6 =	vperm.xlane v6, v4;
	v8, v9, _ =	vpop (xrf1)  }
0x2b: {  	v7 =	vsel vm0, v9, v7  }
0x2c: {  	v6 =	vsel vm0, v8, v6  }
0x2d: {  	v8, v56, _ =	vpop (xrf1)  }
0x2e: {  	v8 =	vperm.xlane v8, v4;
	v57 =	vperm.xlane v56, v4  }
0x2f: {  	(xrf1) =	vsort.dscd.msk.f32 $0xffff, v6, v7;
	v6, v7, _ =	vpop (xrf1)  }
0x30: {  	v6 =	vsel vm0, v6, v8;
	v7 =	vsel vm0, v7, v57  }
0x31: {  	(xrf1) =	vsort.dscd.msk.f32 $0xffff, v6, v7;
	_ =	sdelay $0xb  }
0x32: {  	v6, v7, _ =	vpop (xrf1)  }
0x33: {  	v8 =	vperm.xlane v6, v5  }
0x34: {  	v58, v10, _ =	vpop (xrf1)  }
0x35: {  	v6 =	vsub.f32 v6, v8;
	v8 =	vperm.xlane v58, v5;
	_ =	sdelay $0x1  }
0x36: {  	v6 =	vmul.f32 $1.442695020e+00, v6;
	v8 =	vsub.f32 v58, v8;
	_ =	sdelay $0x1  }
0x37: {  	(erf) = vpow2.f32 v6;
	v6 =	vmul.f32 $1.442695020e+00, v8;
	_ =	sdelay $0x1  }
0x38: {  	(erf) = vpow2.f32 v6;
	_ =	sdelay $0x6  }
0x39: {  	v6 =	vpop (erf)  }
0x3a: {  	v6 =	vnsel vm0, $0x0, v6  }
0x3b: {  	(xrf2) =	vadd.scan.msk.f32 $0xffff, v6;
	v8 =	vpop (erf)  }
0x3c: {  	v59 =	vnsel vm0, $0x0, v8  }
0x3d: {  	(xrf2) =	vadd.scan.msk.f32 $0xffff, v59;
	_ =	sdelay $0x7  }
0x3e: {  	v60, _, _ =	vpop (xrf2)  }
0x3f: {  	v9 =	vbroadcast v60, $0xF  }
0x40: {  	v61, _, _ =	vpop (xrf2)  }
0x41: {  	(erf) = vrcp.f32 v9;
	v62 =	vbroadcast v61, $0xF;
	_ =	sdelay $0x1  }
0x42: {  	(erf) = vrcp.f32 v62;
	_ =	sdelay $0x4  }
0x43: {  	v7 =	vperm.xlane v7, v4;
	_ =	sdelay $0x1  }
0x44: {  	v63 =	vpop (erf)  }
0x45: {  	v9 =	vmul.f32 v63, v6  }
0x46: {  	s14 =	simm.s32 $0x0;
	v6 =	vsel vm0, v10, v7;
	v7 =	vpop (erf)  }
0x47: {  	s12 =	simm.s32 $0x40;
	[tilespmem:s14+$0x2400] =	vst v6;
	v6 =	vmul.f32 v7, v8;
	v7 =	vperm.xlane v9, v4  }
.LBB2_2:
0x48: {  	p0 =	sne.s32 s12, $0xFC0  }
0x49: {  	s11 =	sadd.s32 $0x80, s11;
	s13 =	smov.u32 s12;
	s12 =	sadd.s32 $0x40, s12;
	v6 =	vsel vm0, v6, v7  }
0x4a: {  	[tilespmem:s14+$0x2000] =	vst v6  }
0x4b: {  	v6 =	vld [tilespmem:s11+$0xFFFFFFE0]  }
0x4c: {  	v7 =	vld [tilespmem:s11+$0x20]  }
0x4d: {  	v8 =	vld [tilespmem:s11+$0x30]  }
0x4e: {  	v9 =	vld [tilespmem:s11+$0x10]  }
0x4f: {  	v10 =	vld [tilespmem:s11+$0xFFFFFFF0]  }
0x50: {  	v11 =	vld [tilespmem:s11+$0x0];
	(xrf1) =	vsort.dscd.msk.f32 $0xffff, v6, v2  }
0x51: {  	v6 =	vld [tilespmem:s11+$0xFFFFFFD0];
	(xrf1) =	vsort.dscd.msk.f32 $0xffff, v7, v2  }
0x52: {  	(xrf1) =	vsort.dscd.msk.f32 $0xffff, v8, v3  }
0x53: {  	v7 =	vld [tilespmem:s11+$0xFFFFFFC0];
	(xrf1) =	vsort.dscd.msk.f32 $0xffff, v9, v1  }
0x54: {  	(xrf1) =	vsort.dscd.msk.f32 $0xffff, v10, v3  }
0x55: {  	(xrf1) =	vsort.dscd.msk.f32 $0xffff, v11, v0  }
0x56: {  	(xrf1) =	vsort.dscd.msk.f32 $0xffff, v6, v1;
	_ =	sdelay $0x1  }
0x57: {  	(xrf1) =	vsort.dscd.msk.f32 $0xffff, v7, v0;
	_ =	sdelay $0x5  }
0x58: {  	v6, v7, _ =	vpop (xrf1)  }
0x59: {  	v8, v9, _ =	vpop (xrf1)  }
0x5a: {  	v10, v11, _ =	vpop (xrf1)  }
0x5b: {  	v19 =	vperm.xlane v10, v4;
	v20 =	vperm.xlane v11, v4;
	v12, v13, _ =	vpop (xrf1)  }
0x5c: {  	v17 =	vperm.xlane v12, v4;
	v18 =	vperm.xlane v13, v4;
	v14, v15, _ =	vpop (xrf1)  }
0x5d: {  	v14 =	vperm.xlane v14, v4;
	v8 =	vsel vm0, v8, v19;
	v9 =	vsel vm0, v9, v20;
	v10, v11, _ =	vpop (xrf1)  }
0x5e: {  	v15 =	vperm.xlane v15, v4;
	v10 =	vsel vm0, v10, v17;
	v12, v16, _ =	vpop (xrf1);
	(xrf1) =	vsort.dscd.msk.f32 $0xffff, v8, v9  }
0x5f: {  	v9 =	vsel vm0, v11, v18;
	v8 =	vperm.xlane v12, v4;
	v6 =	vsel vm0, v6, v14  }
0x60: {  	v11 =	vperm.xlane v16, v4;
	v7 =	vsel vm0, v7, v15;
	v12, v13, _ =	vpop (xrf1);
	(xrf1) =	vsort.dscd.msk.f32 $0xffff, v10, v9  }
0x61: {  	v8 =	vsel vm0, v12, v8;
	(xrf1) =	vsort.dscd.msk.f32 $0xffff, v6, v7  }
0x62: {  	v6 =	vsel vm0, v13, v11  }
0x63: {  	(xrf1) =	vsort.dscd.msk.f32 $0xffff, v8, v6;
	_ =	sdelay $0x8  }
0x64: {  	v6, v7, _ =	vpop (xrf1)  }
0x65: {  	v6 =	vperm.xlane v6, v4;
	v12 =	vperm.xlane v7, v4  }
0x66: {  	v8, v9, _ =	vpop (xrf1)  }
0x67: {  	v11 =	vsel vm0, v8, v6;
	v10 =	vsel vm0, v9, v12;
	v8, v9, _ =	vpop (xrf1)  }
0x68: {  	v8 =	vperm.xlane v8, v4;
	v9 =	vperm.xlane v9, v4;
	(xrf1) =	vsort.dscd.msk.f32 $0xffff, v11, v10  }
0x69: {  	v6, v7, _ =	vpop (xrf1)  }
0x6a: {  	v6 =	vsel vm0, v6, v8;
	v7 =	vsel vm0, v7, v9  }
0x6b: {  	(xrf1) =	vsort.dscd.msk.f32 $0xffff, v6, v7;
	_ =	sdelay $0xa  }
0x6c: {  	v6, v7, _ =	vpop (xrf1)  }
0x6d: {  	v10 =	vperm.xlane v6, v5  }
0x6e: {  	v7 =	vperm.xlane v7, v4  }
0x6f: {  	v6 =	vsub.f32 v6, v10;
	v8, v9, _ =	vpop (xrf1)  }
0x70: {  	s14 =	sshra.s32 s13, $0x2;
	v10 =	vperm.xlane v8, v5;
	v7 =	vsel vm0, v9, v7  }
0x71: {  	v6 =	vmul.f32 $1.442695020e+00, v6;
	[tilespmem:s14+$0x2400] =	vst v7  }
0x72: {  	v7 =	vsub.f32 v8, v10  }
0x73: {  	(erf) = vpow2.f32 v6  }
0x74: {  	v6 =	vmul.f32 $1.442695020e+00, v7;
	_ =	sdelay $0x1  }
0x75: {  	(erf) = vpow2.f32 v6;
	_ =	sdelay $0x5  }
0x76: {  	v6 =	vpop (erf)  }
0x77: {  	v6 =	vnsel vm0, $0x0, v6  }
0x78: {  	(xrf2) =	vadd.scan.msk.f32 $0xffff, v6  }
0x79: {  	v7 =	vpop (erf)  }
0x7a: {  	v8 =	vnsel vm0, $0x0, v7  }
0x7b: {  	(xrf2) =	vadd.scan.msk.f32 $0xffff, v8;
	_ =	sdelay $0x6  }
0x7c: {  	v8, _, _ =	vpop (xrf2)  }
0x7d: {  	v8 =	vbroadcast v8, $0xF;
	_ =	sdelay $0x1  }
0x7e: {  	v9, _, _ =	vpop (xrf2);
	(erf) = vrcp.f32 v8  }
0x7f: {  	v8 =	vbroadcast v9, $0xF;
	_ =	sdelay $0x1  }
0x80: {  	(erf) = vrcp.f32 v8;
	_ =	sdelay $0x5  }
.Ltmp0:
0x81: {  	v8 =	vpop (erf);
	(pc) =	sbr.rel @p0 .LBB2_2-.Ltmp0, $3  }
0x82: {  	v8 =	vmul.f32 v8, v6;
	_ =	sdelay $0x1  }
0x83: {  	v6 =	vpop (erf)  }
0x84: {  	v6 =	vmul.f32 v6, v7;
	v7 =	vperm.xlane v8, v4  }
0x85: {  	_ = 	snop  }
0x86: {  	v6 =	vsel vm0, v6, v7  }
0x87: {  	[tilespmem:s14+$0x2000] =	vst v6  }
0x88: {  	[hbm4b:s4+s2] =	stream.linear.scatter [tilespmem:s8], [sflag:$0x1], $0x400, $0x38;
	[tilespmem:$0x2800] =	vst v63  }
0x89: {  	s10 =	sadd.s32 $0x1, s10;
	_ =	swait.ge [sflag:s7], $0x400  }
0x8a: {  	p0 =	sne.s32 s10, s6;
	[sflag:s7] =	ssyncset.done $0x0  }
.Ltmp1:
0x8b: {  	[sflag:s7] =	ssyncadd.s32 $0xFFFFFC00;
	(pc) =	sbr.rel @p0 .LBB2_1-.Ltmp1, $4  }
0x8c: {  	[hbm4b:s5+s2] =	stream.linear.scatter [tilespmem:s9], [sflag:$0x1], $0x400, $0x38;
	[tilespmem:$0x2800] =	vst v63  }
0x8d: {  	_ =	swait.ge [sflag:s7], $0x400  }
0x8e: {  	[sflag:s7] =	ssyncset.done $0x0  }
0x8f: {  	[sflag:s7] =	ssyncadd.s32 $0xFFFFFC00  }
0x90: {  	_ =	sfence.sel $0x180000  }
0x91: {  	[bflag:$0x0] =	sbarrier.arrive $0xFFFF  }
0x92: {  	p0 =	sne.s32 s1, $0x0;
	_ =	strace $0x9000004A  }
0x93: {  	s0 =	sadd.s32 @!p0 $0x100000, s0;
	[bflag:$0x2] =	sbarrier.arrive $0xFFFF  }
0x94: {  	[sflag:s0] =	ssyncadd.tile.s32 @!p0 $0x1;
	_ =	shalt  }
.Lfunc_end2:
_tile_overlayer_lowered:
.L_overlay_start_2:
0x95: {  	(tag) =	ssettag $0x2  }
0x96: {  	s0 =	rddreg [dreg:$0x0];
	s2 =	stileid.u32  }
0x97: {  	s1 =	rddreg [dreg:$0x1];
	p0 =	sne.s32 s2, $0x0  }
0x98: {  	s3 =	rddreg [dreg:$0x2];
	[bflag:$0x3] =	sbarrier.arrive $0xFFFF;
	s2 =	simm.s32 @!p0 $0x1C01  }
0x99: {  	[timem:s3], [sflag:s2] =	dma.local @!p0 [hbm:s0], s1  }
0x9a: {  	s0 =	simm.s32 @!p0 $0x1  }
0x9b: {  	_ =	swait.ge @!p0 [sflag:s0], s1  }
0x9c: {  	s1 =	ssub.s32 @!p0 $0x0, s1;
	[sflag:s0] =	ssyncset.done @!p0 $0x0  }
0x9d: {  	[sflag:s0] =	ssyncadd.s32 @!p0 s1  }
0x9e: {  	[bflag:$0x3] =	sbarrier.arrive $0xFFFF  }
0x9f: {  	_ =	shalt  }

// kernel: kernel.19.cloned.1.call-start
scs
__scs_entry_jumppad:
0x0: {  	(pc) =	sbr.rel $0x88, $3  }
0x1: {  	(tag) =	ssettag $0x0;
	lr =	simm.s32 $0x1  }
0x2: {  	[smem:$0x3F9E] =	sst lr;
	_ =	strace $0xD0000000  }
0x3: {  	_ = 	snop  }
0x4: {  	_ = 	snop  }
0x5: {  	_ = 	snop  }
0x6: {  	_ = 	snop  }
0x7: {  	_ = 	snop  }
__scs_overlays_trampoline_lowered:
0x8: {  	[smem:$0x3FAD] =	sst s0  }
0x9: {  	[smem:$0x3FAE] =	sst s1  }
0xa: {  	[smem:$0x3FAF] =	sst s2  }
0xb: {  	[smem:$0x3FB0] =	sst s3  }
0xc: {  	[smem:$0x3FB1] =	sst s4  }
0xd: {  	[smem:$0x3FB2] =	sst s5  }
0xe: {  	[smem:$0x3FB3] =	sst s6  }
0xf: {  	[smem:$0x3FB4] =	sst s7  }
0x10: {  	[smem:$0x3FB5] =	sst s8  }
0x11: {  	[smem:$0x3FB6] =	sst s9;
	s0 =	simm.s32 @!p0 $0x0  }
0x12: {  	s1 =	sld [smem:$0x3F9C];
	s0 =	simm.s32 @p0 $0x1  }
0x13: {  	[smem:$0x3FB7] =	sst s0;
	s0 =	simm.s32 @!p1 $0x0  }
0x14: {  	s2 =	sld [smem:$0x3F9B];
	s0 =	simm.s32 @p1 $0x1  }
0x15: {  	[smem:$0x3FB8] =	sst s0;
	s0 =	simm.s32 @!p2 $0x0  }
0x16: {  	s3 =	sld [smem:$0x3FDB];
	s0 =	simm.s32 @p2 $0x1  }
0x17: {  	s4 =	simm.s32 $0x1BF5;
	[smem:$0x3FBA] =	sst s0  }
0x18: {  	s0 =	sld [smem:$0x3F9D];
	_ =	swait.ge [sflag:s4], $0x0  }
0x19: {  	s7 =	sld [smem:$0x3F9E]  }
0x1a: {  	s8 =	sadd.s32 $0xFFFFE003, lr  }
0x1b: {  	s9 =	sadd.s32 $0xFFFFFEF7, lr;
	s5 =	simm.s32 $0xFFFFFFFF;
	p2 =	slt.u32 s8, $0xFFFFF086  }
0x1c: {  	p1 =	slt.u32 s9, $0xF7A;
	s5 =	simm.s32 @!p2 $0x0  }
0x1d: {  	s5 =	simm.s32 @p1 $0x1;
	p0 =	seq.s32 s7, s2  }
0x1e: {  	s7 =	smul.u32 @!p0 $0xF7A, s2;
	p2 =	seq.s32 @!p0 s5, $0x0  }
0x1f: {  	s9 =	smul.u32 $0xF7A, s1;
	s8 =	simm.s32 @!p0 $0x1BF5;
	p2 =	por !p2, p0  }
0x20: {  	[sflag:s8] =	ssyncset.s32 @!p0 $0xFFFFF086;
	s6 =	sadd.s32 @!p0 s3, s7;
	s7 =	simm.s32 @!p0 $0x108  }
0x21: {  	s3 =	sadd.s32 s3, s9;
	s6 =	sadd.s32 @!p0 $0x88, s6;
	s7 =	simm.s32 @p2 $0x1082  }
0x22: {  	[simem:s7], [sflag:s8] =	dma.local @!p0 [hbm:s6], $0xF7A  }
0x23: {  	s9 =	sor.u32 $0xD0000000, s2;
	s6 =	simm.s32 $0x108;
	_ =	swait.ge @!p0 [sflag:s8], $0x0  }
0x24: {  	s3 =	sadd.s32 $0x88, s3;
	s6 =	simm.s32 @!p1 $0x1082;
	[sflag:s4] =	ssyncset.s32 $0xFFFFF086  }
0x25: {  	[simem:s6], [sflag:s4] =	dma.local [hbm:s3], $0xF7A  }
0x26: {  	[smem:$0x3F9E] =	sst s1;
	(tag) =	ssettag s2;
	_ =	strace s9  }
0x27: {  	s1 =	sld [smem:$0x3FAE]  }
0x28: {  	s2 =	sld [smem:$0x3FAF]  }
0x29: {  	s4 =	sld [smem:$0x3FB1]  }
0x2a: {  	p0 =	seq.s32 s5, $0x0;
	s5 =	sld [smem:$0x3FB2]  }
0x2b: {  	s6 =	sld [smem:$0x3FB3]  }
0x2c: {  	s7 =	sld [smem:$0x3FB4]  }
0x2d: {  	s3 =	simm.s32 $0x108;
	s8 =	sld [smem:$0x3FB5]  }
0x2e: {  	s3 =	simm.s32 @!p0 $0x1082;
	s9 =	sld [smem:$0x3FB6]  }
0x2f: {  	lr =	sadd.s32 s0, s3;
	s0 =	sld [smem:$0x3FAD]  }
0x30: {  	s3 =	sld [smem:$0x3FB0]  }
0x31: {  	[smem:$0x3FB9] =	sst s10  }
0x32: {  	s10 =	sld [smem:$0x3FB7];
	_ =	sdelay $0x3  }
0x33: {  	p0 =	seq.s32 s10, $0x1;
	s10 =	sld [smem:$0x3FB9];
	_ =	sdelay $0x3  }
0x34: {  	[smem:$0x3FB9] =	sst s10  }
0x35: {  	s10 =	sld [smem:$0x3FB8];
	_ =	sdelay $0x3  }
0x36: {  	p1 =	seq.s32 s10, $0x1;
	s10 =	sld [smem:$0x3FB9];
	_ =	sdelay $0x3  }
0x37: {  	[smem:$0x3FB9] =	sst s10  }
0x38: {  	s10 =	sld [smem:$0x3FBA]  }
0x39: {  	_ = 	snop;
	(pc) =	sbr.ind lr, $3  }
0x3a: {  	_ = 	snop  }
0x3b: {  	_ = 	snop  }
0x3c: {  	p2 =	seq.s32 s10, $0x1;
	s10 =	sld [smem:$0x3FB9]  }
0x3d: {  	_ =	shalt  }
0x3e: {  	_ =	shalt  }
0x3f: {  	_ =	shalt  }
0x40: {  	_ =	shalt  }
0x41: {  	_ =	shalt  }
0x42: {  	_ =	shalt  }
0x43: {  	_ =	shalt  }
0x44: {  	_ =	shalt  }
0x45: {  	_ =	shalt  }
0x46: {  	_ =	shalt  }
0x47: {  	_ =	shalt  }
0x48: {  	_ =	shalt  }
0x49: {  	_ =	shalt  }
0x4a: {  	_ =	shalt  }
0x4b: {  	_ =	shalt  }
0x4c: {  	_ =	shalt  }
0x4d: {  	_ =	shalt  }
0x4e: {  	_ =	shalt  }
0x4f: {  	_ =	shalt  }
0x50: {  	_ =	shalt  }
0x51: {  	_ =	shalt  }
0x52: {  	_ =	shalt  }
0x53: {  	_ =	shalt  }
0x54: {  	_ =	shalt  }
0x55: {  	_ =	shalt  }
0x56: {  	_ =	shalt  }
0x57: {  	_ =	shalt  }
0x58: {  	_ =	shalt  }
0x59: {  	_ =	shalt  }
0x5a: {  	_ =	shalt  }
0x5b: {  	_ =	shalt  }
0x5c: {  	_ =	shalt  }
0x5d: {  	_ =	shalt  }
0x5e: {  	_ =	shalt  }
0x5f: {  	_ =	shalt  }
0x60: {  	_ =	shalt  }
0x61: {  	_ =	shalt  }
0x62: {  	_ =	shalt  }
0x63: {  	_ =	shalt  }
0x64: {  	_ =	shalt  }
0x65: {  	_ =	shalt  }
0x66: {  	_ =	shalt  }
0x67: {  	_ =	shalt  }
0x68: {  	_ =	shalt  }
0x69: {  	_ =	shalt  }
0x6a: {  	_ =	shalt  }
0x6b: {  	_ =	shalt  }
0x6c: {  	_ =	shalt  }
0x6d: {  	_ =	shalt  }
0x6e: {  	_ =	shalt  }
0x6f: {  	_ =	shalt  }
0x70: {  	_ =	shalt  }
0x71: {  	_ =	shalt  }
0x72: {  	_ =	shalt  }
0x73: {  	_ =	shalt  }
0x74: {  	_ =	shalt  }
0x75: {  	_ =	shalt  }
0x76: {  	_ =	shalt  }
0x77: {  	_ =	shalt  }
0x78: {  	_ =	shalt  }
0x79: {  	_ =	shalt  }
0x7a: {  	_ =	shalt  }
0x7b: {  	_ =	shalt  }
0x7c: {  	_ =	shalt  }
0x7d: {  	_ =	shalt  }
0x7e: {  	_ =	shalt  }
0x7f: {  	_ =	shalt  }
0x80: {  	_ =	shalt  }
0x81: {  	_ =	shalt  }
0x82: {  	_ =	shalt  }
0x83: {  	_ =	shalt  }
0x84: {  	_ =	shalt  }
0x85: {  	_ =	shalt  }
0x86: {  	_ =	shalt  }
0x87: {  	_ =	shalt  }
.Lfunc_end0:
.L_simem_size_0:
called_computation.3_lowered:
.L_overlay_start_0:
0x88: {  	s2 =	sld [smem:$0x3FD9]  }
0x89: {  	s3 =	sld [smem:$0x3FFE];
	_ =	sdelay $0x1  }
0x8a: {  	s1 =	srdreg.scid  }
0x8b: {  	s0 =	sand.u32 $0x1, s1  }
0x8c: {  	s16 =	sshll.u32 s0, $0xA;
	s2 =	sadd.s32 s3, s2  }
0x8d: {  	s2 =	sadd.s32 s2, s16  }
0x8e: {  	[smem:$0x3FC5] =	sst s2  }
0x8f: {  	_ = 	snop  }
0x90: {  	(tm) =	ssettm $0x1  }
0x91: {  	s17 =	sld [smem:$0x3FFB];
	_ =	sdelay $0x3  }
0x92: {  	_ =	strace s17  }
0x93: {  	s2 =	sld [smem:$0x3FFC];
	_ =	sdelay $0x3  }
0x94: {  	_ =	strace s2  }
0x95: {  	s2 =	sld [smem:$0x3FFD];
	_ =	sdelay $0x3  }
0x96: {  	_ =	strace s2  }
0x97: {  	_ =	strace $0x8FFFFFFF  }
0x98: {  	s18 =	sld [smem:$0x3FDB];
	_ =	sdelay $0x1  }
0x99: {  	s19 =	simm.s32 $_scs_section_size  }
0x9a: {  	s4 =	simm.s32 $_size__tile_overlayer_lowered;
	s5 =	simm.s32 $_tile_overlayer_lowered  }
0x9b: {  	s22 =	simm.s32 $0x1BFF;
	s21 =	sshll.u32 s5, $0x1;
	s2 =	sadd.s32 s19, s18  }
0x9c: {  	s6 =	simm.s32 $0x0;
	s20 =	sshll.u32 s4, $0x1;
	s4 =	sadd.s32 s21, s2  }
0x9d: {  	[timem:s6], [sflag:s22] =	dma.local [hbm:s4], s20  }
0x9e: {  	_ =	swait.ge [sflag:s22], s20  }
0x9f: {  	s3 =	ssub.s32 $0x0, s20;
	[sflag:s22] =	ssyncset.done $0x0  }
0xa0: {  	[sflag:s22] =	ssyncadd.s32 s3;
	_ =	sdelay $0x1  }
0xa1: {  	s23 =	simm.s32 $0x1B8B  }
0xa2: {  	_ =	swait.ge [sflag:s23], $0x1  }
0xa3: {  	[sflag:s23] =	ssyncset.done $0x0  }
0xa4: {  	s25 =	simm.s32 $0x1B8E;
	s24 =	sld [smem:$0x3FFE];
	[sflag:s23] =	ssyncadd.s32 $0xFFFFFFFF  }
0xa5: {  	s26 =	simm.s32 $execute0_lowered;
	[smem:$0x3FD2] =	sst s25  }
0xa6: {  	s4 =	sshll.u32 s26, $0x1;
	_ =	strace $0x80000046;
	[dreg:$0x1] =	wrdreg $0xFFFFFFFF  }
0xa7: {  	s28 =	simm.s32 $_size_execute0_lowered;
	s2 =	sadd.s32 s2, s4;
	[dreg:$0x0] =	wrdreg $0x0  }
0xa8: {  	s4 =	sshll.u32 s28, $0x1;
	[dreg:$0x2] =	wrdreg s2  }
0xa9: {  	[dreg:$0x3] =	wrdreg s4  }
0xaa: {  	[dreg:$0x4] =	wrdreg $0xC0  }
0xab: {  	_ =	task [dreg:s6], $0x5FFFF  }
0xac: {  	[dreg:$0x1] =	wrdreg $0xFFFFFFFF  }
0xad: {  	[dreg:$0x0] =	wrdreg $0x60  }
0xae: {  	[dreg:$0x2] =	wrdreg s24  }
0xaf: {  	[dreg:$0x3] =	wrdreg $0xC  }
0xb0: {  	_ =	task.clear_ibuf [dreg:s6], $0x4FFFF;
	_ =	strace $0x90000046  }
0xb1: {  	s29 =	simm.s32 $0xC;
	_ =	strace $0x80000048  }
0xb2: {  	_ =	swait.ge [sflag:s29], $0x1  }
0xb3: {  	[sflag:s29] =	ssyncadd.s32 $0xFFFFFFFF  }
0xb4: {  	_ =	strace $0x90000048  }
0xb5: {  	_ =	sfence  }
0xb6: {  	s30 =	sld [smem:$0x0];
	_ =	sdelay $0x2  }
0xb7: {  	s31 =	sshll.u32 s1, $0xD;
	s1 =	sshrl.u32 s1, $0x2  }
0xb8: {  	s3 =	sand.u32 $0x4000, s31;
	s1 =	sadd.s32 s1, s30  }
0xb9: {  	s0 =	sor.u32 s3, s0;
	s1 =	sshll.u32 s1, $0x11  }
0xba: {  	s0 =	sor.u32 s1, s0  }
0xbb: {  	s0 =	sadd.s32 $0x8F2B, s0  }
0xbc: {  	[sflag:s0] =	ssyncadd.remote.s32 $0x1  }
0xbd: {  	_ =	sfence.sel $0xFFFF  }
0xbe: {  	[dreg:$0x0] =	wrdreg $0xFFFFFFFF;
	(pc) =	sbr.abs _section_cstart, $3  }
0xbf: {  	[dreg:$0x1] =	wrdreg $0xFFFFFFFF  }
0xc0: {  	_ =	task.clear_ibuf [dreg:s6], $0x2FFFF;
	_ =	strace $0x9FFFFFFF  }
0xc1: {  	(tm) =	ssettm $0x7FFFFFFF  }
tec
execute0_lowered:
.L_overlay_start_1:
0x0: {  	(tag) =	ssettag $0x1  }
0x1: {  	s3 =	rddreg [dreg:$0x0];
	v0 =	vimm.s32 $0xE40000  }
0x2: {  	s0 =	rddreg [dreg:$0x1];
	s2 =	simm.s32 $0x0;
	s4 =	srdreg.scid;
	v0 =	vunpack.c.l.s2.s4 v0  }
0x3: {  	s1 =	stileid.u32;
	s8 =	simm.s32 $0x2000;
	s9 =	simm.s32 $0x2400  }
0x4: {  	[smem:$0x7FF] =	sst s2;
	s4 =	sand.u32 $0x1, s4;
	s5 =	sshll.u32 s1, $0x1;
	v1 =	vunpack.c.l.s4.s8 v0  }
0x5: {  	s10 =	simm.s32 $0x0;
	_ =	strace $0x80000047;
	s5 =	sor.u32 s4, s5  }
0x6: {  	v3 =	vimm.s32 $0x7060504;
	s4 =	ssub.s32 $0x2, s4;
	s6 =	sshll.u32 s5, $0xA;
	s5 =	sshll.u32 s5, $0x7;
	v0 =	vlaneseq.u32;
	v4 =	vunpack.c.0.s8.s32 v1  }
0x7: {  	vm0 =	vcmask $0x3F30;
	v5 =	vunpack.c.0.s8.s32 v3;
	s31 =	sshrl.u32 s4, $0x1;
	s6 =	sadd.s32 s6, s3;
	s5 =	sadd.s32 s5, s3;
	v2 =	vor.u32 $0x20, v0  }
0x8: {  	s7 =	ssub.s32 s4, s31;
	v3 =	vor.u32 $0x30, v0;
	s3 =	sadd.s32 $0x2C00, s6;
	s4 =	sadd.s32 $0xAC00, s5;
	v1 =	vor.u32 $0x10, v0;
	v4 =	vand.u32 $0x3, v4  }
0x9: {  	s5 =	sadd.s32 $0xBC00, s5;
	s6 =	smax.u32 s7, $0x1;
	s7 =	simm.s32 $0x1;
	v4 =	vsel vm0, v5, v4;
	vm0 =	vmmov $0xff;
	v5 =	vimm.s32 $0x0  }
.LBB2_1:
0xa: {  	[tilespmem:s2], [sflag:$0x1] =	stream.linear.gather [hbm4b:s3+s2], $0x2000, $0x38;
	[tilespmem:$0x2800] =	vst v63  }
0xb: {  	_ =	swait.ge [sflag:s7], $0x2000  }
0xc: {  	[sflag:s7] =	ssyncset.done $0x0  }
0xd: {  	s11 =	simm.s32 $0x40;
	[sflag:s7] =	ssyncadd.s32 $0xFFFFE000  }
0xe: {  	v6 =	vld [tilespmem:s11+$0xFFFFFFE0]  }
0xf: {  	v7 =	vld [tilespmem:s11+$0x20]  }
0x10: {  	v8 =	vld [tilespmem:s11+$0x30]  }
0x11: {  	v9 =	vld [tilespmem:s11+$0x10];
	_ =	sdelay $0x1  }
0x12: {  	v10 =	vld [tilespmem:s11+$0xFFFFFFF0];
	(xrf1) =	vsort.dscd.msk.f32 $0xffff, v6, v2  }
0x13: {  	v11 =	vld [tilespmem:s11+$0x0];
	(xrf1) =	vsort.dscd.msk.f32 $0xffff, v7, v2  }
0x14: {  	(xrf1) =	vsort.dscd.msk.f32 $0xffff, v8, v3  }
0x15: {  	v6 =	vld [tilespmem:s11+$0xFFFFFFD0];
	(xrf1) =	vsort.dscd.msk.f32 $0xffff, v9, v1;
	_ =	sdelay $0x1  }
0x16: {  	(xrf1) =	vsort.dscd.msk.f32 $0xffff, v10, v3  }
0x17: {  	v7 =	vld [tilespmem:s11+$0xFFFFFFC0];
	(xrf1) =	vsort.dscd.msk.f32 $0xffff, v11, v0;
	_ =	sdelay $0x1  }
0x18: {  	(xrf1) =	vsort.dscd.msk.f32 $0xffff, v6, v1;
	_ =	sdelay $0x2  }
0x19: {  	(xrf1) =	vsort.dscd.msk.f32 $0xffff, v7, v0;
	_ =	sdelay $0x2  }
0x1a: {  	v6, v7, _ =	vpop (xrf1)  }
0x1b: {  	v8, v48, _ =	vpop (xrf1)  }
0x1c: {  	v49, v50, _ =	vpop (xrf1)  }
0x1d: {  	v10 =	vperm.xlane v49, v4;
	v11 =	vperm.xlane v50, v4;
	v12, v13, _ =	vpop (xrf1)  }
0x1e: {  	v12 =	vperm.xlane v12, v4  }
0x1f: {  	v13 =	vperm.xlane v13, v4;
	v14, v15, _ =	vpop (xrf1);
	v8 =	vsel vm0, v8, v10;
	v9 =	vsel vm0, v48, v11  }
0x20: {  	v51, v52, _ =	vpop (xrf1);
	(xrf1) =	vsort.dscd.msk.f32 $0xffff, v8, v9  }
0x21: {  	v10 =	vsel vm0, v51, v12;
	v54 =	vsel vm0, v52, v13  }
0x22: {  	v14 =	vperm.xlane v14, v4;
	v15 =	vperm.xlane v15, v4;
	v53, v16, _ =	vpop (xrf1);
	(xrf1) =	vsort.dscd.msk.f32 $0xffff, v10, v54  }
0x23: {  	v8 =	vperm.xlane v53, v4  }
0x24: {  	v6 =	vsel vm0, v6, v14;
	v55 =	vperm.xlane v16, v4;
	v7 =	vsel vm0, v7, v15  }
0x25: {  	(xrf1) =	vsort.dscd.msk.f32 $0xffff, v6, v7;
	v9, v10, _ =	vpop (xrf1)  }
0x26: {  	v6 =	vsel vm0, v9, v8;
	v7 =	vsel vm0, v10, v55  }
0x27: {  	(xrf1) =	vsort.dscd.msk.f32 $0xffff, v6, v7;
	_ =	sdelay $0x6  }
0x28: {  	v6, v7, _ =	vpop (xrf1)  }
0x29: {  	v7 =	vperm.xlane v7, v4  }
0x2a: {  	v6 =	vperm.xlane v6, v4;
	v8, v9, _ =	vpop (xrf1)  }
0x2b: {  	v7 =	vsel vm0, v9, v7  }
0x2c: {  	v6 =	vsel vm0, v8, v6  }
0x2d: {  	v8, v56, _ =	vpop (xrf1)  }
0x2e: {  	v8 =	vperm.xlane v8, v4;
	v57 =	vperm.xlane v56, v4  }
0x2f: {  	(xrf1) =	vsort.dscd.msk.f32 $0xffff, v6, v7;
	v6, v7, _ =	vpop (xrf1)  }
0x30: {  	v6 =	vsel vm0, v6, v8;
	v7 =	vsel vm0, v7, v57  }
0x31: {  	(xrf1) =	vsort.dscd.msk.f32 $0xffff, v6, v7;
	_ =	sdelay $0xb  }
0x32: {  	v6, v7, _ =	vpop (xrf1)  }
0x33: {  	v8 =	vperm.xlane v6, v5  }
0x34: {  	v58, v10, _ =	vpop (xrf1)  }
0x35: {  	v6 =	vsub.f32 v6, v8;
	v8 =	vperm.xlane v58, v5;
	_ =	sdelay $0x1  }
0x36: {  	v6 =	vmul.f32 $1.442695020e+00, v6;
	v8 =	vsub.f32 v58, v8;
	_ =	sdelay $0x1  }
0x37: {  	(erf) = vpow2.f32 v6;
	v6 =	vmul.f32 $1.442695020e+00, v8;
	_ =	sdelay $0x1  }
0x38: {  	(erf) = vpow2.f32 v6;
	_ =	sdelay $0x6  }
0x39: {  	v6 =	vpop (erf)  }
0x3a: {  	v6 =	vnsel vm0, $0x0, v6  }
0x3b: {  	(xrf2) =	vadd.scan.msk.f32 $0xffff, v6;
	v8 =	vpop (erf)  }
0x3c: {  	v59 =	vnsel vm0, $0x0, v8  }
0x3d: {  	(xrf2) =	vadd.scan.msk.f32 $0xffff, v59;
	_ =	sdelay $0x7  }
0x3e: {  	v60, _, _ =	vpop (xrf2)  }
0x3f: {  	v9 =	vbroadcast v60, $0xF  }
0x40: {  	v61, _, _ =	vpop (xrf2)  }
0x41: {  	(erf) = vrcp.f32 v9;
	v62 =	vbroadcast v61, $0xF;
	_ =	sdelay $0x1  }
0x42: {  	(erf) = vrcp.f32 v62;
	_ =	sdelay $0x4  }
0x43: {  	v7 =	vperm.xlane v7, v4;
	_ =	sdelay $0x1  }
0x44: {  	v63 =	vpop (erf)  }
0x45: {  	v9 =	vmul.f32 v63, v6  }
0x46: {  	s14 =	simm.s32 $0x0;
	v6 =	vsel vm0, v10, v7;
	v7 =	vpop (erf)  }
0x47: {  	s12 =	simm.s32 $0x40;
	[tilespmem:s14+$0x2400] =	vst v6;
	v6 =	vmul.f32 v7, v8;
	v7 =	vperm.xlane v9, v4  }
.LBB2_2:
0x48: {  	p0 =	sne.s32 s12, $0xFC0  }
0x49: {  	s11 =	sadd.s32 $0x80, s11;
	s13 =	smov.u32 s12;
	s12 =	sadd.s32 $0x40, s12;
	v6 =	vsel vm0, v6, v7  }
0x4a: {  	[tilespmem:s14+$0x2000] =	vst v6  }
0x4b: {  	v6 =	vld [tilespmem:s11+$0xFFFFFFE0]  }
0x4c: {  	v7 =	vld [tilespmem:s11+$0x20]  }
0x4d: {  	v8 =	vld [tilespmem:s11+$0x30]  }
0x4e: {  	v9 =	vld [tilespmem:s11+$0x10]  }
0x4f: {  	v10 =	vld [tilespmem:s11+$0xFFFFFFF0]  }
0x50: {  	v11 =	vld [tilespmem:s11+$0x0];
	(xrf1) =	vsort.dscd.msk.f32 $0xffff, v6, v2  }
0x51: {  	v6 =	vld [tilespmem:s11+$0xFFFFFFD0];
	(xrf1) =	vsort.dscd.msk.f32 $0xffff, v7, v2  }
0x52: {  	(xrf1) =	vsort.dscd.msk.f32 $0xffff, v8, v3  }
0x53: {  	v7 =	vld [tilespmem:s11+$0xFFFFFFC0];
	(xrf1) =	vsort.dscd.msk.f32 $0xffff, v9, v1  }
0x54: {  	(xrf1) =	vsort.dscd.msk.f32 $0xffff, v10, v3  }
0x55: {  	(xrf1) =	vsort.dscd.msk.f32 $0xffff, v11, v0  }
0x56: {  	(xrf1) =	vsort.dscd.msk.f32 $0xffff, v6, v1;
	_ =	sdelay $0x1  }
0x57: {  	(xrf1) =	vsort.dscd.msk.f32 $0xffff, v7, v0;
	_ =	sdelay $0x5  }
0x58: {  	v6, v7, _ =	vpop (xrf1)  }
0x59: {  	v8, v9, _ =	vpop (xrf1)  }
0x5a: {  	v10, v11, _ =	vpop (xrf1)  }
0x5b: {  	v19 =	vperm.xlane v10, v4;
	v20 =	vperm.xlane v11, v4;
	v12, v13, _ =	vpop (xrf1)  }
0x5c: {  	v17 =	vperm.xlane v12, v4;
	v18 =	vperm.xlane v13, v4;
	v14, v15, _ =	vpop (xrf1)  }
0x5d: {  	v14 =	vperm.xlane v14, v4;
	v8 =	vsel vm0, v8, v19;
	v9 =	vsel vm0, v9, v20;
	v10, v11, _ =	vpop (xrf1)  }
0x5e: {  	v15 =	vperm.xlane v15, v4;
	v10 =	vsel vm0, v10, v17;
	v12, v16, _ =	vpop (xrf1);
	(xrf1) =	vsort.dscd.msk.f32 $0xffff, v8, v9  }
0x5f: {  	v9 =	vsel vm0, v11, v18;
	v8 =	vperm.xlane v12, v4;
	v6 =	vsel vm0, v6, v14  }
0x60: {  	v11 =	vperm.xlane v16, v4;
	v7 =	vsel vm0, v7, v15;
	v12, v13, _ =	vpop (xrf1);
	(xrf1) =	vsort.dscd.msk.f32 $0xffff, v10, v9  }
0x61: {  	v8 =	vsel vm0, v12, v8;
	(xrf1) =	vsort.dscd.msk.f32 $0xffff, v6, v7  }
0x62: {  	v6 =	vsel vm0, v13, v11  }
0x63: {  	(xrf1) =	vsort.dscd.msk.f32 $0xffff, v8, v6;
	_ =	sdelay $0x8  }
0x64: {  	v6, v7, _ =	vpop (xrf1)  }
0x65: {  	v6 =	vperm.xlane v6, v4;
	v12 =	vperm.xlane v7, v4  }
0x66: {  	v8, v9, _ =	vpop (xrf1)  }
0x67: {  	v11 =	vsel vm0, v8, v6;
	v10 =	vsel vm0, v9, v12;
	v8, v9, _ =	vpop (xrf1)  }
0x68: {  	v8 =	vperm.xlane v8, v4;
	v9 =	vperm.xlane v9, v4;
	(xrf1) =	vsort.dscd.msk.f32 $0xffff, v11, v10  }
0x69: {  	v6, v7, _ =	vpop (xrf1)  }
0x6a: {  	v6 =	vsel vm0, v6, v8;
	v7 =	vsel vm0, v7, v9  }
0x6b: {  	(xrf1) =	vsort.dscd.msk.f32 $0xffff, v6, v7;
	_ =	sdelay $0xa  }
0x6c: {  	v6, v7, _ =	vpop (xrf1)  }
0x6d: {  	v10 =	vperm.xlane v6, v5  }
0x6e: {  	v7 =	vperm.xlane v7, v4  }
0x6f: {  	v6 =	vsub.f32 v6, v10;
	v8, v9, _ =	vpop (xrf1)  }
0x70: {  	s14 =	sshra.s32 s13, $0x2;
	v10 =	vperm.xlane v8, v5;
	v7 =	vsel vm0, v9, v7  }
0x71: {  	v6 =	vmul.f32 $1.442695020e+00, v6;
	[tilespmem:s14+$0x2400] =	vst v7  }
0x72: {  	v7 =	vsub.f32 v8, v10  }
0x73: {  	(erf) = vpow2.f32 v6  }
0x74: {  	v6 =	vmul.f32 $1.442695020e+00, v7;
	_ =	sdelay $0x1  }
0x75: {  	(erf) = vpow2.f32 v6;
	_ =	sdelay $0x5  }
0x76: {  	v6 =	vpop (erf)  }
0x77: {  	v6 =	vnsel vm0, $0x0, v6  }
0x78: {  	(xrf2) =	vadd.scan.msk.f32 $0xffff, v6  }
0x79: {  	v7 =	vpop (erf)  }
0x7a: {  	v8 =	vnsel vm0, $0x0, v7  }
0x7b: {  	(xrf2) =	vadd.scan.msk.f32 $0xffff, v8;
	_ =	sdelay $0x6  }
0x7c: {  	v8, _, _ =	vpop (xrf2)  }
0x7d: {  	v8 =	vbroadcast v8, $0xF;
	_ =	sdelay $0x1  }
0x7e: {  	v9, _, _ =	vpop (xrf2);
	(erf) = vrcp.f32 v8  }
0x7f: {  	v8 =	vbroadcast v9, $0xF;
	_ =	sdelay $0x1  }
0x80: {  	(erf) = vrcp.f32 v8;
	_ =	sdelay $0x5  }
.Ltmp0:
0x81: {  	v8 =	vpop (erf);
	(pc) =	sbr.rel @p0 .LBB2_2-.Ltmp0, $3  }
0x82: {  	v8 =	vmul.f32 v8, v6;
	_ =	sdelay $0x1  }
0x83: {  	v6 =	vpop (erf)  }
0x84: {  	v6 =	vmul.f32 v6, v7;
	v7 =	vperm.xlane v8, v4  }
0x85: {  	_ = 	snop  }
0x86: {  	v6 =	vsel vm0, v6, v7  }
0x87: {  	[tilespmem:s14+$0x2000] =	vst v6  }
0x88: {  	[hbm4b:s4+s2] =	stream.linear.scatter [tilespmem:s8], [sflag:$0x1], $0x400, $0x38;
	[tilespmem:$0x2800] =	vst v63  }
0x89: {  	s10 =	sadd.s32 $0x1, s10;
	_ =	swait.ge [sflag:s7], $0x400  }
0x8a: {  	p0 =	sne.s32 s10, s6;
	[sflag:s7] =	ssyncset.done $0x0  }
.Ltmp1:
0x8b: {  	[sflag:s7] =	ssyncadd.s32 $0xFFFFFC00;
	(pc) =	sbr.rel @p0 .LBB2_1-.Ltmp1, $4  }
0x8c: {  	[hbm4b:s5+s2] =	stream.linear.scatter [tilespmem:s9], [sflag:$0x1], $0x400, $0x38;
	[tilespmem:$0x2800] =	vst v63  }
0x8d: {  	_ =	swait.ge [sflag:s7], $0x400  }
0x8e: {  	[sflag:s7] =	ssyncset.done $0x0  }
0x8f: {  	[sflag:s7] =	ssyncadd.s32 $0xFFFFFC00  }
0x90: {  	_ =	sfence.sel $0x180000  }
0x91: {  	[bflag:$0x0] =	sbarrier.arrive $0xFFFF  }
0x92: {  	p0 =	sne.s32 s1, $0x0;
	_ =	strace $0x90000047  }
0x93: {  	s0 =	sadd.s32 @!p0 $0x100000, s0;
	[bflag:$0x2] =	sbarrier.arrive $0xFFFF  }
0x94: {  	[sflag:s0] =	ssyncadd.tile.s32 @!p0 $0x1;
	_ =	shalt  }
.Lfunc_end2:
_tile_overlayer_lowered:
.L_overlay_start_2:
0x95: {  	(tag) =	ssettag $0x2  }
0x96: {  	s0 =	rddreg [dreg:$0x0];
	s2 =	stileid.u32  }
0x97: {  	s1 =	rddreg [dreg:$0x1];
	p0 =	sne.s32 s2, $0x0  }
0x98: {  	s3 =	rddreg [dreg:$0x2];
	[bflag:$0x3] =	sbarrier.arrive $0xFFFF;
	s2 =	simm.s32 @!p0 $0x1C01  }
0x99: {  	[timem:s3], [sflag:s2] =	dma.local @!p0 [hbm:s0], s1  }
0x9a: {  	s0 =	simm.s32 @!p0 $0x1  }
0x9b: {  	_ =	swait.ge @!p0 [sflag:s0], s1  }
0x9c: {  	s1 =	ssub.s32 @!p0 $0x0, s1;
	[sflag:s0] =	ssyncset.done @!p0 $0x0  }
0x9d: {  	[sflag:s0] =	ssyncadd.s32 @!p0 s1  }
0x9e: {  	[bflag:$0x3] =	sbarrier.arrive $0xFFFF  }
0x9f: {  	_ =	shalt  }

</sc_bundles>
